<compile_context>
chip_gen: v7x
topology: tpu7x:2x2x1
jax: 0.10.2.dev20260603
libtpu: 0.0.44.dev20260713+nightly
codegen_flags: <defaults>
</compile_context>

<pallas_src>
import functools

import jax
import jax.numpy as jnp
from jax import lax
from jax.experimental import pallas as pl
from jax.experimental.pallas import tpu as pltpu
from jax.experimental.pallas import tpu_sc as plsc

N = 10000
M = 320000
D = 32
DA = 64
NC = 2
NS = 16
NW = NC * NS
CH = 128
NCH = 80
PT = NCH * CH
NBUF = 8
TRASH = 240
ROWS = N + TRASH
RPT = ROWS // NS
RB = 2000
GRID = N // RB

_mesh = plsc.VectorSubcoreMesh(core_axis_name="c", subcore_axis_name="s")


@functools.partial(
    pl.kernel,
    out_type=(
        jax.ShapeDtypeStruct((NC, N, D), jnp.float32),
        jax.ShapeDtypeStruct((NC, N, 16), jnp.float32),
    ),
    mesh=_mesh,
    scratch_types=[
        pltpu.VMEM((NCH, CH), jnp.int32),
        pltpu.VMEM((NCH, CH), jnp.int32),
        [pltpu.VMEM((CH, D), jnp.float32)] * NBUF,
        [pltpu.SemaphoreType.DMA] * NBUF,
        pltpu.SemaphoreType.DMA,
        pltpu.SemaphoreType.DMA,
        pltpu.VMEM((CH, 16), jnp.float32),
        pltpu.VMEM((CH, 16), jnp.float32),
        pltpu.VMEM((CH, D), jnp.float32),
        pltpu.VMEM((CH, 16), jnp.float32),
        pltpu.VMEM_SHARED((ROWS, D), jnp.float32),
        pltpu.VMEM_SHARED((ROWS, 16), jnp.float32),
    ],
    compiler_params=pltpu.CompilerParams(use_tc_tiling_on_sc=False),
)
def _sc_stage_a(src_hbm, gidx_hbm, sidx_hbm, acc_out, cnt_out,
                gidx_v, sidx_v, rows_v, gsem, csemE, csemN,
                eones_v, nones_v, zrow_v, zcnt_v, acc_sp, cnt_sp):
    c = lax.axis_index("c")
    s = lax.axis_index("s")
    wid = c * NS + s

    zf = jnp.zeros((16,), jnp.float32)
    lane = lax.iota(jnp.int32, 16)
    e_pat = jnp.where(lane < 8, 1.0, 0.0).astype(jnp.float32)
    n_pat = jnp.where(lane < 8, 0.0, 1.0).astype(jnp.float32)

    @pl.loop(0, CH)
    def _(r):
        zrow_v[r, pl.ds(0, 16)] = zf
        zrow_v[r, pl.ds(16, 16)] = zf
        zcnt_v[r, pl.ds(0, 16)] = zf
        eones_v[r, pl.ds(0, 16)] = e_pat
        nones_v[r, pl.ds(0, 16)] = n_pat

    @pl.loop(0, RPT // CH)
    def _(k):
        base = s * RPT + k * CH
        pltpu.sync_copy(zrow_v, acc_sp.at[pl.ds(base, CH)])
        pltpu.sync_copy(zcnt_v, cnt_sp.at[pl.ds(base, CH)])

    sbase = pl.multiple_of(jnp.minimum(s * RPT, N - RPT), 16)
    pltpu.sync_copy(gidx_hbm.at[wid], gidx_v)
    pltpu.sync_copy(sidx_hbm.at[wid], sidx_v)
    for b in range(NBUF):
        pltpu.async_copy(src_hbm.at[gidx_v.at[b]], rows_v[b], gsem[b])
    plsc.subcore_barrier()

    @pl.loop(0, NCH, step=NBUF)
    def _(j):
        for b in range(NBUF):
            pltpu.make_async_copy(src_hbm.at[gidx_v.at[j + b]], rows_v[b],
                                  gsem[b]).wait()
            pltpu.sync_copy(rows_v[b], acc_sp.at[sidx_v.at[j + b]], add=True)
            pltpu.async_copy(eones_v, cnt_sp.at[sidx_v.at[j + b]], csemE,
                             add=True)
            pltpu.async_copy(nones_v, cnt_sp.at[gidx_v.at[j + b]], csemN,
                             add=True)

            @pl.when(j + NBUF + b < NCH)
            def _():
                pltpu.async_copy(src_hbm.at[gidx_v.at[j + NBUF + b]],
                                 rows_v[b], gsem[b])

    @pl.loop(0, NCH)
    def _(j):
        pltpu.make_async_copy(eones_v, cnt_sp.at[sidx_v.at[0]], csemE).wait()
        pltpu.make_async_copy(nones_v, cnt_sp.at[gidx_v.at[0]], csemN).wait()

    plsc.subcore_barrier()
    pltpu.sync_copy(acc_sp.at[pl.ds(sbase, RPT)],
                    acc_out.at[c, pl.ds(sbase, RPT)])
    pltpu.sync_copy(cnt_sp.at[pl.ds(sbase, RPT)],
                    cnt_out.at[c, pl.ds(sbase, RPT)])


@functools.partial(
    pl.kernel,
    out_type=jax.ShapeDtypeStruct((NC, N, D), jnp.float32),
    mesh=_mesh,
    scratch_types=[
        pltpu.VMEM((NCH, CH), jnp.int32),
        pltpu.VMEM((NCH, CH), jnp.int32),
        [pltpu.VMEM((CH, D), jnp.float32)] * NBUF,
        [pltpu.SemaphoreType.DMA] * NBUF,
        pltpu.VMEM((CH, D), jnp.float32),
        pltpu.VMEM_SHARED((ROWS, D), jnp.float32),
    ],
    compiler_params=pltpu.CompilerParams(use_tc_tiling_on_sc=False),
)
def _sc_stage_b(src_hbm, gidx_hbm, sidx_hbm, acc_out,
                gidx_v, sidx_v, rows_v, gsem, zrow_v, acc_sp):
    c = lax.axis_index("c")
    s = lax.axis_index("s")
    wid = c * NS + s

    zf = jnp.zeros((16,), jnp.float32)

    @pl.loop(0, CH)
    def _(r):
        zrow_v[r, pl.ds(0, 16)] = zf
        zrow_v[r, pl.ds(16, 16)] = zf

    @pl.loop(0, RPT // CH)
    def _(k):
        pltpu.sync_copy(zrow_v, acc_sp.at[pl.ds(s * RPT + k * CH, CH)])

    sbase = pl.multiple_of(jnp.minimum(s * RPT, N - RPT), 16)
    pltpu.sync_copy(gidx_hbm.at[wid], gidx_v)
    pltpu.sync_copy(sidx_hbm.at[wid], sidx_v)
    for b in range(NBUF):
        pltpu.async_copy(src_hbm.at[gidx_v.at[b]], rows_v[b], gsem[b])
    plsc.subcore_barrier()

    @pl.loop(0, NCH, step=NBUF)
    def _(j):
        for b in range(NBUF):
            pltpu.make_async_copy(src_hbm.at[gidx_v.at[j + b]], rows_v[b],
                                  gsem[b]).wait()
            pltpu.sync_copy(rows_v[b], acc_sp.at[sidx_v.at[j + b]], add=True)

            @pl.when(j + NBUF + b < NCH)
            def _():
                pltpu.async_copy(src_hbm.at[gidx_v.at[j + NBUF + b]],
                                 rows_v[b], gsem[b])

    plsc.subcore_barrier()
    pltpu.sync_copy(acc_sp.at[pl.ds(sbase, RPT)],
                    acc_out.at[c, pl.ds(sbase, RPT)])


def _dot(a, b):
    return lax.dot_general(a, b, (((1,), (0,)), ((), ())),
                           preferred_element_type=jnp.float32)


def _xform_body(x_ref, w_ref, o_ref):
    o_ref[...] = _dot(x_ref[...], w_ref[...])


def _mid_body(p_ref, c_ref, o_ref):
    psum = p_ref[0] + p_ref[1]
    cnt = c_ref[0, :, 0:1] + c_ref[1, :, 0:1]
    inv = jnp.where(cnt > 0.0, 1.0 / cnt, 0.0)
    o_ref[...] = psum * inv


def _fin_body(p_ref, c_ref, bhg_ref, w1_ref, wfc_ref, bfc_ref, o_ref):
    psum = p_ref[0] + p_ref[1]
    cnt = c_ref[0, :, 8:9] + c_ref[1, :, 8:9]
    inv = jnp.where(cnt > 0.0, 1.0 / cnt, 0.0)
    h = jnp.maximum(psum * inv + bhg_ref[...], 0.0)
    h2 = jnp.maximum(_dot(h, w1_ref[...]), 0.0)
    o_ref[...] = _dot(h2, wfc_ref[...]) + bfc_ref[0, 0]


def kernel(x, hyperedge_index, W_hg, b_hg, W1, a1, a2, W_fc, b_fc):
    pad = N + jnp.arange(NW * PT - M, dtype=jnp.int32) % TRASH
    pNE = jnp.concatenate([hyperedge_index,
                           jnp.broadcast_to(pad, (2, pad.shape[0]))],
                          axis=1).reshape(2, NW, NCH, CH)
    pN = pNE[0]
    pE = pNE[1]

    xt = pl.pallas_call(
        _xform_body,
        grid=(GRID,),
        in_specs=[pl.BlockSpec((ROWS // GRID, 128), lambda i: (i, 0)),
                  pl.BlockSpec((128, D), lambda i: (0, 0))],
        out_specs=pl.BlockSpec((ROWS // GRID, D), lambda i: (i, 0)),
        out_shape=jax.ShapeDtypeStruct((ROWS, D), jnp.float32),
    )(x, W_hg)

    pe, ce = _sc_stage_a(xt, pN, pE)

    out_e = pl.pallas_call(
        _mid_body,
        grid=(1,),
        in_specs=[pl.BlockSpec((NC, ROWS, D), lambda i: (0, 0, 0)),
                  pl.BlockSpec((NC, ROWS, 16), lambda i: (0, 0, 0))],
        out_specs=pl.BlockSpec((ROWS, D), lambda i: (0, 0)),
        out_shape=jax.ShapeDtypeStruct((ROWS, D), jnp.float32),
    )(pe, ce)

    pn = _sc_stage_b(out_e, pE, pN)

    y = pl.pallas_call(
        _fin_body,
        grid=(GRID,),
        in_specs=[pl.BlockSpec((NC, RB, D), lambda i: (0, i, 0)),
                  pl.BlockSpec((NC, RB, 16), lambda i: (0, i, 0)),
                  pl.BlockSpec((1, D), lambda i: (0, 0)),
                  pl.BlockSpec((D, DA), lambda i: (0, 0)),
                  pl.BlockSpec((DA, 1), lambda i: (0, 0)),
                  pl.BlockSpec((1, 1), lambda i: (0, 0))],
        out_specs=pl.BlockSpec((RB, 1), lambda i: (i, 0)),
        out_shape=jax.ShapeDtypeStruct((N, 1), jnp.float32),
    )(pn, ce, b_hg.reshape(1, D), W1, W_fc.reshape(DA, 1),
      b_fc.reshape(1, 1))
    return y

# --- scband reference (transcript-rebuilt; emitter-appended) ---
"""Pipeline reference for scband-hypergraph-attention-network-77077483094551 (READ-ONLY COPY).

The authoritative reference and input builder live on the scoring server;
editing this copy changes nothing except your own understanding.
"""

import jax, jax.numpy as jnp
import numpy as np

N_NODES = 10000
N_INC = 320000
N_HEDGES = 10000
D_IN = 128
D_HID = 32
ATTN_OUT = 64


def setup_inputs(seed: int = 0):
    key = jax.random.key(seed)
    ks = jax.random.split(key, 9)
    inp = {}
    inp["x"] = jax.random.normal(ks[0], (N_NODES, D_IN), dtype=jnp.float32)
    inp["hyperedge_index"] = jax.random.randint(ks[1], (2, N_INC), 0, N_NODES, dtype=jnp.int32)
    inp["W_hg"] = jax.random.normal(ks[2], (D_IN, D_HID), dtype=jnp.float32) * (1.0 / np.sqrt(D_IN))
    inp["b_hg"] = jnp.zeros((D_HID,), dtype=jnp.float32)
    inp["W1"] = jax.random.normal(ks[3], (D_HID, ATTN_OUT), dtype=jnp.float32) * (1.0 / np.sqrt(D_HID))
    inp["a1"] = jax.random.normal(ks[4], (ATTN_OUT,), dtype=jnp.float32) * 0.1
    inp["a2"] = jax.random.normal(ks[5], (ATTN_OUT,), dtype=jnp.float32) * 0.1
    inp["W_fc"] = jax.random.normal(ks[6], (ATTN_OUT, 1), dtype=jnp.float32) * (1.0 / np.sqrt(ATTN_OUT))
    inp["b_fc"] = jnp.zeros((1,), dtype=jnp.float32)
    return inp


def _hypergraph_conv(x, hyperedge_index, W, b):
    # PyG-style HypergraphConv (use_attention=False): out = D^-1 H B H^T (X Theta) + b
    num_nodes = x.shape[0]
    num_edges = N_HEDGES
    xt = x @ W
    node_idx = hyperedge_index[0]
    edge_idx = hyperedge_index[1]
    hw = jnp.ones((num_edges,), dtype=x.dtype)  # hyperedge_weight
    D = jax.ops.segment_sum(hw[edge_idx], node_idx, num_segments=num_nodes)
    Dinv = jnp.where(D > 0, 1.0 / D, 0.0)
    Bdeg = jax.ops.segment_sum(jnp.ones((node_idx.shape[0],), dtype=x.dtype), edge_idx, num_segments=num_edges)
    Binv = jnp.where(Bdeg > 0, 1.0 / Bdeg, 0.0)
    # node -> hyperedge with norm B
    m1 = Binv[edge_idx][:, None] * xt[node_idx]
    out_e = jax.ops.segment_sum(m1, edge_idx, num_segments=num_edges)
    # hyperedge -> node with norm D
    m2 = Dinv[node_idx][:, None] * out_e[edge_idx]
    out = jax.ops.segment_sum(m2, node_idx, num_segments=num_nodes)
    return out + b


def _attn_head(h, W1, a1, a2):
    # GAT-style attention head over per-node sequence of length 1: h [N, 1, D_HID]
    seq_fts = jnp.einsum('nlc,co->nlo', h, W1)          # [N, 1, ATTN_OUT]
    f1 = seq_fts @ a1[:, None]                           # [N, 1, 1]
    f2 = seq_fts @ a2[:, None]                           # [N, 1, 1]
    logits = f1 + jnp.transpose(f2, (0, 2, 1))           # [N, 1, 1]
    coefs = jax.nn.softmax(jax.nn.leaky_relu(logits, 0.01), axis=-1)
    ret = jnp.matmul(coefs, seq_fts)                     # [N, 1, ATTN_OUT]
    return jax.nn.relu(ret)


def reference(x, hyperedge_index, W_hg, b_hg, W1, a1, a2, W_fc, b_fc):
    h = jax.nn.relu(_hypergraph_conv(x, hyperedge_index, W_hg, b_hg))
    h = h[:, None, :]
    h = _attn_head(h, W1, a1, a2)
    out = jnp.matmul(h, W_fc) + b_fc                     # [N, 1, 1]
    return jnp.squeeze(out, axis=2)                      # [N, 1]

if __name__ == "__main__":
    import jax
    _d = setup_inputs()
    print(jax.jit(kernel)(*tuple(_d.values())))

</pallas_src>

<mosaic_0001>
#map = affine_map<(d0, d1) -> (0, 0)>
#map1 = affine_map<(d0, d1) -> (0, 0, 0)>
module attributes {stable_mosaic.version = 14 : i64} {
  func.func @_sc_stage_a(%arg0: i32, %arg1: i32, %arg2: memref<10240x32xf32, #tpu.memory_space<hbm>>, %arg3: memref<32x80x128xi32, #tpu.memory_space<hbm>>, %arg4: memref<32x80x128xi32, #tpu.memory_space<hbm>>, %arg5: memref<2x10000x32xf32, #tpu.memory_space<hbm>>, %arg6: memref<2x10000x16xf32, #tpu.memory_space<hbm>>, %arg7: memref<80x128xi32, #tpu.memory_space<vmem>>, %arg8: memref<80x128xi32, #tpu.memory_space<vmem>>, %arg9: memref<128x32xf32, #tpu.memory_space<vmem>>, %arg10: memref<128x32xf32, #tpu.memory_space<vmem>>, %arg11: memref<128x32xf32, #tpu.memory_space<vmem>>, %arg12: memref<128x32xf32, #tpu.memory_space<vmem>>, %arg13: memref<128x32xf32, #tpu.memory_space<vmem>>, %arg14: memref<128x32xf32, #tpu.memory_space<vmem>>, %arg15: memref<128x32xf32, #tpu.memory_space<vmem>>, %arg16: memref<128x32xf32, #tpu.memory_space<vmem>>, %arg17: memref<!tpu.dma_semaphore, #tpu.memory_space<semaphore_mem>>, %arg18: memref<!tpu.dma_semaphore, #tpu.memory_space<semaphore_mem>>, %arg19: memref<!tpu.dma_semaphore, #tpu.memory_space<semaphore_mem>>, %arg20: memref<!tpu.dma_semaphore, #tpu.memory_space<semaphore_mem>>, %arg21: memref<!tpu.dma_semaphore, #tpu.memory_space<semaphore_mem>>, %arg22: memref<!tpu.dma_semaphore, #tpu.memory_space<semaphore_mem>>, %arg23: memref<!tpu.dma_semaphore, #tpu.memory_space<semaphore_mem>>, %arg24: memref<!tpu.dma_semaphore, #tpu.memory_space<semaphore_mem>>, %arg25: memref<!tpu.dma_semaphore, #tpu.memory_space<semaphore_mem>>, %arg26: memref<!tpu.dma_semaphore, #tpu.memory_space<semaphore_mem>>, %arg27: memref<128x16xf32, #tpu.memory_space<vmem>>, %arg28: memref<128x16xf32, #tpu.memory_space<vmem>>, %arg29: memref<128x32xf32, #tpu.memory_space<vmem>>, %arg30: memref<128x16xf32, #tpu.memory_space<vmem>>, %arg31: memref<10240x32xf32, #tpu.memory_space<vmem_shared>>, %arg32: memref<10240x16xf32, #tpu.memory_space<vmem_shared>>) attributes {dimension_semantics = [#tpu.dimension_semantics<core_parallel>, #tpu.dimension_semantics<subcore_parallel>], iteration_bounds = array<i64: 2, 16>, scalar_prefetch = 0 : i64, scratch_operands = 26 : i64, tpu.core_type = #tpu.core_type<sc_vector_subcore>, window_params = [{transform_indices = #map}, {transform_indices = #map1}, {transform_indices = #map1}, {transform_indices = #map1}, {transform_indices = #map1}]} {
    %mul3A = arith.constant 16 : i32
    %mul3A_0 = arith.muli %arg0, %mul3A : i32
    %add3A = arith.addi %mul3A_0, %arg1 : i32
    %broadcast_in_dim3A = arith.constant 0.000000e+00 : f32
    %broadcast_in_dim3A_1 = vector.broadcast %broadcast_in_dim3A : f32 to vector<16xf32>
    %iota3A = tpu.iota {dimensions = array<i32: 0>} : vector<16xi32>
    %lt3A = arith.constant 8 : i32
    %lt3A_2 = vector.broadcast %lt3A : i32 to vector<16xi32>
    %lt3A_3 = arith.cmpi slt, %iota3A, %lt3A_2 : vector<16xi32>
    %jit3A = arith.constant 1.000000e+00 : f32
    %jit3A_4 = arith.constant 0.000000e+00 : f32
    %broadcast_in_dim3A_5 = vector.broadcast %jit3A : f32 to vector<16xf32>
    %broadcast_in_dim3A_6 = vector.broadcast %jit3A_4 : f32 to vector<16xf32>
    %select_n3A = arith.select %lt3A_3, %broadcast_in_dim3A_5, %broadcast_in_dim3A_6 : vector<16xi1>, vector<16xf32>
    %lt3A_7 = arith.constant 8 : i32
    %lt3A_8 = vector.broadcast %lt3A_7 : i32 to vector<16xi32>
    %lt3A_9 = arith.cmpi slt, %iota3A, %lt3A_8 : vector<16xi32>
    %jit3A_10 = arith.constant 0.000000e+00 : f32
    %jit3A_11 = arith.constant 1.000000e+00 : f32
    %broadcast_in_dim3A_12 = vector.broadcast %jit3A_10 : f32 to vector<16xf32>
    %broadcast_in_dim3A_13 = vector.broadcast %jit3A_11 : f32 to vector<16xf32>
    %select_n3A_14 = arith.select %lt3A_9, %broadcast_in_dim3A_12, %broadcast_in_dim3A_13 : vector<16xi1>, vector<16xf32>
    %scan3A = arith.constant 0 : i32
    %scan3A_15 = arith.constant 128 : i32
    %scan3A_16 = arith.addi %scan3A, %scan3A_15 : i32
    %scan3A_17 = arith.constant 1 : i32
    scf.for %scan3A_93 = %scan3A to %scan3A_16 step %scan3A_17  : i32 {
      %mul3A_94 = arith.constant 1 : i32
      %mul3A_95 = arith.muli %scan3A_93, %mul3A_94 : i32
      %add3A_96 = arith.constant 0 : i32
      %add3A_97 = arith.addi %add3A_96, %mul3A_95 : i32
      %swap3A = arith.index_cast %add3A_97 : i32 to index
      %swap3A_98 = arith.constant 0 : index
      %swap3A_99 = tpu.vector_load %arg29[%swap3A, %swap3A_98] {strides = array<i32>} : memref<128x32xf32, #tpu.memory_space<vmem>>, vector<1x16xf32>,
      %swap3A_100 = vector.shape_cast %swap3A_99 : vector<1x16xf32> to vector<16xf32>
      %swap3A_101 = vector.shape_cast %broadcast_in_dim3A_1 : vector<16xf32> to vector<1x16xf32>
      tpu.vector_store %arg29[%swap3A, %swap3A_98], %swap3A_101 {strides = array<i32>} : memref<128x32xf32, #tpu.memory_space<vmem>>, vector<1x16xf32>,
      %swap3A_102 = arith.index_cast %add3A_97 : i32 to index
      %swap3A_103 = arith.constant 16 : index
      %swap3A_104 = tpu.vector_load %arg29[%swap3A_102, %swap3A_103] {strides = array<i32>} : memref<128x32xf32, #tpu.memory_space<vmem>>, vector<1x16xf32>,
      %swap3A_105 = vector.shape_cast %swap3A_104 : vector<1x16xf32> to vector<16xf32>
      %swap3A_106 = vector.shape_cast %broadcast_in_dim3A_1 : vector<16xf32> to vector<1x16xf32>
      tpu.vector_store %arg29[%swap3A_102, %swap3A_103], %swap3A_106 {strides = array<i32>} : memref<128x32xf32, #tpu.memory_space<vmem>>, vector<1x16xf32>,
      %swap3A_107 = arith.index_cast %add3A_97 : i32 to index
      %swap3A_108 = arith.constant 0 : index
      %swap3A_109 = tpu.vector_load %arg30[%swap3A_107, %swap3A_108] {strides = array<i32>} : memref<128x16xf32, #tpu.memory_space<vmem>>, vector<1x16xf32>,
      %swap3A_110 = vector.shape_cast %swap3A_109 : vector<1x16xf32> to vector<16xf32>
      %swap3A_111 = vector.shape_cast %broadcast_in_dim3A_1 : vector<16xf32> to vector<1x16xf32>
      tpu.vector_store %arg30[%swap3A_107, %swap3A_108], %swap3A_111 {strides = array<i32>} : memref<128x16xf32, #tpu.memory_space<vmem>>, vector<1x16xf32>,
      %swap3A_112 = arith.index_cast %add3A_97 : i32 to index
      %swap3A_113 = arith.constant 0 : index
      %swap3A_114 = tpu.vector_load %arg27[%swap3A_112, %swap3A_113] {strides = array<i32>} : memref<128x16xf32, #tpu.memory_space<vmem>>, vector<1x16xf32>,
      %swap3A_115 = vector.shape_cast %swap3A_114 : vector<1x16xf32> to vector<16xf32>
      %swap3A_116 = vector.shape_cast %select_n3A : vector<16xf32> to vector<1x16xf32>
      tpu.vector_store %arg27[%swap3A_112, %swap3A_113], %swap3A_116 {strides = array<i32>} : memref<128x16xf32, #tpu.memory_space<vmem>>, vector<1x16xf32>,
      %swap3A_117 = arith.index_cast %add3A_97 : i32 to index
      %swap3A_118 = arith.constant 0 : index
      %swap3A_119 = tpu.vector_load %arg28[%swap3A_117, %swap3A_118] {strides = array<i32>} : memref<128x16xf32, #tpu.memory_space<vmem>>, vector<1x16xf32>,
      %swap3A_120 = vector.shape_cast %swap3A_119 : vector<1x16xf32> to vector<16xf32>
      %swap3A_121 = vector.shape_cast %select_n3A_14 : vector<16xf32> to vector<1x16xf32>
      tpu.vector_store %arg28[%swap3A_117, %swap3A_118], %swap3A_121 {strides = array<i32>} : memref<128x16xf32, #tpu.memory_space<vmem>>, vector<1x16xf32>,
    }
    %scan3A_18 = arith.constant 128 : i32
    %scan3A_19 = arith.constant 0 : i32
    %scan3A_20 = arith.constant 5 : i32
    %scan3A_21 = arith.addi %scan3A_19, %scan3A_20 : i32
    %scan3A_22 = arith.constant 1 : i32
    scf.for %scan3A_93 = %scan3A_19 to %scan3A_21 step %scan3A_22  : i32 {
      %mul3A_94 = arith.constant 1 : i32
      %mul3A_95 = arith.muli %scan3A_93, %mul3A_94 : i32
      %add3A_96 = arith.constant 0 : i32
      %add3A_97 = arith.addi %add3A_96, %mul3A_95 : i32
      %mul3A_98 = arith.constant 640 : i32
      %mul3A_99 = arith.muli %arg1, %mul3A_98 : i32
      %mul3A_100 = arith.constant 128 : i32
      %mul3A_101 = arith.muli %add3A_97, %mul3A_100 : i32
      %add3A_102 = arith.addi %mul3A_99, %mul3A_101 : i32
      "tpu.region"() ({
        %run_scoped3A = tpu.sem_alloc : memref<!tpu.dma_semaphore, #tpu.memory_space<semaphore_mem>>
        %dma_start3A_103 = arith.constant 0 : i32
        %dma_start3A_104 = tpu.memref_slice %arg31[%add3A_102, %dma_start3A_103] : memref<10240x32xf32, #tpu.memory_space<vmem_shared>> -> memref<128x32xf32, #tpu.memory_space<vmem_shared>>
        %dma_start3A_105 = arith.constant 0 : i32
        %dma_start3A_106 = tpu.memref_slice %arg31[%add3A_102, %dma_start3A_105] : memref<10240x32xf32, #tpu.memory_space<vmem_shared>> -> memref<128x32xf32, #tpu.memory_space<vmem_shared>>
        tpu.enqueue_dma source(%arg29 : memref<128x32xf32, #tpu.memory_space<vmem>>) target(%dma_start3A_106 : memref<128x32xf32, #tpu.memory_space<vmem_shared>>) target_semaphore(%run_scoped3A : memref<!tpu.dma_semaphore, #tpu.memory_space<semaphore_mem>>)
        %dma_wait3A = arith.constant 0 : i32
        %dma_wait3A_107 = tpu.memref_slice %arg31[%add3A_102, %dma_wait3A] : memref<10240x32xf32, #tpu.memory_space<vmem_shared>> -> memref<128x32xf32, #tpu.memory_space<vmem_shared>>
        %dma_wait3A_108 = arith.constant 0 : i32
        %dma_wait3A_109 = tpu.memref_slice %arg31[%add3A_102, %dma_wait3A_108] : memref<10240x32xf32, #tpu.memory_space<vmem_shared>> -> memref<128x32xf32, #tpu.memory_space<vmem_shared>>
        tpu.wait_dma2 semaphore(%run_scoped3A : memref<!tpu.dma_semaphore, #tpu.memory_space<semaphore_mem>>) src(%arg29 : memref<128x32xf32, #tpu.memory_space<vmem>>) dst(%dma_wait3A_109 : memref<128x32xf32, #tpu.memory_space<vmem_shared>>)
        tpu.yield
      }) : () -> ()
      "tpu.region"() ({
        %run_scoped3A = tpu.sem_alloc : memref<!tpu.dma_semaphore, #tpu.memory_space<semaphore_mem>>
        %dma_start3A_103 = arith.constant 0 : i32
        %dma_start3A_104 = tpu.memref_slice %arg32[%add3A_102, %dma_start3A_103] : memref<10240x16xf32, #tpu.memory_space<vmem_shared>> -> memref<128x16xf32, #tpu.memory_space<vmem_shared>>
        %dma_start3A_105 = arith.constant 0 : i32
        %dma_start3A_106 = tpu.memref_slice %arg32[%add3A_102, %dma_start3A_105] : memref<10240x16xf32, #tpu.memory_space<vmem_shared>> -> memref<128x16xf32, #tpu.memory_space<vmem_shared>>
        tpu.enqueue_dma source(%arg30 : memref<128x16xf32, #tpu.memory_space<vmem>>) target(%dma_start3A_106 : memref<128x16xf32, #tpu.memory_space<vmem_shared>>) target_semaphore(%run_scoped3A : memref<!tpu.dma_semaphore, #tpu.memory_space<semaphore_mem>>)
        %dma_wait3A = arith.constant 0 : i32
        %dma_wait3A_107 = tpu.memref_slice %arg32[%add3A_102, %dma_wait3A] : memref<10240x16xf32, #tpu.memory_space<vmem_shared>> -> memref<128x16xf32, #tpu.memory_space<vmem_shared>>
        %dma_wait3A_108 = arith.constant 0 : i32
        %dma_wait3A_109 = tpu.memref_slice %arg32[%add3A_102, %dma_wait3A_108] : memref<10240x16xf32, #tpu.memory_space<vmem_shared>> -> memref<128x16xf32, #tpu.memory_space<vmem_shared>>
        tpu.wait_dma2 semaphore(%run_scoped3A : memref<!tpu.dma_semaphore, #tpu.memory_space<semaphore_mem>>) src(%arg30 : memref<128x16xf32, #tpu.memory_space<vmem>>) dst(%dma_wait3A_109 : memref<128x16xf32, #tpu.memory_space<vmem_shared>>)
        tpu.yield
      }) : () -> ()
    }
    %scan3A_23 = arith.constant 5 : i32
    %mul3A_24 = arith.constant 640 : i32
    %mul3A_25 = arith.muli %arg1, %mul3A_24 : i32
    %min3A = arith.constant 9360 : i32
    %min3A_26 = arith.minsi %mul3A_25, %min3A : i32
    %multiple_of3A = tpu.assume_multiple %min3A_26, 16 : i32
    "tpu.region"() ({
      %run_scoped3A = tpu.sem_alloc : memref<!tpu.dma_semaphore, #tpu.memory_space<semaphore_mem>>
      %dma_start3A_93 = arith.constant 0 : i32
      %dma_start3A_94 = arith.constant 0 : i32
      %dma_start3A_95 = tpu.memref_slice %arg3[%add3A, %dma_start3A_93, %dma_start3A_94] : memref<32x80x128xi32, #tpu.memory_space<hbm>> -> memref<1x80x128xi32, #tpu.memory_space<hbm>>
      %dma_start3A_96 = tpu.memref_squeeze %dma_start3A_95 : memref<1x80x128xi32, #tpu.memory_space<hbm>> -> memref<80x128xi32, #tpu.memory_space<hbm>>
      %dma_start3A_97 = arith.constant 0 : i32
      %dma_start3A_98 = arith.constant 0 : i32
      %dma_start3A_99 = tpu.memref_slice %arg3[%add3A, %dma_start3A_97, %dma_start3A_98] : memref<32x80x128xi32, #tpu.memory_space<hbm>> -> memref<1x80x128xi32, #tpu.memory_space<hbm>>
      %dma_start3A_100 = tpu.memref_squeeze %dma_start3A_99 : memref<1x80x128xi32, #tpu.memory_space<hbm>> -> memref<80x128xi32, #tpu.memory_space<hbm>>
      tpu.enqueue_dma source(%dma_start3A_100 : memref<80x128xi32, #tpu.memory_space<hbm>>) target(%arg7 : memref<80x128xi32, #tpu.memory_space<vmem>>) target_semaphore(%run_scoped3A : memref<!tpu.dma_semaphore, #tpu.memory_space<semaphore_mem>>)
      %dma_wait3A = arith.constant 0 : i32
      %dma_wait3A_101 = arith.constant 0 : i32
      %dma_wait3A_102 = tpu.memref_slice %arg3[%add3A, %dma_wait3A, %dma_wait3A_101] : memref<32x80x128xi32, #tpu.memory_space<hbm>> -> memref<1x80x128xi32, #tpu.memory_space<hbm>>
      %dma_wait3A_103 = tpu.memref_squeeze %dma_wait3A_102 : memref<1x80x128xi32, #tpu.memory_space<hbm>> -> memref<80x128xi32, #tpu.memory_space<hbm>>
      %dma_wait3A_104 = arith.constant 0 : i32
      %dma_wait3A_105 = arith.constant 0 : i32
      %dma_wait3A_106 = tpu.memref_slice %arg3[%add3A, %dma_wait3A_104, %dma_wait3A_105] : memref<32x80x128xi32, #tpu.memory_space<hbm>> -> memref<1x80x128xi32, #tpu.memory_space<hbm>>
      %dma_wait3A_107 = tpu.memref_squeeze %dma_wait3A_106 : memref<1x80x128xi32, #tpu.memory_space<hbm>> -> memref<80x128xi32, #tpu.memory_space<hbm>>
      tpu.wait_dma2 semaphore(%run_scoped3A : memref<!tpu.dma_semaphore, #tpu.memory_space<semaphore_mem>>) src(%dma_wait3A_107 : memref<80x128xi32, #tpu.memory_space<hbm>>) dst(%arg7 : memref<80x128xi32, #tpu.memory_space<vmem>>)
      tpu.yield
    }) : () -> ()
    "tpu.region"() ({
      %run_scoped3A = tpu.sem_alloc : memref<!tpu.dma_semaphore, #tpu.memory_space<semaphore_mem>>
      %dma_start3A_93 = arith.constant 0 : i32
      %dma_start3A_94 = arith.constant 0 : i32
      %dma_start3A_95 = tpu.memref_slice %arg4[%add3A, %dma_start3A_93, %dma_start3A_94] : memref<32x80x128xi32, #tpu.memory_space<hbm>> -> memref<1x80x128xi32, #tpu.memory_space<hbm>>
      %dma_start3A_96 = tpu.memref_squeeze %dma_start3A_95 : memref<1x80x128xi32, #tpu.memory_space<hbm>> -> memref<80x128xi32, #tpu.memory_space<hbm>>
      %dma_start3A_97 = arith.constant 0 : i32
      %dma_start3A_98 = arith.constant 0 : i32
      %dma_start3A_99 = tpu.memref_slice %arg4[%add3A, %dma_start3A_97, %dma_start3A_98] : memref<32x80x128xi32, #tpu.memory_space<hbm>> -> memref<1x80x128xi32, #tpu.memory_space<hbm>>
      %dma_start3A_100 = tpu.memref_squeeze %dma_start3A_99 : memref<1x80x128xi32, #tpu.memory_space<hbm>> -> memref<80x128xi32, #tpu.memory_space<hbm>>
      tpu.enqueue_dma source(%dma_start3A_100 : memref<80x128xi32, #tpu.memory_space<hbm>>) target(%arg8 : memref<80x128xi32, #tpu.memory_space<vmem>>) target_semaphore(%run_scoped3A : memref<!tpu.dma_semaphore, #tpu.memory_space<semaphore_mem>>)
      %dma_wait3A = arith.constant 0 : i32
      %dma_wait3A_101 = arith.constant 0 : i32
      %dma_wait3A_102 = tpu.memref_slice %arg4[%add3A, %dma_wait3A, %dma_wait3A_101] : memref<32x80x128xi32, #tpu.memory_space<hbm>> -> memref<1x80x128xi32, #tpu.memory_space<hbm>>
      %dma_wait3A_103 = tpu.memref_squeeze %dma_wait3A_102 : memref<1x80x128xi32, #tpu.memory_space<hbm>> -> memref<80x128xi32, #tpu.memory_space<hbm>>
      %dma_wait3A_104 = arith.constant 0 : i32
      %dma_wait3A_105 = arith.constant 0 : i32
      %dma_wait3A_106 = tpu.memref_slice %arg4[%add3A, %dma_wait3A_104, %dma_wait3A_105] : memref<32x80x128xi32, #tpu.memory_space<hbm>> -> memref<1x80x128xi32, #tpu.memory_space<hbm>>
      %dma_wait3A_107 = tpu.memref_squeeze %dma_wait3A_106 : memref<1x80x128xi32, #tpu.memory_space<hbm>> -> memref<80x128xi32, #tpu.memory_space<hbm>>
      tpu.wait_dma2 semaphore(%run_scoped3A : memref<!tpu.dma_semaphore, #tpu.memory_space<semaphore_mem>>) src(%dma_wait3A_107 : memref<80x128xi32, #tpu.memory_space<hbm>>) dst(%arg8 : memref<80x128xi32, #tpu.memory_space<vmem>>)
      tpu.yield
    }) : () -> ()
    %dma_start3A = arith.constant 0 : i32
    %dma_start3A_27 = arith.constant 0 : i32
    %dma_start3A_28 = tpu.memref_slice %arg7[%dma_start3A, %dma_start3A_27] : memref<80x128xi32, #tpu.memory_space<vmem>> -> memref<1x128xi32, #tpu.memory_space<vmem>>
    %dma_start3A_29 = tpu.memref_squeeze %dma_start3A_28 : memref<1x128xi32, #tpu.memory_space<vmem>> -> memref<128xi32, #tpu.memory_space<vmem>>
    %dma_start3A_30 = arith.constant 0 : i32
    %dma_start3A_31 = arith.constant 0 : i32
    %dma_start3A_32 = tpu.memref_slice %arg2[%dma_start3A_30, %dma_start3A_31] : memref<10240x32xf32, #tpu.memory_space<hbm>> -> memref<10240x32xf32, #tpu.memory_space<hbm>>
    tpu.enqueue_indirect_dma source(%dma_start3A_32 : memref<10240x32xf32, #tpu.memory_space<hbm>>) target(%arg9 : memref<128x32xf32, #tpu.memory_space<vmem>>) offsets(%dma_start3A_29 : memref<128xi32, #tpu.memory_space<vmem>>) semaphore(%arg17 : memref<!tpu.dma_semaphore, #tpu.memory_space<semaphore_mem>>)
    %dma_start3A_33 = arith.constant 1 : i32
    %dma_start3A_34 = arith.constant 0 : i32
    %dma_start3A_35 = tpu.memref_slice %arg7[%dma_start3A_33, %dma_start3A_34] : memref<80x128xi32, #tpu.memory_space<vmem>> -> memref<1x128xi32, #tpu.memory_space<vmem>>
    %dma_start3A_36 = tpu.memref_squeeze %dma_start3A_35 : memref<1x128xi32, #tpu.memory_space<vmem>> -> memref<128xi32, #tpu.memory_space<vmem>>
    %dma_start3A_37 = arith.constant 0 : i32
    %dma_start3A_38 = arith.constant 0 : i32
    %dma_start3A_39 = tpu.memref_slice %arg2[%dma_start3A_37, %dma_start3A_38] : memref<10240x32xf32, #tpu.memory_space<hbm>> -> memref<10240x32xf32, #tpu.memory_space<hbm>>
    tpu.enqueue_indirect_dma source(%dma_start3A_39 : memref<10240x32xf32, #tpu.memory_space<hbm>>) target(%arg10 : memref<128x32xf32, #tpu.memory_space<vmem>>) offsets(%dma_start3A_36 : memref<128xi32, #tpu.memory_space<vmem>>) semaphore(%arg18 : memref<!tpu.dma_semaphore, #tpu.memory_space<semaphore_mem>>)
    %dma_start3A_40 = arith.constant 2 : i32
    %dma_start3A_41 = arith.constant 0 : i32
    %dma_start3A_42 = tpu.memref_slice %arg7[%dma_start3A_40, %dma_start3A_41] : memref<80x128xi32, #tpu.memory_space<vmem>> -> memref<1x128xi32, #tpu.memory_space<vmem>>
    %dma_start3A_43 = tpu.memref_squeeze %dma_start3A_42 : memref<1x128xi32, #tpu.memory_space<vmem>> -> memref<128xi32, #tpu.memory_space<vmem>>
    %dma_start3A_44 = arith.constant 0 : i32
    %dma_start3A_45 = arith.constant 0 : i32
    %dma_start3A_46 = tpu.memref_slice %arg2[%dma_start3A_44, %dma_start3A_45] : memref<10240x32xf32, #tpu.memory_space<hbm>> -> memref<10240x32xf32, #tpu.memory_space<hbm>>
    tpu.enqueue_indirect_dma source(%dma_start3A_46 : memref<10240x32xf32, #tpu.memory_space<hbm>>) target(%arg11 : memref<128x32xf32, #tpu.memory_space<vmem>>) offsets(%dma_start3A_43 : memref<128xi32, #tpu.memory_space<vmem>>) semaphore(%arg19 : memref<!tpu.dma_semaphore, #tpu.memory_space<semaphore_mem>>)
    %dma_start3A_47 = arith.constant 3 : i32
    %dma_start3A_48 = arith.constant 0 : i32
    %dma_start3A_49 = tpu.memref_slice %arg7[%dma_start3A_47, %dma_start3A_48] : memref<80x128xi32, #tpu.memory_space<vmem>> -> memref<1x128xi32, #tpu.memory_space<vmem>>
    %dma_start3A_50 = tpu.memref_squeeze %dma_start3A_49 : memref<1x128xi32, #tpu.memory_space<vmem>> -> memref<128xi32, #tpu.memory_space<vmem>>
    %dma_start3A_51 = arith.constant 0 : i32
    %dma_start3A_52 = arith.constant 0 : i32
    %dma_start3A_53 = tpu.memref_slice %arg2[%dma_start3A_51, %dma_start3A_52] : memref<10240x32xf32, #tpu.memory_space<hbm>> -> memref<10240x32xf32, #tpu.memory_space<hbm>>
    tpu.enqueue_indirect_dma source(%dma_start3A_53 : memref<10240x32xf32, #tpu.memory_space<hbm>>) target(%arg12 : memref<128x32xf32, #tpu.memory_space<vmem>>) offsets(%dma_start3A_50 : memref<128xi32, #tpu.memory_space<vmem>>) semaphore(%arg20 : memref<!tpu.dma_semaphore, #tpu.memory_space<semaphore_mem>>)
    %dma_start3A_54 = arith.constant 4 : i32
    %dma_start3A_55 = arith.constant 0 : i32
    %dma_start3A_56 = tpu.memref_slice %arg7[%dma_start3A_54, %dma_start3A_55] : memref<80x128xi32, #tpu.memory_space<vmem>> -> memref<1x128xi32, #tpu.memory_space<vmem>>
    %dma_start3A_57 = tpu.memref_squeeze %dma_start3A_56 : memref<1x128xi32, #tpu.memory_space<vmem>> -> memref<128xi32, #tpu.memory_space<vmem>>
    %dma_start3A_58 = arith.constant 0 : i32
    %dma_start3A_59 = arith.constant 0 : i32
    %dma_start3A_60 = tpu.memref_slice %arg2[%dma_start3A_58, %dma_start3A_59] : memref<10240x32xf32, #tpu.memory_space<hbm>> -> memref<10240x32xf32, #tpu.memory_space<hbm>>
    tpu.enqueue_indirect_dma source(%dma_start3A_60 : memref<10240x32xf32, #tpu.memory_space<hbm>>) target(%arg13 : memref<128x32xf32, #tpu.memory_space<vmem>>) offsets(%dma_start3A_57 : memref<128xi32, #tpu.memory_space<vmem>>) semaphore(%arg21 : memref<!tpu.dma_semaphore, #tpu.memory_space<semaphore_mem>>)
    %dma_start3A_61 = arith.constant 5 : i32
    %dma_start3A_62 = arith.constant 0 : i32
    %dma_start3A_63 = tpu.memref_slice %arg7[%dma_start3A_61, %dma_start3A_62] : memref<80x128xi32, #tpu.memory_space<vmem>> -> memref<1x128xi32, #tpu.memory_space<vmem>>
    %dma_start3A_64 = tpu.memref_squeeze %dma_start3A_63 : memref<1x128xi32, #tpu.memory_space<vmem>> -> memref<128xi32, #tpu.memory_space<vmem>>
    %dma_start3A_65 = arith.constant 0 : i32
    %dma_start3A_66 = arith.constant 0 : i32
    %dma_start3A_67 = tpu.memref_slice %arg2[%dma_start3A_65, %dma_start3A_66] : memref<10240x32xf32, #tpu.memory_space<hbm>> -> memref<10240x32xf32, #tpu.memory_space<hbm>>
    tpu.enqueue_indirect_dma source(%dma_start3A_67 : memref<10240x32xf32, #tpu.memory_space<hbm>>) target(%arg14 : memref<128x32xf32, #tpu.memory_space<vmem>>) offsets(%dma_start3A_64 : memref<128xi32, #tpu.memory_space<vmem>>) semaphore(%arg22 : memref<!tpu.dma_semaphore, #tpu.memory_space<semaphore_mem>>)
    %dma_start3A_68 = arith.constant 6 : i32
    %dma_start3A_69 = arith.constant 0 : i32
    %dma_start3A_70 = tpu.memref_slice %arg7[%dma_start3A_68, %dma_start3A_69] : memref<80x128xi32, #tpu.memory_space<vmem>> -> memref<1x128xi32, #tpu.memory_space<vmem>>
    %dma_start3A_71 = tpu.memref_squeeze %dma_start3A_70 : memref<1x128xi32, #tpu.memory_space<vmem>> -> memref<128xi32, #tpu.memory_space<vmem>>
    %dma_start3A_72 = arith.constant 0 : i32
    %dma_start3A_73 = arith.constant 0 : i32
    %dma_start3A_74 = tpu.memref_slice %arg2[%dma_start3A_72, %dma_start3A_73] : memref<10240x32xf32, #tpu.memory_space<hbm>> -> memref<10240x32xf32, #tpu.memory_space<hbm>>
    tpu.enqueue_indirect_dma source(%dma_start3A_74 : memref<10240x32xf32, #tpu.memory_space<hbm>>) target(%arg15 : memref<128x32xf32, #tpu.memory_space<vmem>>) offsets(%dma_start3A_71 : memref<128xi32, #tpu.memory_space<vmem>>) semaphore(%arg23 : memref<!tpu.dma_semaphore, #tpu.memory_space<semaphore_mem>>)
    %dma_start3A_75 = arith.constant 7 : i32
    %dma_start3A_76 = arith.constant 0 : i32
    %dma_start3A_77 = tpu.memref_slice %arg7[%dma_start3A_75, %dma_start3A_76] : memref<80x128xi32, #tpu.memory_space<vmem>> -> memref<1x128xi32, #tpu.memory_space<vmem>>
    %dma_start3A_78 = tpu.memref_squeeze %dma_start3A_77 : memref<1x128xi32, #tpu.memory_space<vmem>> -> memref<128xi32, #tpu.memory_space<vmem>>
    %dma_start3A_79 = arith.constant 0 : i32
    %dma_start3A_80 = arith.constant 0 : i32
    %dma_start3A_81 = tpu.memref_slice %arg2[%dma_start3A_79, %dma_start3A_80] : memref<10240x32xf32, #tpu.memory_space<hbm>> -> memref<10240x32xf32, #tpu.memory_space<hbm>>
    tpu.enqueue_indirect_dma source(%dma_start3A_81 : memref<10240x32xf32, #tpu.memory_space<hbm>>) target(%arg16 : memref<128x32xf32, #tpu.memory_space<vmem>>) offsets(%dma_start3A_78 : memref<128xi32, #tpu.memory_space<vmem>>) semaphore(%arg24 : memref<!tpu.dma_semaphore, #tpu.memory_space<semaphore_mem>>)
    %barrier3A = arith.constant 0 : index
    tpu.barrier barrier_id(%barrier3A)
    %scan3A_82 = arith.constant 0 : i32
    %scan3A_83 = arith.constant 10 : i32
    %scan3A_84 = arith.addi %scan3A_82, %scan3A_83 : i32
    %scan3A_85 = arith.constant 1 : i32
    scf.for %scan3A_93 = %scan3A_82 to %scan3A_84 step %scan3A_85  : i32 {
      %mul3A_94 = arith.constant 8 : i32
      %mul3A_95 = arith.muli %scan3A_93, %mul3A_94 : i32
      %add3A_96 = arith.constant 0 : i32
      %add3A_97 = arith.addi %add3A_96, %mul3A_95 : i32
      %add3A_98 = arith.constant 0 : i32
      %add3A_99 = arith.addi %add3A_97, %add3A_98 : i32
      %dma_wait3A = arith.constant 0 : i32
      %dma_wait3A_100 = tpu.memref_slice %arg7[%add3A_99, %dma_wait3A] : memref<80x128xi32, #tpu.memory_space<vmem>> -> memref<1x128xi32, #tpu.memory_space<vmem>>
      %dma_wait3A_101 = tpu.memref_squeeze %dma_wait3A_100 : memref<1x128xi32, #tpu.memory_space<vmem>> -> memref<128xi32, #tpu.memory_space<vmem>>
      %dma_wait3A_102 = arith.constant 0 : i32
      %dma_wait3A_103 = arith.constant 0 : i32
      %dma_wait3A_104 = tpu.memref_slice %arg2[%dma_wait3A_102, %dma_wait3A_103] : memref<10240x32xf32, #tpu.memory_space<hbm>> -> memref<10240x32xf32, #tpu.memory_space<hbm>>
      tpu.wait_indirect_dma semaphore(%arg17 : memref<!tpu.dma_semaphore, #tpu.memory_space<semaphore_mem>>) src(%dma_wait3A_104 : memref<10240x32xf32, #tpu.memory_space<hbm>>) dst(%arg9 : memref<128x32xf32, #tpu.memory_space<vmem>>)
      %add3A_105 = arith.constant 0 : i32
      %add3A_106 = arith.addi %add3A_97, %add3A_105 : i32
      "tpu.region"() ({
        %run_scoped3A = tpu.sem_alloc : memref<!tpu.dma_semaphore, #tpu.memory_space<semaphore_mem>>
        %dma_start3A_375 = arith.constant 0 : i32
        %dma_start3A_376 = tpu.memref_slice %arg8[%add3A_106, %dma_start3A_375] : memref<80x128xi32, #tpu.memory_space<vmem>> -> memref<1x128xi32, #tpu.memory_space<vmem>>
        %dma_start3A_377 = tpu.memref_squeeze %dma_start3A_376 : memref<1x128xi32, #tpu.memory_space<vmem>> -> memref<128xi32, #tpu.memory_space<vmem>>
        %dma_start3A_378 = arith.constant 0 : i32
        %dma_start3A_379 = arith.constant 0 : i32
        %dma_start3A_380 = tpu.memref_slice %arg31[%dma_start3A_378, %dma_start3A_379] : memref<10240x32xf32, #tpu.memory_space<vmem_shared>> -> memref<10240x32xf32, #tpu.memory_space<vmem_shared>>
        tpu.enqueue_indirect_dma source(%arg9 : memref<128x32xf32, #tpu.memory_space<vmem>>) target(%dma_start3A_380 : memref<10240x32xf32, #tpu.memory_space<vmem_shared>>) offsets(%dma_start3A_377 : memref<128xi32, #tpu.memory_space<vmem>>) semaphore(%run_scoped3A : memref<!tpu.dma_semaphore, #tpu.memory_space<semaphore_mem>>) {add = true}
        %dma_wait3A_381 = arith.constant 0 : i32
        %dma_wait3A_382 = tpu.memref_slice %arg8[%add3A_106, %dma_wait3A_381] : memref<80x128xi32, #tpu.memory_space<vmem>> -> memref<1x128xi32, #tpu.memory_space<vmem>>
        %dma_wait3A_383 = tpu.memref_squeeze %dma_wait3A_382 : memref<1x128xi32, #tpu.memory_space<vmem>> -> memref<128xi32, #tpu.memory_space<vmem>>
        %dma_wait3A_384 = arith.constant 0 : i32
        %dma_wait3A_385 = arith.constant 0 : i32
        %dma_wait3A_386 = tpu.memref_slice %arg31[%dma_wait3A_384, %dma_wait3A_385] : memref<10240x32xf32, #tpu.memory_space<vmem_shared>> -> memref<10240x32xf32, #tpu.memory_space<vmem_shared>>
        tpu.wait_indirect_dma semaphore(%run_scoped3A : memref<!tpu.dma_semaphore, #tpu.memory_space<semaphore_mem>>) src(%arg9 : memref<128x32xf32, #tpu.memory_space<vmem>>) dst(%dma_wait3A_386 : memref<10240x32xf32, #tpu.memory_space<vmem_shared>>)
        tpu.yield
      }) : () -> ()
      %add3A_107 = arith.constant 0 : i32
      %add3A_108 = arith.addi %add3A_97, %add3A_107 : i32
      %dma_start3A_109 = arith.constant 0 : i32
      %dma_start3A_110 = tpu.memref_slice %arg8[%add3A_108, %dma_start3A_109] : memref<80x128xi32, #tpu.memory_space<vmem>> -> memref<1x128xi32, #tpu.memory_space<vmem>>
      %dma_start3A_111 = tpu.memref_squeeze %dma_start3A_110 : memref<1x128xi32, #tpu.memory_space<vmem>> -> memref<128xi32, #tpu.memory_space<vmem>>
      %dma_start3A_112 = arith.constant 0 : i32
      %dma_start3A_113 = arith.constant 0 : i32
      %dma_start3A_114 = tpu.memref_slice %arg32[%dma_start3A_112, %dma_start3A_113] : memref<10240x16xf32, #tpu.memory_space<vmem_shared>> -> memref<10240x16xf32, #tpu.memory_space<vmem_shared>>
      tpu.enqueue_indirect_dma source(%arg27 : memref<128x16xf32, #tpu.memory_space<vmem>>) target(%dma_start3A_114 : memref<10240x16xf32, #tpu.memory_space<vmem_shared>>) offsets(%dma_start3A_111 : memref<128xi32, #tpu.memory_space<vmem>>) semaphore(%arg25 : memref<!tpu.dma_semaphore, #tpu.memory_space<semaphore_mem>>) {add = true}
      %add3A_115 = arith.constant 0 : i32
      %add3A_116 = arith.addi %add3A_97, %add3A_115 : i32
      %dma_start3A_117 = arith.constant 0 : i32
      %dma_start3A_118 = tpu.memref_slice %arg7[%add3A_116, %dma_start3A_117] : memref<80x128xi32, #tpu.memory_space<vmem>> -> memref<1x128xi32, #tpu.memory_space<vmem>>
      %dma_start3A_119 = tpu.memref_squeeze %dma_start3A_118 : memref<1x128xi32, #tpu.memory_space<vmem>> -> memref<128xi32, #tpu.memory_space<vmem>>
      %dma_start3A_120 = arith.constant 0 : i32
      %dma_start3A_121 = arith.constant 0 : i32
      %dma_start3A_122 = tpu.memref_slice %arg32[%dma_start3A_120, %dma_start3A_121] : memref<10240x16xf32, #tpu.memory_space<vmem_shared>> -> memref<10240x16xf32, #tpu.memory_space<vmem_shared>>
      tpu.enqueue_indirect_dma source(%arg28 : memref<128x16xf32, #tpu.memory_space<vmem>>) target(%dma_start3A_122 : memref<10240x16xf32, #tpu.memory_space<vmem_shared>>) offsets(%dma_start3A_119 : memref<128xi32, #tpu.memory_space<vmem>>) semaphore(%arg26 : memref<!tpu.dma_semaphore, #tpu.memory_space<semaphore_mem>>) {add = true}
      %add3A_123 = arith.constant 8 : i32
      %add3A_124 = arith.addi %add3A_97, %add3A_123 : i32
      %add3A_125 = arith.constant 0 : i32
      %add3A_126 = arith.addi %add3A_124, %add3A_125 : i32
      %lt3A_127 = arith.constant 80 : i32
      %lt3A_128 = arith.cmpi slt, %add3A_126, %lt3A_127 : i32
      %convert_element_type3A = arith.extui %lt3A_128 : i1 to i32
      %cond3A = arith.constant 0 : i32
      %cond3A_129 = arith.cmpi ne, %convert_element_type3A, %cond3A : i32
      scf.if %cond3A_129 {
        %add3A_375 = arith.constant 8 : i32
        %add3A_376 = arith.addi %add3A_97, %add3A_375 : i32
        %add3A_377 = arith.constant 0 : i32
        %add3A_378 = arith.addi %add3A_376, %add3A_377 : i32
        %dma_start3A_379 = arith.constant 0 : i32
        %dma_start3A_380 = tpu.memref_slice %arg7[%add3A_378, %dma_start3A_379] : memref<80x128xi32, #tpu.memory_space<vmem>> -> memref<1x128xi32, #tpu.memory_space<vmem>>
        %dma_start3A_381 = tpu.memref_squeeze %dma_start3A_380 : memref<1x128xi32, #tpu.memory_space<vmem>> -> memref<128xi32, #tpu.memory_space<vmem>>
        %dma_start3A_382 = arith.constant 0 : i32
        %dma_start3A_383 = arith.constant 0 : i32
        %dma_start3A_384 = tpu.memref_slice %arg2[%dma_start3A_382, %dma_start3A_383] : memref<10240x32xf32, #tpu.memory_space<hbm>> -> memref<10240x32xf32, #tpu.memory_space<hbm>>
        tpu.enqueue_indirect_dma source(%dma_start3A_384 : memref<10240x32xf32, #tpu.memory_space<hbm>>) target(%arg9 : memref<128x32xf32, #tpu.memory_space<vmem>>) offsets(%dma_start3A_381 : memref<128xi32, #tpu.memory_space<vmem>>) semaphore(%arg17 : memref<!tpu.dma_semaphore, #tpu.memory_space<semaphore_mem>>)
      } else {
      }
      %add3A_130 = arith.constant 1 : i32
      %add3A_131 = arith.addi %add3A_97, %add3A_130 : i32
      %dma_wait3A_132 = arith.constant 0 : i32
      %dma_wait3A_133 = tpu.memref_slice %arg7[%add3A_131, %dma_wait3A_132] : memref<80x128xi32, #tpu.memory_space<vmem>> -> memref<1x128xi32, #tpu.memory_space<vmem>>
      %dma_wait3A_134 = tpu.memref_squeeze %dma_wait3A_133 : memref<1x128xi32, #tpu.memory_space<vmem>> -> memref<128xi32, #tpu.memory_space<vmem>>
      %dma_wait3A_135 = arith.constant 0 : i32
      %dma_wait3A_136 = arith.constant 0 : i32
      %dma_wait3A_137 = tpu.memref_slice %arg2[%dma_wait3A_135, %dma_wait3A_136] : memref<10240x32xf32, #tpu.memory_space<hbm>> -> memref<10240x32xf32, #tpu.memory_space<hbm>>
      tpu.wait_indirect_dma semaphore(%arg18 : memref<!tpu.dma_semaphore, #tpu.memory_space<semaphore_mem>>) src(%dma_wait3A_137 : memref<10240x32xf32, #tpu.memory_space<hbm>>) dst(%arg10 : memref<128x32xf32, #tpu.memory_space<vmem>>)
      %add3A_138 = arith.constant 1 : i32
      %add3A_139 = arith.addi %add3A_97, %add3A_138 : i32
      "tpu.region"() ({
        %run_scoped3A = tpu.sem_alloc : memref<!tpu.dma_semaphore, #tpu.memory_space<semaphore_mem>>
        %dma_start3A_375 = arith.constant 0 : i32
        %dma_start3A_376 = tpu.memref_slice %arg8[%add3A_139, %dma_start3A_375] : memref<80x128xi32, #tpu.memory_space<vmem>> -> memref<1x128xi32, #tpu.memory_space<vmem>>
        %dma_start3A_377 = tpu.memref_squeeze %dma_start3A_376 : memref<1x128xi32, #tpu.memory_space<vmem>> -> memref<128xi32, #tpu.memory_space<vmem>>
        %dma_start3A_378 = arith.constant 0 : i32
        %dma_start3A_379 = arith.constant 0 : i32
        %dma_start3A_380 = tpu.memref_slice %arg31[%dma_start3A_378, %dma_start3A_379] : memref<10240x32xf32, #tpu.memory_space<vmem_shared>> -> memref<10240x32xf32, #tpu.memory_space<vmem_shared>>
        tpu.enqueue_indirect_dma source(%arg10 : memref<128x32xf32, #tpu.memory_space<vmem>>) target(%dma_start3A_380 : memref<10240x32xf32, #tpu.memory_space<vmem_shared>>) offsets(%dma_start3A_377 : memref<128xi32, #tpu.memory_space<vmem>>) semaphore(%run_scoped3A : memref<!tpu.dma_semaphore, #tpu.memory_space<semaphore_mem>>) {add = true}
        %dma_wait3A_381 = arith.constant 0 : i32
        %dma_wait3A_382 = tpu.memref_slice %arg8[%add3A_139, %dma_wait3A_381] : memref<80x128xi32, #tpu.memory_space<vmem>> -> memref<1x128xi32, #tpu.memory_space<vmem>>
        %dma_wait3A_383 = tpu.memref_squeeze %dma_wait3A_382 : memref<1x128xi32, #tpu.memory_space<vmem>> -> memref<128xi32, #tpu.memory_space<vmem>>
        %dma_wait3A_384 = arith.constant 0 : i32
        %dma_wait3A_385 = arith.constant 0 : i32
        %dma_wait3A_386 = tpu.memref_slice %arg31[%dma_wait3A_384, %dma_wait3A_385] : memref<10240x32xf32, #tpu.memory_space<vmem_shared>> -> memref<10240x32xf32, #tpu.memory_space<vmem_shared>>
        tpu.wait_indirect_dma semaphore(%run_scoped3A : memref<!tpu.dma_semaphore, #tpu.memory_space<semaphore_mem>>) src(%arg10 : memref<128x32xf32, #tpu.memory_space<vmem>>) dst(%dma_wait3A_386 : memref<10240x32xf32, #tpu.memory_space<vmem_shared>>)
        tpu.yield
      }) : () -> ()
      %add3A_140 = arith.constant 1 : i32
      %add3A_141 = arith.addi %add3A_97, %add3A_140 : i32
      %dma_start3A_142 = arith.constant 0 : i32
      %dma_start3A_143 = tpu.memref_slice %arg8[%add3A_141, %dma_start3A_142] : memref<80x128xi32, #tpu.memory_space<vmem>> -> memref<1x128xi32, #tpu.memory_space<vmem>>
      %dma_start3A_144 = tpu.memref_squeeze %dma_start3A_143 : memref<1x128xi32, #tpu.memory_space<vmem>> -> memref<128xi32, #tpu.memory_space<vmem>>
      %dma_start3A_145 = arith.constant 0 : i32
      %dma_start3A_146 = arith.constant 0 : i32
      %dma_start3A_147 = tpu.memref_slice %arg32[%dma_start3A_145, %dma_start3A_146] : memref<10240x16xf32, #tpu.memory_space<vmem_shared>> -> memref<10240x16xf32, #tpu.memory_space<vmem_shared>>
      tpu.enqueue_indirect_dma source(%arg27 : memref<128x16xf32, #tpu.memory_space<vmem>>) target(%dma_start3A_147 : memref<10240x16xf32, #tpu.memory_space<vmem_shared>>) offsets(%dma_start3A_144 : memref<128xi32, #tpu.memory_space<vmem>>) semaphore(%arg25 : memref<!tpu.dma_semaphore, #tpu.memory_space<semaphore_mem>>) {add = true}
      %add3A_148 = arith.constant 1 : i32
      %add3A_149 = arith.addi %add3A_97, %add3A_148 : i32
      %dma_start3A_150 = arith.constant 0 : i32
      %dma_start3A_151 = tpu.memref_slice %arg7[%add3A_149, %dma_start3A_150] : memref<80x128xi32, #tpu.memory_space<vmem>> -> memref<1x128xi32, #tpu.memory_space<vmem>>
      %dma_start3A_152 = tpu.memref_squeeze %dma_start3A_151 : memref<1x128xi32, #tpu.memory_space<vmem>> -> memref<128xi32, #tpu.memory_space<vmem>>
      %dma_start3A_153 = arith.constant 0 : i32
      %dma_start3A_154 = arith.constant 0 : i32
      %dma_start3A_155 = tpu.memref_slice %arg32[%dma_start3A_153, %dma_start3A_154] : memref<10240x16xf32, #tpu.memory_space<vmem_shared>> -> memref<10240x16xf32, #tpu.memory_space<vmem_shared>>
      tpu.enqueue_indirect_dma source(%arg28 : memref<128x16xf32, #tpu.memory_space<vmem>>) target(%dma_start3A_155 : memref<10240x16xf32, #tpu.memory_space<vmem_shared>>) offsets(%dma_start3A_152 : memref<128xi32, #tpu.memory_space<vmem>>) semaphore(%arg26 : memref<!tpu.dma_semaphore, #tpu.memory_space<semaphore_mem>>) {add = true}
      %add3A_156 = arith.constant 8 : i32
      %add3A_157 = arith.addi %add3A_97, %add3A_156 : i32
      %add3A_158 = arith.constant 1 : i32
      %add3A_159 = arith.addi %add3A_157, %add3A_158 : i32
      %lt3A_160 = arith.constant 80 : i32
      %lt3A_161 = arith.cmpi slt, %add3A_159, %lt3A_160 : i32
      %convert_element_type3A_162 = arith.extui %lt3A_161 : i1 to i32
      %cond3A_163 = arith.constant 0 : i32
      %cond3A_164 = arith.cmpi ne, %convert_element_type3A_162, %cond3A_163 : i32
      scf.if %cond3A_164 {
        %add3A_375 = arith.constant 8 : i32
        %add3A_376 = arith.addi %add3A_97, %add3A_375 : i32
        %add3A_377 = arith.constant 1 : i32
        %add3A_378 = arith.addi %add3A_376, %add3A_377 : i32
        %dma_start3A_379 = arith.constant 0 : i32
        %dma_start3A_380 = tpu.memref_slice %arg7[%add3A_378, %dma_start3A_379] : memref<80x128xi32, #tpu.memory_space<vmem>> -> memref<1x128xi32, #tpu.memory_space<vmem>>
        %dma_start3A_381 = tpu.memref_squeeze %dma_start3A_380 : memref<1x128xi32, #tpu.memory_space<vmem>> -> memref<128xi32, #tpu.memory_space<vmem>>
        %dma_start3A_382 = arith.constant 0 : i32
        %dma_start3A_383 = arith.constant 0 : i32
        %dma_start3A_384 = tpu.memref_slice %arg2[%dma_start3A_382, %dma_start3A_383] : memref<10240x32xf32, #tpu.memory_space<hbm>> -> memref<10240x32xf32, #tpu.memory_space<hbm>>
        tpu.enqueue_indirect_dma source(%dma_start3A_384 : memref<10240x32xf32, #tpu.memory_space<hbm>>) target(%arg10 : memref<128x32xf32, #tpu.memory_space<vmem>>) offsets(%dma_start3A_381 : memref<128xi32, #tpu.memory_space<vmem>>) semaphore(%arg18 : memref<!tpu.dma_semaphore, #tpu.memory_space<semaphore_mem>>)
      } else {
      }
      %add3A_165 = arith.constant 2 : i32
      %add3A_166 = arith.addi %add3A_97, %add3A_165 : i32
      %dma_wait3A_167 = arith.constant 0 : i32
      %dma_wait3A_168 = tpu.memref_slice %arg7[%add3A_166, %dma_wait3A_167] : memref<80x128xi32, #tpu.memory_space<vmem>> -> memref<1x128xi32, #tpu.memory_space<vmem>>
      %dma_wait3A_169 = tpu.memref_squeeze %dma_wait3A_168 : memref<1x128xi32, #tpu.memory_space<vmem>> -> memref<128xi32, #tpu.memory_space<vmem>>
      %dma_wait3A_170 = arith.constant 0 : i32
      %dma_wait3A_171 = arith.constant 0 : i32
      %dma_wait3A_172 = tpu.memref_slice %arg2[%dma_wait3A_170, %dma_wait3A_171] : memref<10240x32xf32, #tpu.memory_space<hbm>> -> memref<10240x32xf32, #tpu.memory_space<hbm>>
      tpu.wait_indirect_dma semaphore(%arg19 : memref<!tpu.dma_semaphore, #tpu.memory_space<semaphore_mem>>) src(%dma_wait3A_172 : memref<10240x32xf32, #tpu.memory_space<hbm>>) dst(%arg11 : memref<128x32xf32, #tpu.memory_space<vmem>>)
      %add3A_173 = arith.constant 2 : i32
      %add3A_174 = arith.addi %add3A_97, %add3A_173 : i32
      "tpu.region"() ({
        %run_scoped3A = tpu.sem_alloc : memref<!tpu.dma_semaphore, #tpu.memory_space<semaphore_mem>>
        %dma_start3A_375 = arith.constant 0 : i32
        %dma_start3A_376 = tpu.memref_slice %arg8[%add3A_174, %dma_start3A_375] : memref<80x128xi32, #tpu.memory_space<vmem>> -> memref<1x128xi32, #tpu.memory_space<vmem>>
        %dma_start3A_377 = tpu.memref_squeeze %dma_start3A_376 : memref<1x128xi32, #tpu.memory_space<vmem>> -> memref<128xi32, #tpu.memory_space<vmem>>
        %dma_start3A_378 = arith.constant 0 : i32
        %dma_start3A_379 = arith.constant 0 : i32
        %dma_start3A_380 = tpu.memref_slice %arg31[%dma_start3A_378, %dma_start3A_379] : memref<10240x32xf32, #tpu.memory_space<vmem_shared>> -> memref<10240x32xf32, #tpu.memory_space<vmem_shared>>
        tpu.enqueue_indirect_dma source(%arg11 : memref<128x32xf32, #tpu.memory_space<vmem>>) target(%dma_start3A_380 : memref<10240x32xf32, #tpu.memory_space<vmem_shared>>) offsets(%dma_start3A_377 : memref<128xi32, #tpu.memory_space<vmem>>) semaphore(%run_scoped3A : memref<!tpu.dma_semaphore, #tpu.memory_space<semaphore_mem>>) {add = true}
        %dma_wait3A_381 = arith.constant 0 : i32
        %dma_wait3A_382 = tpu.memref_slice %arg8[%add3A_174, %dma_wait3A_381] : memref<80x128xi32, #tpu.memory_space<vmem>> -> memref<1x128xi32, #tpu.memory_space<vmem>>
        %dma_wait3A_383 = tpu.memref_squeeze %dma_wait3A_382 : memref<1x128xi32, #tpu.memory_space<vmem>> -> memref<128xi32, #tpu.memory_space<vmem>>
        %dma_wait3A_384 = arith.constant 0 : i32
        %dma_wait3A_385 = arith.constant 0 : i32
        %dma_wait3A_386 = tpu.memref_slice %arg31[%dma_wait3A_384, %dma_wait3A_385] : memref<10240x32xf32, #tpu.memory_space<vmem_shared>> -> memref<10240x32xf32, #tpu.memory_space<vmem_shared>>
        tpu.wait_indirect_dma semaphore(%run_scoped3A : memref<!tpu.dma_semaphore, #tpu.memory_space<semaphore_mem>>) src(%arg11 : memref<128x32xf32, #tpu.memory_space<vmem>>) dst(%dma_wait3A_386 : memref<10240x32xf32, #tpu.memory_space<vmem_shared>>)
        tpu.yield
      }) : () -> ()
      %add3A_175 = arith.constant 2 : i32
      %add3A_176 = arith.addi %add3A_97, %add3A_175 : i32
      %dma_start3A_177 = arith.constant 0 : i32
      %dma_start3A_178 = tpu.memref_slice %arg8[%add3A_176, %dma_start3A_177] : memref<80x128xi32, #tpu.memory_space<vmem>> -> memref<1x128xi32, #tpu.memory_space<vmem>>
      %dma_start3A_179 = tpu.memref_squeeze %dma_start3A_178 : memref<1x128xi32, #tpu.memory_space<vmem>> -> memref<128xi32, #tpu.memory_space<vmem>>
      %dma_start3A_180 = arith.constant 0 : i32
      %dma_start3A_181 = arith.constant 0 : i32
      %dma_start3A_182 = tpu.memref_slice %arg32[%dma_start3A_180, %dma_start3A_181] : memref<10240x16xf32, #tpu.memory_space<vmem_shared>> -> memref<10240x16xf32, #tpu.memory_space<vmem_shared>>
      tpu.enqueue_indirect_dma source(%arg27 : memref<128x16xf32, #tpu.memory_space<vmem>>) target(%dma_start3A_182 : memref<10240x16xf32, #tpu.memory_space<vmem_shared>>) offsets(%dma_start3A_179 : memref<128xi32, #tpu.memory_space<vmem>>) semaphore(%arg25 : memref<!tpu.dma_semaphore, #tpu.memory_space<semaphore_mem>>) {add = true}
      %add3A_183 = arith.constant 2 : i32
      %add3A_184 = arith.addi %add3A_97, %add3A_183 : i32
      %dma_start3A_185 = arith.constant 0 : i32
      %dma_start3A_186 = tpu.memref_slice %arg7[%add3A_184, %dma_start3A_185] : memref<80x128xi32, #tpu.memory_space<vmem>> -> memref<1x128xi32, #tpu.memory_space<vmem>>
      %dma_start3A_187 = tpu.memref_squeeze %dma_start3A_186 : memref<1x128xi32, #tpu.memory_space<vmem>> -> memref<128xi32, #tpu.memory_space<vmem>>
      %dma_start3A_188 = arith.constant 0 : i32
      %dma_start3A_189 = arith.constant 0 : i32
      %dma_start3A_190 = tpu.memref_slice %arg32[%dma_start3A_188, %dma_start3A_189] : memref<10240x16xf32, #tpu.memory_space<vmem_shared>> -> memref<10240x16xf32, #tpu.memory_space<vmem_shared>>
      tpu.enqueue_indirect_dma source(%arg28 : memref<128x16xf32, #tpu.memory_space<vmem>>) target(%dma_start3A_190 : memref<10240x16xf32, #tpu.memory_space<vmem_shared>>) offsets(%dma_start3A_187 : memref<128xi32, #tpu.memory_space<vmem>>) semaphore(%arg26 : memref<!tpu.dma_semaphore, #tpu.memory_space<semaphore_mem>>) {add = true}
      %add3A_191 = arith.constant 8 : i32
      %add3A_192 = arith.addi %add3A_97, %add3A_191 : i32
      %add3A_193 = arith.constant 2 : i32
      %add3A_194 = arith.addi %add3A_192, %add3A_193 : i32
      %lt3A_195 = arith.constant 80 : i32
      %lt3A_196 = arith.cmpi slt, %add3A_194, %lt3A_195 : i32
      %convert_element_type3A_197 = arith.extui %lt3A_196 : i1 to i32
      %cond3A_198 = arith.constant 0 : i32
      %cond3A_199 = arith.cmpi ne, %convert_element_type3A_197, %cond3A_198 : i32
      scf.if %cond3A_199 {
        %add3A_375 = arith.constant 8 : i32
        %add3A_376 = arith.addi %add3A_97, %add3A_375 : i32
        %add3A_377 = arith.constant 2 : i32
        %add3A_378 = arith.addi %add3A_376, %add3A_377 : i32
        %dma_start3A_379 = arith.constant 0 : i32
        %dma_start3A_380 = tpu.memref_slice %arg7[%add3A_378, %dma_start3A_379] : memref<80x128xi32, #tpu.memory_space<vmem>> -> memref<1x128xi32, #tpu.memory_space<vmem>>
        %dma_start3A_381 = tpu.memref_squeeze %dma_start3A_380 : memref<1x128xi32, #tpu.memory_space<vmem>> -> memref<128xi32, #tpu.memory_space<vmem>>
        %dma_start3A_382 = arith.constant 0 : i32
        %dma_start3A_383 = arith.constant 0 : i32
        %dma_start3A_384 = tpu.memref_slice %arg2[%dma_start3A_382, %dma_start3A_383] : memref<10240x32xf32, #tpu.memory_space<hbm>> -> memref<10240x32xf32, #tpu.memory_space<hbm>>
        tpu.enqueue_indirect_dma source(%dma_start3A_384 : memref<10240x32xf32, #tpu.memory_space<hbm>>) target(%arg11 : memref<128x32xf32, #tpu.memory_space<vmem>>) offsets(%dma_start3A_381 : memref<128xi32, #tpu.memory_space<vmem>>) semaphore(%arg19 : memref<!tpu.dma_semaphore, #tpu.memory_space<semaphore_mem>>)
      } else {
      }
      %add3A_200 = arith.constant 3 : i32
      %add3A_201 = arith.addi %add3A_97, %add3A_200 : i32
      %dma_wait3A_202 = arith.constant 0 : i32
      %dma_wait3A_203 = tpu.memref_slice %arg7[%add3A_201, %dma_wait3A_202] : memref<80x128xi32, #tpu.memory_space<vmem>> -> memref<1x128xi32, #tpu.memory_space<vmem>>
      %dma_wait3A_204 = tpu.memref_squeeze %dma_wait3A_203 : memref<1x128xi32, #tpu.memory_space<vmem>> -> memref<128xi32, #tpu.memory_space<vmem>>
      %dma_wait3A_205 = arith.constant 0 : i32
      %dma_wait3A_206 = arith.constant 0 : i32
      %dma_wait3A_207 = tpu.memref_slice %arg2[%dma_wait3A_205, %dma_wait3A_206] : memref<10240x32xf32, #tpu.memory_space<hbm>> -> memref<10240x32xf32, #tpu.memory_space<hbm>>
      tpu.wait_indirect_dma semaphore(%arg20 : memref<!tpu.dma_semaphore, #tpu.memory_space<semaphore_mem>>) src(%dma_wait3A_207 : memref<10240x32xf32, #tpu.memory_space<hbm>>) dst(%arg12 : memref<128x32xf32, #tpu.memory_space<vmem>>)
      %add3A_208 = arith.constant 3 : i32
      %add3A_209 = arith.addi %add3A_97, %add3A_208 : i32
      "tpu.region"() ({
        %run_scoped3A = tpu.sem_alloc : memref<!tpu.dma_semaphore, #tpu.memory_space<semaphore_mem>>
        %dma_start3A_375 = arith.constant 0 : i32
        %dma_start3A_376 = tpu.memref_slice %arg8[%add3A_209, %dma_start3A_375] : memref<80x128xi32, #tpu.memory_space<vmem>> -> memref<1x128xi32, #tpu.memory_space<vmem>>
        %dma_start3A_377 = tpu.memref_squeeze %dma_start3A_376 : memref<1x128xi32, #tpu.memory_space<vmem>> -> memref<128xi32, #tpu.memory_space<vmem>>
        %dma_start3A_378 = arith.constant 0 : i32
        %dma_start3A_379 = arith.constant 0 : i32
        %dma_start3A_380 = tpu.memref_slice %arg31[%dma_start3A_378, %dma_start3A_379] : memref<10240x32xf32, #tpu.memory_space<vmem_shared>> -> memref<10240x32xf32, #tpu.memory_space<vmem_shared>>
        tpu.enqueue_indirect_dma source(%arg12 : memref<128x32xf32, #tpu.memory_space<vmem>>) target(%dma_start3A_380 : memref<10240x32xf32, #tpu.memory_space<vmem_shared>>) offsets(%dma_start3A_377 : memref<128xi32, #tpu.memory_space<vmem>>) semaphore(%run_scoped3A : memref<!tpu.dma_semaphore, #tpu.memory_space<semaphore_mem>>) {add = true}
        %dma_wait3A_381 = arith.constant 0 : i32
        %dma_wait3A_382 = tpu.memref_slice %arg8[%add3A_209, %dma_wait3A_381] : memref<80x128xi32, #tpu.memory_space<vmem>> -> memref<1x128xi32, #tpu.memory_space<vmem>>
        %dma_wait3A_383 = tpu.memref_squeeze %dma_wait3A_382 : memref<1x128xi32, #tpu.memory_space<vmem>> -> memref<128xi32, #tpu.memory_space<vmem>>
        %dma_wait3A_384 = arith.constant 0 : i32
        %dma_wait3A_385 = arith.constant 0 : i32
        %dma_wait3A_386 = tpu.memref_slice %arg31[%dma_wait3A_384, %dma_wait3A_385] : memref<10240x32xf32, #tpu.memory_space<vmem_shared>> -> memref<10240x32xf32, #tpu.memory_space<vmem_shared>>
        tpu.wait_indirect_dma semaphore(%run_scoped3A : memref<!tpu.dma_semaphore, #tpu.memory_space<semaphore_mem>>) src(%arg12 : memref<128x32xf32, #tpu.memory_space<vmem>>) dst(%dma_wait3A_386 : memref<10240x32xf32, #tpu.memory_space<vmem_shared>>)
        tpu.yield
      }) : () -> ()
      %add3A_210 = arith.constant 3 : i32
      %add3A_211 = arith.addi %add3A_97, %add3A_210 : i32
      %dma_start3A_212 = arith.constant 0 : i32
      %dma_start3A_213 = tpu.memref_slice %arg8[%add3A_211, %dma_start3A_212] : memref<80x128xi32, #tpu.memory_space<vmem>> -> memref<1x128xi32, #tpu.memory_space<vmem>>
      %dma_start3A_214 = tpu.memref_squeeze %dma_start3A_213 : memref<1x128xi32, #tpu.memory_space<vmem>> -> memref<128xi32, #tpu.memory_space<vmem>>
      %dma_start3A_215 = arith.constant 0 : i32
      %dma_start3A_216 = arith.constant 0 : i32
      %dma_start3A_217 = tpu.memref_slice %arg32[%dma_start3A_215, %dma_start3A_216] : memref<10240x16xf32, #tpu.memory_space<vmem_shared>> -> memref<10240x16xf32, #tpu.memory_space<vmem_shared>>
      tpu.enqueue_indirect_dma source(%arg27 : memref<128x16xf32, #tpu.memory_space<vmem>>) target(%dma_start3A_217 : memref<10240x16xf32, #tpu.memory_space<vmem_shared>>) offsets(%dma_start3A_214 : memref<128xi32, #tpu.memory_space<vmem>>) semaphore(%arg25 : memref<!tpu.dma_semaphore, #tpu.memory_space<semaphore_mem>>) {add = true}
      %add3A_218 = arith.constant 3 : i32
      %add3A_219 = arith.addi %add3A_97, %add3A_218 : i32
      %dma_start3A_220 = arith.constant 0 : i32
      %dma_start3A_221 = tpu.memref_slice %arg7[%add3A_219, %dma_start3A_220] : memref<80x128xi32, #tpu.memory_space<vmem>> -> memref<1x128xi32, #tpu.memory_space<vmem>>
      %dma_start3A_222 = tpu.memref_squeeze %dma_start3A_221 : memref<1x128xi32, #tpu.memory_space<vmem>> -> memref<128xi32, #tpu.memory_space<vmem>>
      %dma_start3A_223 = arith.constant 0 : i32
      %dma_start3A_224 = arith.constant 0 : i32
      %dma_start3A_225 = tpu.memref_slice %arg32[%dma_start3A_223, %dma_start3A_224] : memref<10240x16xf32, #tpu.memory_space<vmem_shared>> -> memref<10240x16xf32, #tpu.memory_space<vmem_shared>>
      tpu.enqueue_indirect_dma source(%arg28 : memref<128x16xf32, #tpu.memory_space<vmem>>) target(%dma_start3A_225 : memref<10240x16xf32, #tpu.memory_space<vmem_shared>>) offsets(%dma_start3A_222 : memref<128xi32, #tpu.memory_space<vmem>>) semaphore(%arg26 : memref<!tpu.dma_semaphore, #tpu.memory_space<semaphore_mem>>) {add = true}
      %add3A_226 = arith.constant 8 : i32
      %add3A_227 = arith.addi %add3A_97, %add3A_226 : i32
      %add3A_228 = arith.constant 3 : i32
      %add3A_229 = arith.addi %add3A_227, %add3A_228 : i32
      %lt3A_230 = arith.constant 80 : i32
      %lt3A_231 = arith.cmpi slt, %add3A_229, %lt3A_230 : i32
      %convert_element_type3A_232 = arith.extui %lt3A_231 : i1 to i32
      %cond3A_233 = arith.constant 0 : i32
      %cond3A_234 = arith.cmpi ne, %convert_element_type3A_232, %cond3A_233 : i32
      scf.if %cond3A_234 {
        %add3A_375 = arith.constant 8 : i32
        %add3A_376 = arith.addi %add3A_97, %add3A_375 : i32
        %add3A_377 = arith.constant 3 : i32
        %add3A_378 = arith.addi %add3A_376, %add3A_377 : i32
        %dma_start3A_379 = arith.constant 0 : i32
        %dma_start3A_380 = tpu.memref_slice %arg7[%add3A_378, %dma_start3A_379] : memref<80x128xi32, #tpu.memory_space<vmem>> -> memref<1x128xi32, #tpu.memory_space<vmem>>
        %dma_start3A_381 = tpu.memref_squeeze %dma_start3A_380 : memref<1x128xi32, #tpu.memory_space<vmem>> -> memref<128xi32, #tpu.memory_space<vmem>>
        %dma_start3A_382 = arith.constant 0 : i32
        %dma_start3A_383 = arith.constant 0 : i32
        %dma_start3A_384 = tpu.memref_slice %arg2[%dma_start3A_382, %dma_start3A_383] : memref<10240x32xf32, #tpu.memory_space<hbm>> -> memref<10240x32xf32, #tpu.memory_space<hbm>>
        tpu.enqueue_indirect_dma source(%dma_start3A_384 : memref<10240x32xf32, #tpu.memory_space<hbm>>) target(%arg12 : memref<128x32xf32, #tpu.memory_space<vmem>>) offsets(%dma_start3A_381 : memref<128xi32, #tpu.memory_space<vmem>>) semaphore(%arg20 : memref<!tpu.dma_semaphore, #tpu.memory_space<semaphore_mem>>)
      } else {
      }
      %add3A_235 = arith.constant 4 : i32
      %add3A_236 = arith.addi %add3A_97, %add3A_235 : i32
      %dma_wait3A_237 = arith.constant 0 : i32
      %dma_wait3A_238 = tpu.memref_slice %arg7[%add3A_236, %dma_wait3A_237] : memref<80x128xi32, #tpu.memory_space<vmem>> -> memref<1x128xi32, #tpu.memory_space<vmem>>
      %dma_wait3A_239 = tpu.memref_squeeze %dma_wait3A_238 : memref<1x128xi32, #tpu.memory_space<vmem>> -> memref<128xi32, #tpu.memory_space<vmem>>
      %dma_wait3A_240 = arith.constant 0 : i32
      %dma_wait3A_241 = arith.constant 0 : i32
      %dma_wait3A_242 = tpu.memref_slice %arg2[%dma_wait3A_240, %dma_wait3A_241] : memref<10240x32xf32, #tpu.memory_space<hbm>> -> memref<10240x32xf32, #tpu.memory_space<hbm>>
      tpu.wait_indirect_dma semaphore(%arg21 : memref<!tpu.dma_semaphore, #tpu.memory_space<semaphore_mem>>) src(%dma_wait3A_242 : memref<10240x32xf32, #tpu.memory_space<hbm>>) dst(%arg13 : memref<128x32xf32, #tpu.memory_space<vmem>>)
      %add3A_243 = arith.constant 4 : i32
      %add3A_244 = arith.addi %add3A_97, %add3A_243 : i32
      "tpu.region"() ({
        %run_scoped3A = tpu.sem_alloc : memref<!tpu.dma_semaphore, #tpu.memory_space<semaphore_mem>>
        %dma_start3A_375 = arith.constant 0 : i32
        %dma_start3A_376 = tpu.memref_slice %arg8[%add3A_244, %dma_start3A_375] : memref<80x128xi32, #tpu.memory_space<vmem>> -> memref<1x128xi32, #tpu.memory_space<vmem>>
        %dma_start3A_377 = tpu.memref_squeeze %dma_start3A_376 : memref<1x128xi32, #tpu.memory_space<vmem>> -> memref<128xi32, #tpu.memory_space<vmem>>
        %dma_start3A_378 = arith.constant 0 : i32
        %dma_start3A_379 = arith.constant 0 : i32
        %dma_start3A_380 = tpu.memref_slice %arg31[%dma_start3A_378, %dma_start3A_379] : memref<10240x32xf32, #tpu.memory_space<vmem_shared>> -> memref<10240x32xf32, #tpu.memory_space<vmem_shared>>
        tpu.enqueue_indirect_dma source(%arg13 : memref<128x32xf32, #tpu.memory_space<vmem>>) target(%dma_start3A_380 : memref<10240x32xf32, #tpu.memory_space<vmem_shared>>) offsets(%dma_start3A_377 : memref<128xi32, #tpu.memory_space<vmem>>) semaphore(%run_scoped3A : memref<!tpu.dma_semaphore, #tpu.memory_space<semaphore_mem>>) {add = true}
        %dma_wait3A_381 = arith.constant 0 : i32
        %dma_wait3A_382 = tpu.memref_slice %arg8[%add3A_244, %dma_wait3A_381] : memref<80x128xi32, #tpu.memory_space<vmem>> -> memref<1x128xi32, #tpu.memory_space<vmem>>
        %dma_wait3A_383 = tpu.memref_squeeze %dma_wait3A_382 : memref<1x128xi32, #tpu.memory_space<vmem>> -> memref<128xi32, #tpu.memory_space<vmem>>
        %dma_wait3A_384 = arith.constant 0 : i32
        %dma_wait3A_385 = arith.constant 0 : i32
        %dma_wait3A_386 = tpu.memref_slice %arg31[%dma_wait3A_384, %dma_wait3A_385] : memref<10240x32xf32, #tpu.memory_space<vmem_shared>> -> memref<10240x32xf32, #tpu.memory_space<vmem_shared>>
        tpu.wait_indirect_dma semaphore(%run_scoped3A : memref<!tpu.dma_semaphore, #tpu.memory_space<semaphore_mem>>) src(%arg13 : memref<128x32xf32, #tpu.memory_space<vmem>>) dst(%dma_wait3A_386 : memref<10240x32xf32, #tpu.memory_space<vmem_shared>>)
        tpu.yield
      }) : () -> ()
      %add3A_245 = arith.constant 4 : i32
      %add3A_246 = arith.addi %add3A_97, %add3A_245 : i32
      %dma_start3A_247 = arith.constant 0 : i32
      %dma_start3A_248 = tpu.memref_slice %arg8[%add3A_246, %dma_start3A_247] : memref<80x128xi32, #tpu.memory_space<vmem>> -> memref<1x128xi32, #tpu.memory_space<vmem>>
      %dma_start3A_249 = tpu.memref_squeeze %dma_start3A_248 : memref<1x128xi32, #tpu.memory_space<vmem>> -> memref<128xi32, #tpu.memory_space<vmem>>
      %dma_start3A_250 = arith.constant 0 : i32
      %dma_start3A_251 = arith.constant 0 : i32
      %dma_start3A_252 = tpu.memref_slice %arg32[%dma_start3A_250, %dma_start3A_251] : memref<10240x16xf32, #tpu.memory_space<vmem_shared>> -> memref<10240x16xf32, #tpu.memory_space<vmem_shared>>
      tpu.enqueue_indirect_dma source(%arg27 : memref<128x16xf32, #tpu.memory_space<vmem>>) target(%dma_start3A_252 : memref<10240x16xf32, #tpu.memory_space<vmem_shared>>) offsets(%dma_start3A_249 : memref<128xi32, #tpu.memory_space<vmem>>) semaphore(%arg25 : memref<!tpu.dma_semaphore, #tpu.memory_space<semaphore_mem>>) {add = true}
      %add3A_253 = arith.constant 4 : i32
      %add3A_254 = arith.addi %add3A_97, %add3A_253 : i32
      %dma_start3A_255 = arith.constant 0 : i32
      %dma_start3A_256 = tpu.memref_slice %arg7[%add3A_254, %dma_start3A_255] : memref<80x128xi32, #tpu.memory_space<vmem>> -> memref<1x128xi32, #tpu.memory_space<vmem>>
      %dma_start3A_257 = tpu.memref_squeeze %dma_start3A_256 : memref<1x128xi32, #tpu.memory_space<vmem>> -> memref<128xi32, #tpu.memory_space<vmem>>
      %dma_start3A_258 = arith.constant 0 : i32
      %dma_start3A_259 = arith.constant 0 : i32
      %dma_start3A_260 = tpu.memref_slice %arg32[%dma_start3A_258, %dma_start3A_259] : memref<10240x16xf32, #tpu.memory_space<vmem_shared>> -> memref<10240x16xf32, #tpu.memory_space<vmem_shared>>
      tpu.enqueue_indirect_dma source(%arg28 : memref<128x16xf32, #tpu.memory_space<vmem>>) target(%dma_start3A_260 : memref<10240x16xf32, #tpu.memory_space<vmem_shared>>) offsets(%dma_start3A_257 : memref<128xi32, #tpu.memory_space<vmem>>) semaphore(%arg26 : memref<!tpu.dma_semaphore, #tpu.memory_space<semaphore_mem>>) {add = true}
      %add3A_261 = arith.constant 8 : i32
      %add3A_262 = arith.addi %add3A_97, %add3A_261 : i32
      %add3A_263 = arith.constant 4 : i32
      %add3A_264 = arith.addi %add3A_262, %add3A_263 : i32
      %lt3A_265 = arith.constant 80 : i32
      %lt3A_266 = arith.cmpi slt, %add3A_264, %lt3A_265 : i32
      %convert_element_type3A_267 = arith.extui %lt3A_266 : i1 to i32
      %cond3A_268 = arith.constant 0 : i32
      %cond3A_269 = arith.cmpi ne, %convert_element_type3A_267, %cond3A_268 : i32
      scf.if %cond3A_269 {
        %add3A_375 = arith.constant 8 : i32
        %add3A_376 = arith.addi %add3A_97, %add3A_375 : i32
        %add3A_377 = arith.constant 4 : i32
        %add3A_378 = arith.addi %add3A_376, %add3A_377 : i32
        %dma_start3A_379 = arith.constant 0 : i32
        %dma_start3A_380 = tpu.memref_slice %arg7[%add3A_378, %dma_start3A_379] : memref<80x128xi32, #tpu.memory_space<vmem>> -> memref<1x128xi32, #tpu.memory_space<vmem>>
        %dma_start3A_381 = tpu.memref_squeeze %dma_start3A_380 : memref<1x128xi32, #tpu.memory_space<vmem>> -> memref<128xi32, #tpu.memory_space<vmem>>
        %dma_start3A_382 = arith.constant 0 : i32
        %dma_start3A_383 = arith.constant 0 : i32
        %dma_start3A_384 = tpu.memref_slice %arg2[%dma_start3A_382, %dma_start3A_383] : memref<10240x32xf32, #tpu.memory_space<hbm>> -> memref<10240x32xf32, #tpu.memory_space<hbm>>
        tpu.enqueue_indirect_dma source(%dma_start3A_384 : memref<10240x32xf32, #tpu.memory_space<hbm>>) target(%arg13 : memref<128x32xf32, #tpu.memory_space<vmem>>) offsets(%dma_start3A_381 : memref<128xi32, #tpu.memory_space<vmem>>) semaphore(%arg21 : memref<!tpu.dma_semaphore, #tpu.memory_space<semaphore_mem>>)
      } else {
      }
      %add3A_270 = arith.constant 5 : i32
      %add3A_271 = arith.addi %add3A_97, %add3A_270 : i32
      %dma_wait3A_272 = arith.constant 0 : i32
      %dma_wait3A_273 = tpu.memref_slice %arg7[%add3A_271, %dma_wait3A_272] : memref<80x128xi32, #tpu.memory_space<vmem>> -> memref<1x128xi32, #tpu.memory_space<vmem>>
      %dma_wait3A_274 = tpu.memref_squeeze %dma_wait3A_273 : memref<1x128xi32, #tpu.memory_space<vmem>> -> memref<128xi32, #tpu.memory_space<vmem>>
      %dma_wait3A_275 = arith.constant 0 : i32
      %dma_wait3A_276 = arith.constant 0 : i32
      %dma_wait3A_277 = tpu.memref_slice %arg2[%dma_wait3A_275, %dma_wait3A_276] : memref<10240x32xf32, #tpu.memory_space<hbm>> -> memref<10240x32xf32, #tpu.memory_space<hbm>>
      tpu.wait_indirect_dma semaphore(%arg22 : memref<!tpu.dma_semaphore, #tpu.memory_space<semaphore_mem>>) src(%dma_wait3A_277 : memref<10240x32xf32, #tpu.memory_space<hbm>>) dst(%arg14 : memref<128x32xf32, #tpu.memory_space<vmem>>)
      %add3A_278 = arith.constant 5 : i32
      %add3A_279 = arith.addi %add3A_97, %add3A_278 : i32
      "tpu.region"() ({
        %run_scoped3A = tpu.sem_alloc : memref<!tpu.dma_semaphore, #tpu.memory_space<semaphore_mem>>
        %dma_start3A_375 = arith.constant 0 : i32
        %dma_start3A_376 = tpu.memref_slice %arg8[%add3A_279, %dma_start3A_375] : memref<80x128xi32, #tpu.memory_space<vmem>> -> memref<1x128xi32, #tpu.memory_space<vmem>>
        %dma_start3A_377 = tpu.memref_squeeze %dma_start3A_376 : memref<1x128xi32, #tpu.memory_space<vmem>> -> memref<128xi32, #tpu.memory_space<vmem>>
        %dma_start3A_378 = arith.constant 0 : i32
        %dma_start3A_379 = arith.constant 0 : i32
        %dma_start3A_380 = tpu.memref_slice %arg31[%dma_start3A_378, %dma_start3A_379] : memref<10240x32xf32, #tpu.memory_space<vmem_shared>> -> memref<10240x32xf32, #tpu.memory_space<vmem_shared>>
        tpu.enqueue_indirect_dma source(%arg14 : memref<128x32xf32, #tpu.memory_space<vmem>>) target(%dma_start3A_380 : memref<10240x32xf32, #tpu.memory_space<vmem_shared>>) offsets(%dma_start3A_377 : memref<128xi32, #tpu.memory_space<vmem>>) semaphore(%run_scoped3A : memref<!tpu.dma_semaphore, #tpu.memory_space<semaphore_mem>>) {add = true}
        %dma_wait3A_381 = arith.constant 0 : i32
        %dma_wait3A_382 = tpu.memref_slice %arg8[%add3A_279, %dma_wait3A_381] : memref<80x128xi32, #tpu.memory_space<vmem>> -> memref<1x128xi32, #tpu.memory_space<vmem>>
        %dma_wait3A_383 = tpu.memref_squeeze %dma_wait3A_382 : memref<1x128xi32, #tpu.memory_space<vmem>> -> memref<128xi32, #tpu.memory_space<vmem>>
        %dma_wait3A_384 = arith.constant 0 : i32
        %dma_wait3A_385 = arith.constant 0 : i32
        %dma_wait3A_386 = tpu.memref_slice %arg31[%dma_wait3A_384, %dma_wait3A_385] : memref<10240x32xf32, #tpu.memory_space<vmem_shared>> -> memref<10240x32xf32, #tpu.memory_space<vmem_shared>>
        tpu.wait_indirect_dma semaphore(%run_scoped3A : memref<!tpu.dma_semaphore, #tpu.memory_space<semaphore_mem>>) src(%arg14 : memref<128x32xf32, #tpu.memory_space<vmem>>) dst(%dma_wait3A_386 : memref<10240x32xf32, #tpu.memory_space<vmem_shared>>)
        tpu.yield
      }) : () -> ()
      %add3A_280 = arith.constant 5 : i32
      %add3A_281 = arith.addi %add3A_97, %add3A_280 : i32
      %dma_start3A_282 = arith.constant 0 : i32
      %dma_start3A_283 = tpu.memref_slice %arg8[%add3A_281, %dma_start3A_282] : memref<80x128xi32, #tpu.memory_space<vmem>> -> memref<1x128xi32, #tpu.memory_space<vmem>>
      %dma_start3A_284 = tpu.memref_squeeze %dma_start3A_283 : memref<1x128xi32, #tpu.memory_space<vmem>> -> memref<128xi32, #tpu.memory_space<vmem>>
      %dma_start3A_285 = arith.constant 0 : i32
      %dma_start3A_286 = arith.constant 0 : i32
      %dma_start3A_287 = tpu.memref_slice %arg32[%dma_start3A_285, %dma_start3A_286] : memref<10240x16xf32, #tpu.memory_space<vmem_shared>> -> memref<10240x16xf32, #tpu.memory_space<vmem_shared>>
      tpu.enqueue_indirect_dma source(%arg27 : memref<128x16xf32, #tpu.memory_space<vmem>>) target(%dma_start3A_287 : memref<10240x16xf32, #tpu.memory_space<vmem_shared>>) offsets(%dma_start3A_284 : memref<128xi32, #tpu.memory_space<vmem>>) semaphore(%arg25 : memref<!tpu.dma_semaphore, #tpu.memory_space<semaphore_mem>>) {add = true}
      %add3A_288 = arith.constant 5 : i32
      %add3A_289 = arith.addi %add3A_97, %add3A_288 : i32
      %dma_start3A_290 = arith.constant 0 : i32
      %dma_start3A_291 = tpu.memref_slice %arg7[%add3A_289, %dma_start3A_290] : memref<80x128xi32, #tpu.memory_space<vmem>> -> memref<1x128xi32, #tpu.memory_space<vmem>>
      %dma_start3A_292 = tpu.memref_squeeze %dma_start3A_291 : memref<1x128xi32, #tpu.memory_space<vmem>> -> memref<128xi32, #tpu.memory_space<vmem>>
      %dma_start3A_293 = arith.constant 0 : i32
      %dma_start3A_294 = arith.constant 0 : i32
      %dma_start3A_295 = tpu.memref_slice %arg32[%dma_start3A_293, %dma_start3A_294] : memref<10240x16xf32, #tpu.memory_space<vmem_shared>> -> memref<10240x16xf32, #tpu.memory_space<vmem_shared>>
      tpu.enqueue_indirect_dma source(%arg28 : memref<128x16xf32, #tpu.memory_space<vmem>>) target(%dma_start3A_295 : memref<10240x16xf32, #tpu.memory_space<vmem_shared>>) offsets(%dma_start3A_292 : memref<128xi32, #tpu.memory_space<vmem>>) semaphore(%arg26 : memref<!tpu.dma_semaphore, #tpu.memory_space<semaphore_mem>>) {add = true}
      %add3A_296 = arith.constant 8 : i32
      %add3A_297 = arith.addi %add3A_97, %add3A_296 : i32
      %add3A_298 = arith.constant 5 : i32
      %add3A_299 = arith.addi %add3A_297, %add3A_298 : i32
      %lt3A_300 = arith.constant 80 : i32
      %lt3A_301 = arith.cmpi slt, %add3A_299, %lt3A_300 : i32
      %convert_element_type3A_302 = arith.extui %lt3A_301 : i1 to i32
      %cond3A_303 = arith.constant 0 : i32
      %cond3A_304 = arith.cmpi ne, %convert_element_type3A_302, %cond3A_303 : i32
      scf.if %cond3A_304 {
        %add3A_375 = arith.constant 8 : i32
        %add3A_376 = arith.addi %add3A_97, %add3A_375 : i32
        %add3A_377 = arith.constant 5 : i32
        %add3A_378 = arith.addi %add3A_376, %add3A_377 : i32
        %dma_start3A_379 = arith.constant 0 : i32
        %dma_start3A_380 = tpu.memref_slice %arg7[%add3A_378, %dma_start3A_379] : memref<80x128xi32, #tpu.memory_space<vmem>> -> memref<1x128xi32, #tpu.memory_space<vmem>>
        %dma_start3A_381 = tpu.memref_squeeze %dma_start3A_380 : memref<1x128xi32, #tpu.memory_space<vmem>> -> memref<128xi32, #tpu.memory_space<vmem>>
        %dma_start3A_382 = arith.constant 0 : i32
        %dma_start3A_383 = arith.constant 0 : i32
        %dma_start3A_384 = tpu.memref_slice %arg2[%dma_start3A_382, %dma_start3A_383] : memref<10240x32xf32, #tpu.memory_space<hbm>> -> memref<10240x32xf32, #tpu.memory_space<hbm>>
        tpu.enqueue_indirect_dma source(%dma_start3A_384 : memref<10240x32xf32, #tpu.memory_space<hbm>>) target(%arg14 : memref<128x32xf32, #tpu.memory_space<vmem>>) offsets(%dma_start3A_381 : memref<128xi32, #tpu.memory_space<vmem>>) semaphore(%arg22 : memref<!tpu.dma_semaphore, #tpu.memory_space<semaphore_mem>>)
      } else {
      }
      %add3A_305 = arith.constant 6 : i32
      %add3A_306 = arith.addi %add3A_97, %add3A_305 : i32
      %dma_wait3A_307 = arith.constant 0 : i32
      %dma_wait3A_308 = tpu.memref_slice %arg7[%add3A_306, %dma_wait3A_307] : memref<80x128xi32, #tpu.memory_space<vmem>> -> memref<1x128xi32, #tpu.memory_space<vmem>>
      %dma_wait3A_309 = tpu.memref_squeeze %dma_wait3A_308 : memref<1x128xi32, #tpu.memory_space<vmem>> -> memref<128xi32, #tpu.memory_space<vmem>>
      %dma_wait3A_310 = arith.constant 0 : i32
      %dma_wait3A_311 = arith.constant 0 : i32
      %dma_wait3A_312 = tpu.memref_slice %arg2[%dma_wait3A_310, %dma_wait3A_311] : memref<10240x32xf32, #tpu.memory_space<hbm>> -> memref<10240x32xf32, #tpu.memory_space<hbm>>
      tpu.wait_indirect_dma semaphore(%arg23 : memref<!tpu.dma_semaphore, #tpu.memory_space<semaphore_mem>>) src(%dma_wait3A_312 : memref<10240x32xf32, #tpu.memory_space<hbm>>) dst(%arg15 : memref<128x32xf32, #tpu.memory_space<vmem>>)
      %add3A_313 = arith.constant 6 : i32
      %add3A_314 = arith.addi %add3A_97, %add3A_313 : i32
      "tpu.region"() ({
        %run_scoped3A = tpu.sem_alloc : memref<!tpu.dma_semaphore, #tpu.memory_space<semaphore_mem>>
        %dma_start3A_375 = arith.constant 0 : i32
        %dma_start3A_376 = tpu.memref_slice %arg8[%add3A_314, %dma_start3A_375] : memref<80x128xi32, #tpu.memory_space<vmem>> -> memref<1x128xi32, #tpu.memory_space<vmem>>
        %dma_start3A_377 = tpu.memref_squeeze %dma_start3A_376 : memref<1x128xi32, #tpu.memory_space<vmem>> -> memref<128xi32, #tpu.memory_space<vmem>>
        %dma_start3A_378 = arith.constant 0 : i32
        %dma_start3A_379 = arith.constant 0 : i32
        %dma_start3A_380 = tpu.memref_slice %arg31[%dma_start3A_378, %dma_start3A_379] : memref<10240x32xf32, #tpu.memory_space<vmem_shared>> -> memref<10240x32xf32, #tpu.memory_space<vmem_shared>>
        tpu.enqueue_indirect_dma source(%arg15 : memref<128x32xf32, #tpu.memory_space<vmem>>) target(%dma_start3A_380 : memref<10240x32xf32, #tpu.memory_space<vmem_shared>>) offsets(%dma_start3A_377 : memref<128xi32, #tpu.memory_space<vmem>>) semaphore(%run_scoped3A : memref<!tpu.dma_semaphore, #tpu.memory_space<semaphore_mem>>) {add = true}
        %dma_wait3A_381 = arith.constant 0 : i32
        %dma_wait3A_382 = tpu.memref_slice %arg8[%add3A_314, %dma_wait3A_381] : memref<80x128xi32, #tpu.memory_space<vmem>> -> memref<1x128xi32, #tpu.memory_space<vmem>>
        %dma_wait3A_383 = tpu.memref_squeeze %dma_wait3A_382 : memref<1x128xi32, #tpu.memory_space<vmem>> -> memref<128xi32, #tpu.memory_space<vmem>>
        %dma_wait3A_384 = arith.constant 0 : i32
        %dma_wait3A_385 = arith.constant 0 : i32
        %dma_wait3A_386 = tpu.memref_slice %arg31[%dma_wait3A_384, %dma_wait3A_385] : memref<10240x32xf32, #tpu.memory_space<vmem_shared>> -> memref<10240x32xf32, #tpu.memory_space<vmem_shared>>
        tpu.wait_indirect_dma semaphore(%run_scoped3A : memref<!tpu.dma_semaphore, #tpu.memory_space<semaphore_mem>>) src(%arg15 : memref<128x32xf32, #tpu.memory_space<vmem>>) dst(%dma_wait3A_386 : memref<10240x32xf32, #tpu.memory_space<vmem_shared>>)
        tpu.yield
      }) : () -> ()
      %add3A_315 = arith.constant 6 : i32
      %add3A_316 = arith.addi %add3A_97, %add3A_315 : i32
      %dma_start3A_317 = arith.constant 0 : i32
      %dma_start3A_318 = tpu.memref_slice %arg8[%add3A_316, %dma_start3A_317] : memref<80x128xi32, #tpu.memory_space<vmem>> -> memref<1x128xi32, #tpu.memory_space<vmem>>
      %dma_start3A_319 = tpu.memref_squeeze %dma_start3A_318 : memref<1x128xi32, #tpu.memory_space<vmem>> -> memref<128xi32, #tpu.memory_space<vmem>>
      %dma_start3A_320 = arith.constant 0 : i32
      %dma_start3A_321 = arith.constant 0 : i32
      %dma_start3A_322 = tpu.memref_slice %arg32[%dma_start3A_320, %dma_start3A_321] : memref<10240x16xf32, #tpu.memory_space<vmem_shared>> -> memref<10240x16xf32, #tpu.memory_space<vmem_shared>>
      tpu.enqueue_indirect_dma source(%arg27 : memref<128x16xf32, #tpu.memory_space<vmem>>) target(%dma_start3A_322 : memref<10240x16xf32, #tpu.memory_space<vmem_shared>>) offsets(%dma_start3A_319 : memref<128xi32, #tpu.memory_space<vmem>>) semaphore(%arg25 : memref<!tpu.dma_semaphore, #tpu.memory_space<semaphore_mem>>) {add = true}
      %add3A_323 = arith.constant 6 : i32
      %add3A_324 = arith.addi %add3A_97, %add3A_323 : i32
      %dma_start3A_325 = arith.constant 0 : i32
      %dma_start3A_326 = tpu.memref_slice %arg7[%add3A_324, %dma_start3A_325] : memref<80x128xi32, #tpu.memory_space<vmem>> -> memref<1x128xi32, #tpu.memory_space<vmem>>
      %dma_start3A_327 = tpu.memref_squeeze %dma_start3A_326 : memref<1x128xi32, #tpu.memory_space<vmem>> -> memref<128xi32, #tpu.memory_space<vmem>>
      %dma_start3A_328 = arith.constant 0 : i32
      %dma_start3A_329 = arith.constant 0 : i32
      %dma_start3A_330 = tpu.memref_slice %arg32[%dma_start3A_328, %dma_start3A_329] : memref<10240x16xf32, #tpu.memory_space<vmem_shared>> -> memref<10240x16xf32, #tpu.memory_space<vmem_shared>>
      tpu.enqueue_indirect_dma source(%arg28 : memref<128x16xf32, #tpu.memory_space<vmem>>) target(%dma_start3A_330 : memref<10240x16xf32, #tpu.memory_space<vmem_shared>>) offsets(%dma_start3A_327 : memref<128xi32, #tpu.memory_space<vmem>>) semaphore(%arg26 : memref<!tpu.dma_semaphore, #tpu.memory_space<semaphore_mem>>) {add = true}
      %add3A_331 = arith.constant 8 : i32
      %add3A_332 = arith.addi %add3A_97, %add3A_331 : i32
      %add3A_333 = arith.constant 6 : i32
      %add3A_334 = arith.addi %add3A_332, %add3A_333 : i32
      %lt3A_335 = arith.constant 80 : i32
      %lt3A_336 = arith.cmpi slt, %add3A_334, %lt3A_335 : i32
      %convert_element_type3A_337 = arith.extui %lt3A_336 : i1 to i32
      %cond3A_338 = arith.constant 0 : i32
      %cond3A_339 = arith.cmpi ne, %convert_element_type3A_337, %cond3A_338 : i32
      scf.if %cond3A_339 {
        %add3A_375 = arith.constant 8 : i32
        %add3A_376 = arith.addi %add3A_97, %add3A_375 : i32
        %add3A_377 = arith.constant 6 : i32
        %add3A_378 = arith.addi %add3A_376, %add3A_377 : i32
        %dma_start3A_379 = arith.constant 0 : i32
        %dma_start3A_380 = tpu.memref_slice %arg7[%add3A_378, %dma_start3A_379] : memref<80x128xi32, #tpu.memory_space<vmem>> -> memref<1x128xi32, #tpu.memory_space<vmem>>
        %dma_start3A_381 = tpu.memref_squeeze %dma_start3A_380 : memref<1x128xi32, #tpu.memory_space<vmem>> -> memref<128xi32, #tpu.memory_space<vmem>>
        %dma_start3A_382 = arith.constant 0 : i32
        %dma_start3A_383 = arith.constant 0 : i32
        %dma_start3A_384 = tpu.memref_slice %arg2[%dma_start3A_382, %dma_start3A_383] : memref<10240x32xf32, #tpu.memory_space<hbm>> -> memref<10240x32xf32, #tpu.memory_space<hbm>>
        tpu.enqueue_indirect_dma source(%dma_start3A_384 : memref<10240x32xf32, #tpu.memory_space<hbm>>) target(%arg15 : memref<128x32xf32, #tpu.memory_space<vmem>>) offsets(%dma_start3A_381 : memref<128xi32, #tpu.memory_space<vmem>>) semaphore(%arg23 : memref<!tpu.dma_semaphore, #tpu.memory_space<semaphore_mem>>)
      } else {
      }
      %add3A_340 = arith.constant 7 : i32
      %add3A_341 = arith.addi %add3A_97, %add3A_340 : i32
      %dma_wait3A_342 = arith.constant 0 : i32
      %dma_wait3A_343 = tpu.memref_slice %arg7[%add3A_341, %dma_wait3A_342] : memref<80x128xi32, #tpu.memory_space<vmem>> -> memref<1x128xi32, #tpu.memory_space<vmem>>
      %dma_wait3A_344 = tpu.memref_squeeze %dma_wait3A_343 : memref<1x128xi32, #tpu.memory_space<vmem>> -> memref<128xi32, #tpu.memory_space<vmem>>
      %dma_wait3A_345 = arith.constant 0 : i32
      %dma_wait3A_346 = arith.constant 0 : i32
      %dma_wait3A_347 = tpu.memref_slice %arg2[%dma_wait3A_345, %dma_wait3A_346] : memref<10240x32xf32, #tpu.memory_space<hbm>> -> memref<10240x32xf32, #tpu.memory_space<hbm>>
      tpu.wait_indirect_dma semaphore(%arg24 : memref<!tpu.dma_semaphore, #tpu.memory_space<semaphore_mem>>) src(%dma_wait3A_347 : memref<10240x32xf32, #tpu.memory_space<hbm>>) dst(%arg16 : memref<128x32xf32, #tpu.memory_space<vmem>>)
      %add3A_348 = arith.constant 7 : i32
      %add3A_349 = arith.addi %add3A_97, %add3A_348 : i32
      "tpu.region"() ({
        %run_scoped3A = tpu.sem_alloc : memref<!tpu.dma_semaphore, #tpu.memory_space<semaphore_mem>>
        %dma_start3A_375 = arith.constant 0 : i32
        %dma_start3A_376 = tpu.memref_slice %arg8[%add3A_349, %dma_start3A_375] : memref<80x128xi32, #tpu.memory_space<vmem>> -> memref<1x128xi32, #tpu.memory_space<vmem>>
        %dma_start3A_377 = tpu.memref_squeeze %dma_start3A_376 : memref<1x128xi32, #tpu.memory_space<vmem>> -> memref<128xi32, #tpu.memory_space<vmem>>
        %dma_start3A_378 = arith.constant 0 : i32
        %dma_start3A_379 = arith.constant 0 : i32
        %dma_start3A_380 = tpu.memref_slice %arg31[%dma_start3A_378, %dma_start3A_379] : memref<10240x32xf32, #tpu.memory_space<vmem_shared>> -> memref<10240x32xf32, #tpu.memory_space<vmem_shared>>
        tpu.enqueue_indirect_dma source(%arg16 : memref<128x32xf32, #tpu.memory_space<vmem>>) target(%dma_start3A_380 : memref<10240x32xf32, #tpu.memory_space<vmem_shared>>) offsets(%dma_start3A_377 : memref<128xi32, #tpu.memory_space<vmem>>) semaphore(%run_scoped3A : memref<!tpu.dma_semaphore, #tpu.memory_space<semaphore_mem>>) {add = true}
        %dma_wait3A_381 = arith.constant 0 : i32
        %dma_wait3A_382 = tpu.memref_slice %arg8[%add3A_349, %dma_wait3A_381] : memref<80x128xi32, #tpu.memory_space<vmem>> -> memref<1x128xi32, #tpu.memory_space<vmem>>
        %dma_wait3A_383 = tpu.memref_squeeze %dma_wait3A_382 : memref<1x128xi32, #tpu.memory_space<vmem>> -> memref<128xi32, #tpu.memory_space<vmem>>
        %dma_wait3A_384 = arith.constant 0 : i32
        %dma_wait3A_385 = arith.constant 0 : i32
        %dma_wait3A_386 = tpu.memref_slice %arg31[%dma_wait3A_384, %dma_wait3A_385] : memref<10240x32xf32, #tpu.memory_space<vmem_shared>> -> memref<10240x32xf32, #tpu.memory_space<vmem_shared>>
        tpu.wait_indirect_dma semaphore(%run_scoped3A : memref<!tpu.dma_semaphore, #tpu.memory_space<semaphore_mem>>) src(%arg16 : memref<128x32xf32, #tpu.memory_space<vmem>>) dst(%dma_wait3A_386 : memref<10240x32xf32, #tpu.memory_space<vmem_shared>>)
        tpu.yield
      }) : () -> ()
      %add3A_350 = arith.constant 7 : i32
      %add3A_351 = arith.addi %add3A_97, %add3A_350 : i32
      %dma_start3A_352 = arith.constant 0 : i32
      %dma_start3A_353 = tpu.memref_slice %arg8[%add3A_351, %dma_start3A_352] : memref<80x128xi32, #tpu.memory_space<vmem>> -> memref<1x128xi32, #tpu.memory_space<vmem>>
      %dma_start3A_354 = tpu.memref_squeeze %dma_start3A_353 : memref<1x128xi32, #tpu.memory_space<vmem>> -> memref<128xi32, #tpu.memory_space<vmem>>
      %dma_start3A_355 = arith.constant 0 : i32
      %dma_start3A_356 = arith.constant 0 : i32
      %dma_start3A_357 = tpu.memref_slice %arg32[%dma_start3A_355, %dma_start3A_356] : memref<10240x16xf32, #tpu.memory_space<vmem_shared>> -> memref<10240x16xf32, #tpu.memory_space<vmem_shared>>
      tpu.enqueue_indirect_dma source(%arg27 : memref<128x16xf32, #tpu.memory_space<vmem>>) target(%dma_start3A_357 : memref<10240x16xf32, #tpu.memory_space<vmem_shared>>) offsets(%dma_start3A_354 : memref<128xi32, #tpu.memory_space<vmem>>) semaphore(%arg25 : memref<!tpu.dma_semaphore, #tpu.memory_space<semaphore_mem>>) {add = true}
      %add3A_358 = arith.constant 7 : i32
      %add3A_359 = arith.addi %add3A_97, %add3A_358 : i32
      %dma_start3A_360 = arith.constant 0 : i32
      %dma_start3A_361 = tpu.memref_slice %arg7[%add3A_359, %dma_start3A_360] : memref<80x128xi32, #tpu.memory_space<vmem>> -> memref<1x128xi32, #tpu.memory_space<vmem>>
      %dma_start3A_362 = tpu.memref_squeeze %dma_start3A_361 : memref<1x128xi32, #tpu.memory_space<vmem>> -> memref<128xi32, #tpu.memory_space<vmem>>
      %dma_start3A_363 = arith.constant 0 : i32
      %dma_start3A_364 = arith.constant 0 : i32
      %dma_start3A_365 = tpu.memref_slice %arg32[%dma_start3A_363, %dma_start3A_364] : memref<10240x16xf32, #tpu.memory_space<vmem_shared>> -> memref<10240x16xf32, #tpu.memory_space<vmem_shared>>
      tpu.enqueue_indirect_dma source(%arg28 : memref<128x16xf32, #tpu.memory_space<vmem>>) target(%dma_start3A_365 : memref<10240x16xf32, #tpu.memory_space<vmem_shared>>) offsets(%dma_start3A_362 : memref<128xi32, #tpu.memory_space<vmem>>) semaphore(%arg26 : memref<!tpu.dma_semaphore, #tpu.memory_space<semaphore_mem>>) {add = true}
      %add3A_366 = arith.constant 8 : i32
      %add3A_367 = arith.addi %add3A_97, %add3A_366 : i32
      %add3A_368 = arith.constant 7 : i32
      %add3A_369 = arith.addi %add3A_367, %add3A_368 : i32
      %lt3A_370 = arith.constant 80 : i32
      %lt3A_371 = arith.cmpi slt, %add3A_369, %lt3A_370 : i32
      %convert_element_type3A_372 = arith.extui %lt3A_371 : i1 to i32
      %cond3A_373 = arith.constant 0 : i32
      %cond3A_374 = arith.cmpi ne, %convert_element_type3A_372, %cond3A_373 : i32
      scf.if %cond3A_374 {
        %add3A_375 = arith.constant 8 : i32
        %add3A_376 = arith.addi %add3A_97, %add3A_375 : i32
        %add3A_377 = arith.constant 7 : i32
        %add3A_378 = arith.addi %add3A_376, %add3A_377 : i32
        %dma_start3A_379 = arith.constant 0 : i32
        %dma_start3A_380 = tpu.memref_slice %arg7[%add3A_378, %dma_start3A_379] : memref<80x128xi32, #tpu.memory_space<vmem>> -> memref<1x128xi32, #tpu.memory_space<vmem>>
        %dma_start3A_381 = tpu.memref_squeeze %dma_start3A_380 : memref<1x128xi32, #tpu.memory_space<vmem>> -> memref<128xi32, #tpu.memory_space<vmem>>
        %dma_start3A_382 = arith.constant 0 : i32
        %dma_start3A_383 = arith.constant 0 : i32
        %dma_start3A_384 = tpu.memref_slice %arg2[%dma_start3A_382, %dma_start3A_383] : memref<10240x32xf32, #tpu.memory_space<hbm>> -> memref<10240x32xf32, #tpu.memory_space<hbm>>
        tpu.enqueue_indirect_dma source(%dma_start3A_384 : memref<10240x32xf32, #tpu.memory_space<hbm>>) target(%arg16 : memref<128x32xf32, #tpu.memory_space<vmem>>) offsets(%dma_start3A_381 : memref<128xi32, #tpu.memory_space<vmem>>) semaphore(%arg24 : memref<!tpu.dma_semaphore, #tpu.memory_space<semaphore_mem>>)
      } else {
      }
    }
    %scan3A_86 = arith.constant 10 : i32
    %scan3A_87 = arith.constant 0 : i32
    %scan3A_88 = arith.constant 80 : i32
    %scan3A_89 = arith.addi %scan3A_87, %scan3A_88 : i32
    %scan3A_90 = arith.constant 1 : i32
    scf.for %scan3A_93 = %scan3A_87 to %scan3A_89 step %scan3A_90  : i32 {
      %mul3A_94 = arith.constant 1 : i32
      %mul3A_95 = arith.muli %scan3A_93, %mul3A_94 : i32
      %add3A_96 = arith.constant 0 : i32
      %add3A_97 = arith.addi %add3A_96, %mul3A_95 : i32
      %dma_wait3A = arith.constant 0 : i32
      %dma_wait3A_98 = arith.constant 0 : i32
      %dma_wait3A_99 = tpu.memref_slice %arg8[%dma_wait3A, %dma_wait3A_98] : memref<80x128xi32, #tpu.memory_space<vmem>> -> memref<1x128xi32, #tpu.memory_space<vmem>>
      %dma_wait3A_100 = tpu.memref_squeeze %dma_wait3A_99 : memref<1x128xi32, #tpu.memory_space<vmem>> -> memref<128xi32, #tpu.memory_space<vmem>>
      %dma_wait3A_101 = arith.constant 0 : i32
      %dma_wait3A_102 = arith.constant 0 : i32
      %dma_wait3A_103 = tpu.memref_slice %arg32[%dma_wait3A_101, %dma_wait3A_102] : memref<10240x16xf32, #tpu.memory_space<vmem_shared>> -> memref<10240x16xf32, #tpu.memory_space<vmem_shared>>
      tpu.wait_indirect_dma semaphore(%arg25 : memref<!tpu.dma_semaphore, #tpu.memory_space<semaphore_mem>>) src(%arg27 : memref<128x16xf32, #tpu.memory_space<vmem>>) dst(%dma_wait3A_103 : memref<10240x16xf32, #tpu.memory_space<vmem_shared>>)
      %dma_wait3A_104 = arith.constant 0 : i32
      %dma_wait3A_105 = arith.constant 0 : i32
      %dma_wait3A_106 = tpu.memref_slice %arg7[%dma_wait3A_104, %dma_wait3A_105] : memref<80x128xi32, #tpu.memory_space<vmem>> -> memref<1x128xi32, #tpu.memory_space<vmem>>
      %dma_wait3A_107 = tpu.memref_squeeze %dma_wait3A_106 : memref<1x128xi32, #tpu.memory_space<vmem>> -> memref<128xi32, #tpu.memory_space<vmem>>
      %dma_wait3A_108 = arith.constant 0 : i32
      %dma_wait3A_109 = arith.constant 0 : i32
      %dma_wait3A_110 = tpu.memref_slice %arg32[%dma_wait3A_108, %dma_wait3A_109] : memref<10240x16xf32, #tpu.memory_space<vmem_shared>> -> memref<10240x16xf32, #tpu.memory_space<vmem_shared>>
      tpu.wait_indirect_dma semaphore(%arg26 : memref<!tpu.dma_semaphore, #tpu.memory_space<semaphore_mem>>) src(%arg28 : memref<128x16xf32, #tpu.memory_space<vmem>>) dst(%dma_wait3A_110 : memref<10240x16xf32, #tpu.memory_space<vmem_shared>>)
    }
    %scan3A_91 = arith.constant 80 : i32
    %barrier3A_92 = arith.constant 0 : index
    tpu.barrier barrier_id(%barrier3A_92)
    "tpu.region"() ({
      %run_scoped3A = tpu.sem_alloc : memref<!tpu.dma_semaphore, #tpu.memory_space<semaphore_mem>>
      %dma_start3A_93 = arith.constant 0 : i32
      %dma_start3A_94 = tpu.memref_slice %arg5[%arg0, %multiple_of3A, %dma_start3A_93] : memref<2x10000x32xf32, #tpu.memory_space<hbm>> -> memref<1x640x32xf32, #tpu.memory_space<hbm>>
      %dma_start3A_95 = tpu.memref_squeeze %dma_start3A_94 : memref<1x640x32xf32, #tpu.memory_space<hbm>> -> memref<640x32xf32, #tpu.memory_space<hbm>>
      %dma_start3A_96 = arith.constant 0 : i32
      %dma_start3A_97 = tpu.memref_slice %arg31[%multiple_of3A, %dma_start3A_96] : memref<10240x32xf32, #tpu.memory_space<vmem_shared>> -> memref<640x32xf32, #tpu.memory_space<vmem_shared>>
      tpu.enqueue_dma source(%dma_start3A_97 : memref<640x32xf32, #tpu.memory_space<vmem_shared>>) target(%dma_start3A_95 : memref<640x32xf32, #tpu.memory_space<hbm>>) target_semaphore(%run_scoped3A : memref<!tpu.dma_semaphore, #tpu.memory_space<semaphore_mem>>)
      %dma_wait3A = arith.constant 0 : i32
      %dma_wait3A_98 = tpu.memref_slice %arg5[%arg0, %multiple_of3A, %dma_wait3A] : memref<2x10000x32xf32, #tpu.memory_space<hbm>> -> memref<1x640x32xf32, #tpu.memory_space<hbm>>
      %dma_wait3A_99 = tpu.memref_squeeze %dma_wait3A_98 : memref<1x640x32xf32, #tpu.memory_space<hbm>> -> memref<640x32xf32, #tpu.memory_space<hbm>>
      %dma_wait3A_100 = arith.constant 0 : i32
      %dma_wait3A_101 = tpu.memref_slice %arg31[%multiple_of3A, %dma_wait3A_100] : memref<10240x32xf32, #tpu.memory_space<vmem_shared>> -> memref<640x32xf32, #tpu.memory_space<vmem_shared>>
      tpu.wait_dma2 semaphore(%run_scoped3A : memref<!tpu.dma_semaphore, #tpu.memory_space<semaphore_mem>>) src(%dma_wait3A_101 : memref<640x32xf32, #tpu.memory_space<vmem_shared>>) dst(%dma_wait3A_99 : memref<640x32xf32, #tpu.memory_space<hbm>>)
      tpu.yield
    }) : () -> ()
    "tpu.region"() ({
      %run_scoped3A = tpu.sem_alloc : memref<!tpu.dma_semaphore, #tpu.memory_space<semaphore_mem>>
      %dma_start3A_93 = arith.constant 0 : i32
      %dma_start3A_94 = tpu.memref_slice %arg6[%arg0, %multiple_of3A, %dma_start3A_93] : memref<2x10000x16xf32, #tpu.memory_space<hbm>> -> memref<1x640x16xf32, #tpu.memory_space<hbm>>
      %dma_start3A_95 = tpu.memref_squeeze %dma_start3A_94 : memref<1x640x16xf32, #tpu.memory_space<hbm>> -> memref<640x16xf32, #tpu.memory_space<hbm>>
      %dma_start3A_96 = arith.constant 0 : i32
      %dma_start3A_97 = tpu.memref_slice %arg32[%multiple_of3A, %dma_start3A_96] : memref<10240x16xf32, #tpu.memory_space<vmem_shared>> -> memref<640x16xf32, #tpu.memory_space<vmem_shared>>
      tpu.enqueue_dma source(%dma_start3A_97 : memref<640x16xf32, #tpu.memory_space<vmem_shared>>) target(%dma_start3A_95 : memref<640x16xf32, #tpu.memory_space<hbm>>) target_semaphore(%run_scoped3A : memref<!tpu.dma_semaphore, #tpu.memory_space<semaphore_mem>>)
      %dma_wait3A = arith.constant 0 : i32
      %dma_wait3A_98 = tpu.memref_slice %arg6[%arg0, %multiple_of3A, %dma_wait3A] : memref<2x10000x16xf32, #tpu.memory_space<hbm>> -> memref<1x640x16xf32, #tpu.memory_space<hbm>>
      %dma_wait3A_99 = tpu.memref_squeeze %dma_wait3A_98 : memref<1x640x16xf32, #tpu.memory_space<hbm>> -> memref<640x16xf32, #tpu.memory_space<hbm>>
      %dma_wait3A_100 = arith.constant 0 : i32
      %dma_wait3A_101 = tpu.memref_slice %arg32[%multiple_of3A, %dma_wait3A_100] : memref<10240x16xf32, #tpu.memory_space<vmem_shared>> -> memref<640x16xf32, #tpu.memory_space<vmem_shared>>
      tpu.wait_dma2 semaphore(%run_scoped3A : memref<!tpu.dma_semaphore, #tpu.memory_space<semaphore_mem>>) src(%dma_wait3A_101 : memref<640x16xf32, #tpu.memory_space<vmem_shared>>) dst(%dma_wait3A_99 : memref<640x16xf32, #tpu.memory_space<hbm>>)
      tpu.yield
    }) : () -> ()
    return
  }
}

#map = affine_map<(d0, d1) -> (0, 0)>
#map1 = affine_map<(d0, d1) -> (0, 0, 0)>
module attributes {stable_mosaic.version = 14 : i64} {
  func.func @_sc_stage_b(%arg0: i32, %arg1: i32, %arg2: memref<10240x32xf32, #tpu.memory_space<hbm>>, %arg3: memref<32x80x128xi32, #tpu.memory_space<hbm>>, %arg4: memref<32x80x128xi32, #tpu.memory_space<hbm>>, %arg5: memref<2x10000x32xf32, #tpu.memory_space<hbm>>, %arg6: memref<80x128xi32, #tpu.memory_space<vmem>>, %arg7: memref<80x128xi32, #tpu.memory_space<vmem>>, %arg8: memref<128x32xf32, #tpu.memory_space<vmem>>, %arg9: memref<128x32xf32, #tpu.memory_space<vmem>>, %arg10: memref<128x32xf32, #tpu.memory_space<vmem>>, %arg11: memref<128x32xf32, #tpu.memory_space<vmem>>, %arg12: memref<128x32xf32, #tpu.memory_space<vmem>>, %arg13: memref<128x32xf32, #tpu.memory_space<vmem>>, %arg14: memref<128x32xf32, #tpu.memory_space<vmem>>, %arg15: memref<128x32xf32, #tpu.memory_space<vmem>>, %arg16: memref<!tpu.dma_semaphore, #tpu.memory_space<semaphore_mem>>, %arg17: memref<!tpu.dma_semaphore, #tpu.memory_space<semaphore_mem>>, %arg18: memref<!tpu.dma_semaphore, #tpu.memory_space<semaphore_mem>>, %arg19: memref<!tpu.dma_semaphore, #tpu.memory_space<semaphore_mem>>, %arg20: memref<!tpu.dma_semaphore, #tpu.memory_space<semaphore_mem>>, %arg21: memref<!tpu.dma_semaphore, #tpu.memory_space<semaphore_mem>>, %arg22: memref<!tpu.dma_semaphore, #tpu.memory_space<semaphore_mem>>, %arg23: memref<!tpu.dma_semaphore, #tpu.memory_space<semaphore_mem>>, %arg24: memref<128x32xf32, #tpu.memory_space<vmem>>, %arg25: memref<10240x32xf32, #tpu.memory_space<vmem_shared>>) attributes {dimension_semantics = [#tpu.dimension_semantics<core_parallel>, #tpu.dimension_semantics<subcore_parallel>], iteration_bounds = array<i64: 2, 16>, scalar_prefetch = 0 : i64, scratch_operands = 20 : i64, tpu.core_type = #tpu.core_type<sc_vector_subcore>, window_params = [{transform_indices = #map}, {transform_indices = #map1}, {transform_indices = #map1}, {transform_indices = #map1}]} {
    %mul3A = arith.constant 16 : i32
    %mul3A_0 = arith.muli %arg0, %mul3A : i32
    %add3A = arith.addi %mul3A_0, %arg1 : i32
    %broadcast_in_dim3A = arith.constant 0.000000e+00 : f32
    %broadcast_in_dim3A_1 = vector.broadcast %broadcast_in_dim3A : f32 to vector<16xf32>
    %scan3A = arith.constant 0 : i32
    %scan3A_2 = arith.constant 128 : i32
    %scan3A_3 = arith.addi %scan3A, %scan3A_2 : i32
    %scan3A_4 = arith.constant 1 : i32
    scf.for %scan3A_75 = %scan3A to %scan3A_3 step %scan3A_4  : i32 {
      %mul3A_76 = arith.constant 1 : i32
      %mul3A_77 = arith.muli %scan3A_75, %mul3A_76 : i32
      %add3A_78 = arith.constant 0 : i32
      %add3A_79 = arith.addi %add3A_78, %mul3A_77 : i32
      %swap3A = arith.index_cast %add3A_79 : i32 to index
      %swap3A_80 = arith.constant 0 : index
      %swap3A_81 = tpu.vector_load %arg24[%swap3A, %swap3A_80] {strides = array<i32>} : memref<128x32xf32, #tpu.memory_space<vmem>>, vector<1x16xf32>,
      %swap3A_82 = vector.shape_cast %swap3A_81 : vector<1x16xf32> to vector<16xf32>
      %swap3A_83 = vector.shape_cast %broadcast_in_dim3A_1 : vector<16xf32> to vector<1x16xf32>
      tpu.vector_store %arg24[%swap3A, %swap3A_80], %swap3A_83 {strides = array<i32>} : memref<128x32xf32, #tpu.memory_space<vmem>>, vector<1x16xf32>,
      %swap3A_84 = arith.index_cast %add3A_79 : i32 to index
      %swap3A_85 = arith.constant 16 : index
      %swap3A_86 = tpu.vector_load %arg24[%swap3A_84, %swap3A_85] {strides = array<i32>} : memref<128x32xf32, #tpu.memory_space<vmem>>, vector<1x16xf32>,
      %swap3A_87 = vector.shape_cast %swap3A_86 : vector<1x16xf32> to vector<16xf32>
      %swap3A_88 = vector.shape_cast %broadcast_in_dim3A_1 : vector<16xf32> to vector<1x16xf32>
      tpu.vector_store %arg24[%swap3A_84, %swap3A_85], %swap3A_88 {strides = array<i32>} : memref<128x32xf32, #tpu.memory_space<vmem>>, vector<1x16xf32>,
    }
    %scan3A_5 = arith.constant 128 : i32
    %scan3A_6 = arith.constant 0 : i32
    %scan3A_7 = arith.constant 5 : i32
    %scan3A_8 = arith.addi %scan3A_6, %scan3A_7 : i32
    %scan3A_9 = arith.constant 1 : i32
    scf.for %scan3A_75 = %scan3A_6 to %scan3A_8 step %scan3A_9  : i32 {
      %mul3A_76 = arith.constant 1 : i32
      %mul3A_77 = arith.muli %scan3A_75, %mul3A_76 : i32
      %add3A_78 = arith.constant 0 : i32
      %add3A_79 = arith.addi %add3A_78, %mul3A_77 : i32
      %mul3A_80 = arith.constant 640 : i32
      %mul3A_81 = arith.muli %arg1, %mul3A_80 : i32
      %mul3A_82 = arith.constant 128 : i32
      %mul3A_83 = arith.muli %add3A_79, %mul3A_82 : i32
      %add3A_84 = arith.addi %mul3A_81, %mul3A_83 : i32
      "tpu.region"() ({
        %run_scoped3A = tpu.sem_alloc : memref<!tpu.dma_semaphore, #tpu.memory_space<semaphore_mem>>
        %dma_start3A_85 = arith.constant 0 : i32
        %dma_start3A_86 = tpu.memref_slice %arg25[%add3A_84, %dma_start3A_85] : memref<10240x32xf32, #tpu.memory_space<vmem_shared>> -> memref<128x32xf32, #tpu.memory_space<vmem_shared>>
        %dma_start3A_87 = arith.constant 0 : i32
        %dma_start3A_88 = tpu.memref_slice %arg25[%add3A_84, %dma_start3A_87] : memref<10240x32xf32, #tpu.memory_space<vmem_shared>> -> memref<128x32xf32, #tpu.memory_space<vmem_shared>>
        tpu.enqueue_dma source(%arg24 : memref<128x32xf32, #tpu.memory_space<vmem>>) target(%dma_start3A_88 : memref<128x32xf32, #tpu.memory_space<vmem_shared>>) target_semaphore(%run_scoped3A : memref<!tpu.dma_semaphore, #tpu.memory_space<semaphore_mem>>)
        %dma_wait3A = arith.constant 0 : i32
        %dma_wait3A_89 = tpu.memref_slice %arg25[%add3A_84, %dma_wait3A] : memref<10240x32xf32, #tpu.memory_space<vmem_shared>> -> memref<128x32xf32, #tpu.memory_space<vmem_shared>>
        %dma_wait3A_90 = arith.constant 0 : i32
        %dma_wait3A_91 = tpu.memref_slice %arg25[%add3A_84, %dma_wait3A_90] : memref<10240x32xf32, #tpu.memory_space<vmem_shared>> -> memref<128x32xf32, #tpu.memory_space<vmem_shared>>
        tpu.wait_dma2 semaphore(%run_scoped3A : memref<!tpu.dma_semaphore, #tpu.memory_space<semaphore_mem>>) src(%arg24 : memref<128x32xf32, #tpu.memory_space<vmem>>) dst(%dma_wait3A_91 : memref<128x32xf32, #tpu.memory_space<vmem_shared>>)
        tpu.yield
      }) : () -> ()
    }
    %scan3A_10 = arith.constant 5 : i32
    %mul3A_11 = arith.constant 640 : i32
    %mul3A_12 = arith.muli %arg1, %mul3A_11 : i32
    %min3A = arith.constant 9360 : i32
    %min3A_13 = arith.minsi %mul3A_12, %min3A : i32
    %multiple_of3A = tpu.assume_multiple %min3A_13, 16 : i32
    "tpu.region"() ({
      %run_scoped3A = tpu.sem_alloc : memref<!tpu.dma_semaphore, #tpu.memory_space<semaphore_mem>>
      %dma_start3A_75 = arith.constant 0 : i32
      %dma_start3A_76 = arith.constant 0 : i32
      %dma_start3A_77 = tpu.memref_slice %arg3[%add3A, %dma_start3A_75, %dma_start3A_76] : memref<32x80x128xi32, #tpu.memory_space<hbm>> -> memref<1x80x128xi32, #tpu.memory_space<hbm>>
      %dma_start3A_78 = tpu.memref_squeeze %dma_start3A_77 : memref<1x80x128xi32, #tpu.memory_space<hbm>> -> memref<80x128xi32, #tpu.memory_space<hbm>>
      %dma_start3A_79 = arith.constant 0 : i32
      %dma_start3A_80 = arith.constant 0 : i32
      %dma_start3A_81 = tpu.memref_slice %arg3[%add3A, %dma_start3A_79, %dma_start3A_80] : memref<32x80x128xi32, #tpu.memory_space<hbm>> -> memref<1x80x128xi32, #tpu.memory_space<hbm>>
      %dma_start3A_82 = tpu.memref_squeeze %dma_start3A_81 : memref<1x80x128xi32, #tpu.memory_space<hbm>> -> memref<80x128xi32, #tpu.memory_space<hbm>>
      tpu.enqueue_dma source(%dma_start3A_82 : memref<80x128xi32, #tpu.memory_space<hbm>>) target(%arg6 : memref<80x128xi32, #tpu.memory_space<vmem>>) target_semaphore(%run_scoped3A : memref<!tpu.dma_semaphore, #tpu.memory_space<semaphore_mem>>)
      %dma_wait3A = arith.constant 0 : i32
      %dma_wait3A_83 = arith.constant 0 : i32
      %dma_wait3A_84 = tpu.memref_slice %arg3[%add3A, %dma_wait3A, %dma_wait3A_83] : memref<32x80x128xi32, #tpu.memory_space<hbm>> -> memref<1x80x128xi32, #tpu.memory_space<hbm>>
      %dma_wait3A_85 = tpu.memref_squeeze %dma_wait3A_84 : memref<1x80x128xi32, #tpu.memory_space<hbm>> -> memref<80x128xi32, #tpu.memory_space<hbm>>
      %dma_wait3A_86 = arith.constant 0 : i32
      %dma_wait3A_87 = arith.constant 0 : i32
      %dma_wait3A_88 = tpu.memref_slice %arg3[%add3A, %dma_wait3A_86, %dma_wait3A_87] : memref<32x80x128xi32, #tpu.memory_space<hbm>> -> memref<1x80x128xi32, #tpu.memory_space<hbm>>
      %dma_wait3A_89 = tpu.memref_squeeze %dma_wait3A_88 : memref<1x80x128xi32, #tpu.memory_space<hbm>> -> memref<80x128xi32, #tpu.memory_space<hbm>>
      tpu.wait_dma2 semaphore(%run_scoped3A : memref<!tpu.dma_semaphore, #tpu.memory_space<semaphore_mem>>) src(%dma_wait3A_89 : memref<80x128xi32, #tpu.memory_space<hbm>>) dst(%arg6 : memref<80x128xi32, #tpu.memory_space<vmem>>)
      tpu.yield
    }) : () -> ()
    "tpu.region"() ({
      %run_scoped3A = tpu.sem_alloc : memref<!tpu.dma_semaphore, #tpu.memory_space<semaphore_mem>>
      %dma_start3A_75 = arith.constant 0 : i32
      %dma_start3A_76 = arith.constant 0 : i32
      %dma_start3A_77 = tpu.memref_slice %arg4[%add3A, %dma_start3A_75, %dma_start3A_76] : memref<32x80x128xi32, #tpu.memory_space<hbm>> -> memref<1x80x128xi32, #tpu.memory_space<hbm>>
      %dma_start3A_78 = tpu.memref_squeeze %dma_start3A_77 : memref<1x80x128xi32, #tpu.memory_space<hbm>> -> memref<80x128xi32, #tpu.memory_space<hbm>>
      %dma_start3A_79 = arith.constant 0 : i32
      %dma_start3A_80 = arith.constant 0 : i32
      %dma_start3A_81 = tpu.memref_slice %arg4[%add3A, %dma_start3A_79, %dma_start3A_80] : memref<32x80x128xi32, #tpu.memory_space<hbm>> -> memref<1x80x128xi32, #tpu.memory_space<hbm>>
      %dma_start3A_82 = tpu.memref_squeeze %dma_start3A_81 : memref<1x80x128xi32, #tpu.memory_space<hbm>> -> memref<80x128xi32, #tpu.memory_space<hbm>>
      tpu.enqueue_dma source(%dma_start3A_82 : memref<80x128xi32, #tpu.memory_space<hbm>>) target(%arg7 : memref<80x128xi32, #tpu.memory_space<vmem>>) target_semaphore(%run_scoped3A : memref<!tpu.dma_semaphore, #tpu.memory_space<semaphore_mem>>)
      %dma_wait3A = arith.constant 0 : i32
      %dma_wait3A_83 = arith.constant 0 : i32
      %dma_wait3A_84 = tpu.memref_slice %arg4[%add3A, %dma_wait3A, %dma_wait3A_83] : memref<32x80x128xi32, #tpu.memory_space<hbm>> -> memref<1x80x128xi32, #tpu.memory_space<hbm>>
      %dma_wait3A_85 = tpu.memref_squeeze %dma_wait3A_84 : memref<1x80x128xi32, #tpu.memory_space<hbm>> -> memref<80x128xi32, #tpu.memory_space<hbm>>
      %dma_wait3A_86 = arith.constant 0 : i32
      %dma_wait3A_87 = arith.constant 0 : i32
      %dma_wait3A_88 = tpu.memref_slice %arg4[%add3A, %dma_wait3A_86, %dma_wait3A_87] : memref<32x80x128xi32, #tpu.memory_space<hbm>> -> memref<1x80x128xi32, #tpu.memory_space<hbm>>
      %dma_wait3A_89 = tpu.memref_squeeze %dma_wait3A_88 : memref<1x80x128xi32, #tpu.memory_space<hbm>> -> memref<80x128xi32, #tpu.memory_space<hbm>>
      tpu.wait_dma2 semaphore(%run_scoped3A : memref<!tpu.dma_semaphore, #tpu.memory_space<semaphore_mem>>) src(%dma_wait3A_89 : memref<80x128xi32, #tpu.memory_space<hbm>>) dst(%arg7 : memref<80x128xi32, #tpu.memory_space<vmem>>)
      tpu.yield
    }) : () -> ()
    %dma_start3A = arith.constant 0 : i32
    %dma_start3A_14 = arith.constant 0 : i32
    %dma_start3A_15 = tpu.memref_slice %arg6[%dma_start3A, %dma_start3A_14] : memref<80x128xi32, #tpu.memory_space<vmem>> -> memref<1x128xi32, #tpu.memory_space<vmem>>
    %dma_start3A_16 = tpu.memref_squeeze %dma_start3A_15 : memref<1x128xi32, #tpu.memory_space<vmem>> -> memref<128xi32, #tpu.memory_space<vmem>>
    %dma_start3A_17 = arith.constant 0 : i32
    %dma_start3A_18 = arith.constant 0 : i32
    %dma_start3A_19 = tpu.memref_slice %arg2[%dma_start3A_17, %dma_start3A_18] : memref<10240x32xf32, #tpu.memory_space<hbm>> -> memref<10240x32xf32, #tpu.memory_space<hbm>>
    tpu.enqueue_indirect_dma source(%dma_start3A_19 : memref<10240x32xf32, #tpu.memory_space<hbm>>) target(%arg8 : memref<128x32xf32, #tpu.memory_space<vmem>>) offsets(%dma_start3A_16 : memref<128xi32, #tpu.memory_space<vmem>>) semaphore(%arg16 : memref<!tpu.dma_semaphore, #tpu.memory_space<semaphore_mem>>)
    %dma_start3A_20 = arith.constant 1 : i32
    %dma_start3A_21 = arith.constant 0 : i32
    %dma_start3A_22 = tpu.memref_slice %arg6[%dma_start3A_20, %dma_start3A_21] : memref<80x128xi32, #tpu.memory_space<vmem>> -> memref<1x128xi32, #tpu.memory_space<vmem>>
    %dma_start3A_23 = tpu.memref_squeeze %dma_start3A_22 : memref<1x128xi32, #tpu.memory_space<vmem>> -> memref<128xi32, #tpu.memory_space<vmem>>
    %dma_start3A_24 = arith.constant 0 : i32
    %dma_start3A_25 = arith.constant 0 : i32
    %dma_start3A_26 = tpu.memref_slice %arg2[%dma_start3A_24, %dma_start3A_25] : memref<10240x32xf32, #tpu.memory_space<hbm>> -> memref<10240x32xf32, #tpu.memory_space<hbm>>
    tpu.enqueue_indirect_dma source(%dma_start3A_26 : memref<10240x32xf32, #tpu.memory_space<hbm>>) target(%arg9 : memref<128x32xf32, #tpu.memory_space<vmem>>) offsets(%dma_start3A_23 : memref<128xi32, #tpu.memory_space<vmem>>) semaphore(%arg17 : memref<!tpu.dma_semaphore, #tpu.memory_space<semaphore_mem>>)
    %dma_start3A_27 = arith.constant 2 : i32
    %dma_start3A_28 = arith.constant 0 : i32
    %dma_start3A_29 = tpu.memref_slice %arg6[%dma_start3A_27, %dma_start3A_28] : memref<80x128xi32, #tpu.memory_space<vmem>> -> memref<1x128xi32, #tpu.memory_space<vmem>>
    %dma_start3A_30 = tpu.memref_squeeze %dma_start3A_29 : memref<1x128xi32, #tpu.memory_space<vmem>> -> memref<128xi32, #tpu.memory_space<vmem>>
    %dma_start3A_31 = arith.constant 0 : i32
    %dma_start3A_32 = arith.constant 0 : i32
    %dma_start3A_33 = tpu.memref_slice %arg2[%dma_start3A_31, %dma_start3A_32] : memref<10240x32xf32, #tpu.memory_space<hbm>> -> memref<10240x32xf32, #tpu.memory_space<hbm>>
    tpu.enqueue_indirect_dma source(%dma_start3A_33 : memref<10240x32xf32, #tpu.memory_space<hbm>>) target(%arg10 : memref<128x32xf32, #tpu.memory_space<vmem>>) offsets(%dma_start3A_30 : memref<128xi32, #tpu.memory_space<vmem>>) semaphore(%arg18 : memref<!tpu.dma_semaphore, #tpu.memory_space<semaphore_mem>>)
    %dma_start3A_34 = arith.constant 3 : i32
    %dma_start3A_35 = arith.constant 0 : i32
    %dma_start3A_36 = tpu.memref_slice %arg6[%dma_start3A_34, %dma_start3A_35] : memref<80x128xi32, #tpu.memory_space<vmem>> -> memref<1x128xi32, #tpu.memory_space<vmem>>
    %dma_start3A_37 = tpu.memref_squeeze %dma_start3A_36 : memref<1x128xi32, #tpu.memory_space<vmem>> -> memref<128xi32, #tpu.memory_space<vmem>>
    %dma_start3A_38 = arith.constant 0 : i32
    %dma_start3A_39 = arith.constant 0 : i32
    %dma_start3A_40 = tpu.memref_slice %arg2[%dma_start3A_38, %dma_start3A_39] : memref<10240x32xf32, #tpu.memory_space<hbm>> -> memref<10240x32xf32, #tpu.memory_space<hbm>>
    tpu.enqueue_indirect_dma source(%dma_start3A_40 : memref<10240x32xf32, #tpu.memory_space<hbm>>) target(%arg11 : memref<128x32xf32, #tpu.memory_space<vmem>>) offsets(%dma_start3A_37 : memref<128xi32, #tpu.memory_space<vmem>>) semaphore(%arg19 : memref<!tpu.dma_semaphore, #tpu.memory_space<semaphore_mem>>)
    %dma_start3A_41 = arith.constant 4 : i32
    %dma_start3A_42 = arith.constant 0 : i32
    %dma_start3A_43 = tpu.memref_slice %arg6[%dma_start3A_41, %dma_start3A_42] : memref<80x128xi32, #tpu.memory_space<vmem>> -> memref<1x128xi32, #tpu.memory_space<vmem>>
    %dma_start3A_44 = tpu.memref_squeeze %dma_start3A_43 : memref<1x128xi32, #tpu.memory_space<vmem>> -> memref<128xi32, #tpu.memory_space<vmem>>
    %dma_start3A_45 = arith.constant 0 : i32
    %dma_start3A_46 = arith.constant 0 : i32
    %dma_start3A_47 = tpu.memref_slice %arg2[%dma_start3A_45, %dma_start3A_46] : memref<10240x32xf32, #tpu.memory_space<hbm>> -> memref<10240x32xf32, #tpu.memory_space<hbm>>
    tpu.enqueue_indirect_dma source(%dma_start3A_47 : memref<10240x32xf32, #tpu.memory_space<hbm>>) target(%arg12 : memref<128x32xf32, #tpu.memory_space<vmem>>) offsets(%dma_start3A_44 : memref<128xi32, #tpu.memory_space<vmem>>) semaphore(%arg20 : memref<!tpu.dma_semaphore, #tpu.memory_space<semaphore_mem>>)
    %dma_start3A_48 = arith.constant 5 : i32
    %dma_start3A_49 = arith.constant 0 : i32
    %dma_start3A_50 = tpu.memref_slice %arg6[%dma_start3A_48, %dma_start3A_49] : memref<80x128xi32, #tpu.memory_space<vmem>> -> memref<1x128xi32, #tpu.memory_space<vmem>>
    %dma_start3A_51 = tpu.memref_squeeze %dma_start3A_50 : memref<1x128xi32, #tpu.memory_space<vmem>> -> memref<128xi32, #tpu.memory_space<vmem>>
    %dma_start3A_52 = arith.constant 0 : i32
    %dma_start3A_53 = arith.constant 0 : i32
    %dma_start3A_54 = tpu.memref_slice %arg2[%dma_start3A_52, %dma_start3A_53] : memref<10240x32xf32, #tpu.memory_space<hbm>> -> memref<10240x32xf32, #tpu.memory_space<hbm>>
    tpu.enqueue_indirect_dma source(%dma_start3A_54 : memref<10240x32xf32, #tpu.memory_space<hbm>>) target(%arg13 : memref<128x32xf32, #tpu.memory_space<vmem>>) offsets(%dma_start3A_51 : memref<128xi32, #tpu.memory_space<vmem>>) semaphore(%arg21 : memref<!tpu.dma_semaphore, #tpu.memory_space<semaphore_mem>>)
    %dma_start3A_55 = arith.constant 6 : i32
    %dma_start3A_56 = arith.constant 0 : i32
    %dma_start3A_57 = tpu.memref_slice %arg6[%dma_start3A_55, %dma_start3A_56] : memref<80x128xi32, #tpu.memory_space<vmem>> -> memref<1x128xi32, #tpu.memory_space<vmem>>
    %dma_start3A_58 = tpu.memref_squeeze %dma_start3A_57 : memref<1x128xi32, #tpu.memory_space<vmem>> -> memref<128xi32, #tpu.memory_space<vmem>>
    %dma_start3A_59 = arith.constant 0 : i32
    %dma_start3A_60 = arith.constant 0 : i32
    %dma_start3A_61 = tpu.memref_slice %arg2[%dma_start3A_59, %dma_start3A_60] : memref<10240x32xf32, #tpu.memory_space<hbm>> -> memref<10240x32xf32, #tpu.memory_space<hbm>>
    tpu.enqueue_indirect_dma source(%dma_start3A_61 : memref<10240x32xf32, #tpu.memory_space<hbm>>) target(%arg14 : memref<128x32xf32, #tpu.memory_space<vmem>>) offsets(%dma_start3A_58 : memref<128xi32, #tpu.memory_space<vmem>>) semaphore(%arg22 : memref<!tpu.dma_semaphore, #tpu.memory_space<semaphore_mem>>)
    %dma_start3A_62 = arith.constant 7 : i32
    %dma_start3A_63 = arith.constant 0 : i32
    %dma_start3A_64 = tpu.memref_slice %arg6[%dma_start3A_62, %dma_start3A_63] : memref<80x128xi32, #tpu.memory_space<vmem>> -> memref<1x128xi32, #tpu.memory_space<vmem>>
    %dma_start3A_65 = tpu.memref_squeeze %dma_start3A_64 : memref<1x128xi32, #tpu.memory_space<vmem>> -> memref<128xi32, #tpu.memory_space<vmem>>
    %dma_start3A_66 = arith.constant 0 : i32
    %dma_start3A_67 = arith.constant 0 : i32
    %dma_start3A_68 = tpu.memref_slice %arg2[%dma_start3A_66, %dma_start3A_67] : memref<10240x32xf32, #tpu.memory_space<hbm>> -> memref<10240x32xf32, #tpu.memory_space<hbm>>
    tpu.enqueue_indirect_dma source(%dma_start3A_68 : memref<10240x32xf32, #tpu.memory_space<hbm>>) target(%arg15 : memref<128x32xf32, #tpu.memory_space<vmem>>) offsets(%dma_start3A_65 : memref<128xi32, #tpu.memory_space<vmem>>) semaphore(%arg23 : memref<!tpu.dma_semaphore, #tpu.memory_space<semaphore_mem>>)
    %barrier3A = arith.constant 0 : index
    tpu.barrier barrier_id(%barrier3A)
    %scan3A_69 = arith.constant 0 : i32
    %scan3A_70 = arith.constant 10 : i32
    %scan3A_71 = arith.addi %scan3A_69, %scan3A_70 : i32
    %scan3A_72 = arith.constant 1 : i32
    scf.for %scan3A_75 = %scan3A_69 to %scan3A_71 step %scan3A_72  : i32 {
      %mul3A_76 = arith.constant 8 : i32
      %mul3A_77 = arith.muli %scan3A_75, %mul3A_76 : i32
      %add3A_78 = arith.constant 0 : i32
      %add3A_79 = arith.addi %add3A_78, %mul3A_77 : i32
      %add3A_80 = arith.constant 0 : i32
      %add3A_81 = arith.addi %add3A_79, %add3A_80 : i32
      %dma_wait3A = arith.constant 0 : i32
      %dma_wait3A_82 = tpu.memref_slice %arg6[%add3A_81, %dma_wait3A] : memref<80x128xi32, #tpu.memory_space<vmem>> -> memref<1x128xi32, #tpu.memory_space<vmem>>
      %dma_wait3A_83 = tpu.memref_squeeze %dma_wait3A_82 : memref<1x128xi32, #tpu.memory_space<vmem>> -> memref<128xi32, #tpu.memory_space<vmem>>
      %dma_wait3A_84 = arith.constant 0 : i32
      %dma_wait3A_85 = arith.constant 0 : i32
      %dma_wait3A_86 = tpu.memref_slice %arg2[%dma_wait3A_84, %dma_wait3A_85] : memref<10240x32xf32, #tpu.memory_space<hbm>> -> memref<10240x32xf32, #tpu.memory_space<hbm>>
      tpu.wait_indirect_dma semaphore(%arg16 : memref<!tpu.dma_semaphore, #tpu.memory_space<semaphore_mem>>) src(%dma_wait3A_86 : memref<10240x32xf32, #tpu.memory_space<hbm>>) dst(%arg8 : memref<128x32xf32, #tpu.memory_space<vmem>>)
      %add3A_87 = arith.constant 0 : i32
      %add3A_88 = arith.addi %add3A_79, %add3A_87 : i32
      "tpu.region"() ({
        %run_scoped3A = tpu.sem_alloc : memref<!tpu.dma_semaphore, #tpu.memory_space<semaphore_mem>>
        %dma_start3A_228 = arith.constant 0 : i32
        %dma_start3A_229 = tpu.memref_slice %arg7[%add3A_88, %dma_start3A_228] : memref<80x128xi32, #tpu.memory_space<vmem>> -> memref<1x128xi32, #tpu.memory_space<vmem>>
        %dma_start3A_230 = tpu.memref_squeeze %dma_start3A_229 : memref<1x128xi32, #tpu.memory_space<vmem>> -> memref<128xi32, #tpu.memory_space<vmem>>
        %dma_start3A_231 = arith.constant 0 : i32
        %dma_start3A_232 = arith.constant 0 : i32
        %dma_start3A_233 = tpu.memref_slice %arg25[%dma_start3A_231, %dma_start3A_232] : memref<10240x32xf32, #tpu.memory_space<vmem_shared>> -> memref<10240x32xf32, #tpu.memory_space<vmem_shared>>
        tpu.enqueue_indirect_dma source(%arg8 : memref<128x32xf32, #tpu.memory_space<vmem>>) target(%dma_start3A_233 : memref<10240x32xf32, #tpu.memory_space<vmem_shared>>) offsets(%dma_start3A_230 : memref<128xi32, #tpu.memory_space<vmem>>) semaphore(%run_scoped3A : memref<!tpu.dma_semaphore, #tpu.memory_space<semaphore_mem>>) {add = true}
        %dma_wait3A_234 = arith.constant 0 : i32
        %dma_wait3A_235 = tpu.memref_slice %arg7[%add3A_88, %dma_wait3A_234] : memref<80x128xi32, #tpu.memory_space<vmem>> -> memref<1x128xi32, #tpu.memory_space<vmem>>
        %dma_wait3A_236 = tpu.memref_squeeze %dma_wait3A_235 : memref<1x128xi32, #tpu.memory_space<vmem>> -> memref<128xi32, #tpu.memory_space<vmem>>
        %dma_wait3A_237 = arith.constant 0 : i32
        %dma_wait3A_238 = arith.constant 0 : i32
        %dma_wait3A_239 = tpu.memref_slice %arg25[%dma_wait3A_237, %dma_wait3A_238] : memref<10240x32xf32, #tpu.memory_space<vmem_shared>> -> memref<10240x32xf32, #tpu.memory_space<vmem_shared>>
        tpu.wait_indirect_dma semaphore(%run_scoped3A : memref<!tpu.dma_semaphore, #tpu.memory_space<semaphore_mem>>) src(%arg8 : memref<128x32xf32, #tpu.memory_space<vmem>>) dst(%dma_wait3A_239 : memref<10240x32xf32, #tpu.memory_space<vmem_shared>>)
        tpu.yield
      }) : () -> ()
      %add3A_89 = arith.constant 8 : i32
      %add3A_90 = arith.addi %add3A_79, %add3A_89 : i32
      %add3A_91 = arith.constant 0 : i32
      %add3A_92 = arith.addi %add3A_90, %add3A_91 : i32
      %lt3A = arith.constant 80 : i32
      %lt3A_93 = arith.cmpi slt, %add3A_92, %lt3A : i32
      %convert_element_type3A = arith.extui %lt3A_93 : i1 to i32
      %cond3A = arith.constant 0 : i32
      %cond3A_94 = arith.cmpi ne, %convert_element_type3A, %cond3A : i32
      scf.if %cond3A_94 {
        %add3A_228 = arith.constant 8 : i32
        %add3A_229 = arith.addi %add3A_79, %add3A_228 : i32
        %add3A_230 = arith.constant 0 : i32
        %add3A_231 = arith.addi %add3A_229, %add3A_230 : i32
        %dma_start3A_232 = arith.constant 0 : i32
        %dma_start3A_233 = tpu.memref_slice %arg6[%add3A_231, %dma_start3A_232] : memref<80x128xi32, #tpu.memory_space<vmem>> -> memref<1x128xi32, #tpu.memory_space<vmem>>
        %dma_start3A_234 = tpu.memref_squeeze %dma_start3A_233 : memref<1x128xi32, #tpu.memory_space<vmem>> -> memref<128xi32, #tpu.memory_space<vmem>>
        %dma_start3A_235 = arith.constant 0 : i32
        %dma_start3A_236 = arith.constant 0 : i32
        %dma_start3A_237 = tpu.memref_slice %arg2[%dma_start3A_235, %dma_start3A_236] : memref<10240x32xf32, #tpu.memory_space<hbm>> -> memref<10240x32xf32, #tpu.memory_space<hbm>>
        tpu.enqueue_indirect_dma source(%dma_start3A_237 : memref<10240x32xf32, #tpu.memory_space<hbm>>) target(%arg8 : memref<128x32xf32, #tpu.memory_space<vmem>>) offsets(%dma_start3A_234 : memref<128xi32, #tpu.memory_space<vmem>>) semaphore(%arg16 : memref<!tpu.dma_semaphore, #tpu.memory_space<semaphore_mem>>)
      } else {
      }
      %add3A_95 = arith.constant 1 : i32
      %add3A_96 = arith.addi %add3A_79, %add3A_95 : i32
      %dma_wait3A_97 = arith.constant 0 : i32
      %dma_wait3A_98 = tpu.memref_slice %arg6[%add3A_96, %dma_wait3A_97] : memref<80x128xi32, #tpu.memory_space<vmem>> -> memref<1x128xi32, #tpu.memory_space<vmem>>
      %dma_wait3A_99 = tpu.memref_squeeze %dma_wait3A_98 : memref<1x128xi32, #tpu.memory_space<vmem>> -> memref<128xi32, #tpu.memory_space<vmem>>
      %dma_wait3A_100 = arith.constant 0 : i32
      %dma_wait3A_101 = arith.constant 0 : i32
      %dma_wait3A_102 = tpu.memref_slice %arg2[%dma_wait3A_100, %dma_wait3A_101] : memref<10240x32xf32, #tpu.memory_space<hbm>> -> memref<10240x32xf32, #tpu.memory_space<hbm>>
      tpu.wait_indirect_dma semaphore(%arg17 : memref<!tpu.dma_semaphore, #tpu.memory_space<semaphore_mem>>) src(%dma_wait3A_102 : memref<10240x32xf32, #tpu.memory_space<hbm>>) dst(%arg9 : memref<128x32xf32, #tpu.memory_space<vmem>>)
      %add3A_103 = arith.constant 1 : i32
      %add3A_104 = arith.addi %add3A_79, %add3A_103 : i32
      "tpu.region"() ({
        %run_scoped3A = tpu.sem_alloc : memref<!tpu.dma_semaphore, #tpu.memory_space<semaphore_mem>>
        %dma_start3A_228 = arith.constant 0 : i32
        %dma_start3A_229 = tpu.memref_slice %arg7[%add3A_104, %dma_start3A_228] : memref<80x128xi32, #tpu.memory_space<vmem>> -> memref<1x128xi32, #tpu.memory_space<vmem>>
        %dma_start3A_230 = tpu.memref_squeeze %dma_start3A_229 : memref<1x128xi32, #tpu.memory_space<vmem>> -> memref<128xi32, #tpu.memory_space<vmem>>
        %dma_start3A_231 = arith.constant 0 : i32
        %dma_start3A_232 = arith.constant 0 : i32
        %dma_start3A_233 = tpu.memref_slice %arg25[%dma_start3A_231, %dma_start3A_232] : memref<10240x32xf32, #tpu.memory_space<vmem_shared>> -> memref<10240x32xf32, #tpu.memory_space<vmem_shared>>
        tpu.enqueue_indirect_dma source(%arg9 : memref<128x32xf32, #tpu.memory_space<vmem>>) target(%dma_start3A_233 : memref<10240x32xf32, #tpu.memory_space<vmem_shared>>) offsets(%dma_start3A_230 : memref<128xi32, #tpu.memory_space<vmem>>) semaphore(%run_scoped3A : memref<!tpu.dma_semaphore, #tpu.memory_space<semaphore_mem>>) {add = true}
        %dma_wait3A_234 = arith.constant 0 : i32
        %dma_wait3A_235 = tpu.memref_slice %arg7[%add3A_104, %dma_wait3A_234] : memref<80x128xi32, #tpu.memory_space<vmem>> -> memref<1x128xi32, #tpu.memory_space<vmem>>
        %dma_wait3A_236 = tpu.memref_squeeze %dma_wait3A_235 : memref<1x128xi32, #tpu.memory_space<vmem>> -> memref<128xi32, #tpu.memory_space<vmem>>
        %dma_wait3A_237 = arith.constant 0 : i32
        %dma_wait3A_238 = arith.constant 0 : i32
        %dma_wait3A_239 = tpu.memref_slice %arg25[%dma_wait3A_237, %dma_wait3A_238] : memref<10240x32xf32, #tpu.memory_space<vmem_shared>> -> memref<10240x32xf32, #tpu.memory_space<vmem_shared>>
        tpu.wait_indirect_dma semaphore(%run_scoped3A : memref<!tpu.dma_semaphore, #tpu.memory_space<semaphore_mem>>) src(%arg9 : memref<128x32xf32, #tpu.memory_space<vmem>>) dst(%dma_wait3A_239 : memref<10240x32xf32, #tpu.memory_space<vmem_shared>>)
        tpu.yield
      }) : () -> ()
      %add3A_105 = arith.constant 8 : i32
      %add3A_106 = arith.addi %add3A_79, %add3A_105 : i32
      %add3A_107 = arith.constant 1 : i32
      %add3A_108 = arith.addi %add3A_106, %add3A_107 : i32
      %lt3A_109 = arith.constant 80 : i32
      %lt3A_110 = arith.cmpi slt, %add3A_108, %lt3A_109 : i32
      %convert_element_type3A_111 = arith.extui %lt3A_110 : i1 to i32
      %cond3A_112 = arith.constant 0 : i32
      %cond3A_113 = arith.cmpi ne, %convert_element_type3A_111, %cond3A_112 : i32
      scf.if %cond3A_113 {
        %add3A_228 = arith.constant 8 : i32
        %add3A_229 = arith.addi %add3A_79, %add3A_228 : i32
        %add3A_230 = arith.constant 1 : i32
        %add3A_231 = arith.addi %add3A_229, %add3A_230 : i32
        %dma_start3A_232 = arith.constant 0 : i32
        %dma_start3A_233 = tpu.memref_slice %arg6[%add3A_231, %dma_start3A_232] : memref<80x128xi32, #tpu.memory_space<vmem>> -> memref<1x128xi32, #tpu.memory_space<vmem>>
        %dma_start3A_234 = tpu.memref_squeeze %dma_start3A_233 : memref<1x128xi32, #tpu.memory_space<vmem>> -> memref<128xi32, #tpu.memory_space<vmem>>
        %dma_start3A_235 = arith.constant 0 : i32
        %dma_start3A_236 = arith.constant 0 : i32
        %dma_start3A_237 = tpu.memref_slice %arg2[%dma_start3A_235, %dma_start3A_236] : memref<10240x32xf32, #tpu.memory_space<hbm>> -> memref<10240x32xf32, #tpu.memory_space<hbm>>
        tpu.enqueue_indirect_dma source(%dma_start3A_237 : memref<10240x32xf32, #tpu.memory_space<hbm>>) target(%arg9 : memref<128x32xf32, #tpu.memory_space<vmem>>) offsets(%dma_start3A_234 : memref<128xi32, #tpu.memory_space<vmem>>) semaphore(%arg17 : memref<!tpu.dma_semaphore, #tpu.memory_space<semaphore_mem>>)
      } else {
      }
      %add3A_114 = arith.constant 2 : i32
      %add3A_115 = arith.addi %add3A_79, %add3A_114 : i32
      %dma_wait3A_116 = arith.constant 0 : i32
      %dma_wait3A_117 = tpu.memref_slice %arg6[%add3A_115, %dma_wait3A_116] : memref<80x128xi32, #tpu.memory_space<vmem>> -> memref<1x128xi32, #tpu.memory_space<vmem>>
      %dma_wait3A_118 = tpu.memref_squeeze %dma_wait3A_117 : memref<1x128xi32, #tpu.memory_space<vmem>> -> memref<128xi32, #tpu.memory_space<vmem>>
      %dma_wait3A_119 = arith.constant 0 : i32
      %dma_wait3A_120 = arith.constant 0 : i32
      %dma_wait3A_121 = tpu.memref_slice %arg2[%dma_wait3A_119, %dma_wait3A_120] : memref<10240x32xf32, #tpu.memory_space<hbm>> -> memref<10240x32xf32, #tpu.memory_space<hbm>>
      tpu.wait_indirect_dma semaphore(%arg18 : memref<!tpu.dma_semaphore, #tpu.memory_space<semaphore_mem>>) src(%dma_wait3A_121 : memref<10240x32xf32, #tpu.memory_space<hbm>>) dst(%arg10 : memref<128x32xf32, #tpu.memory_space<vmem>>)
      %add3A_122 = arith.constant 2 : i32
      %add3A_123 = arith.addi %add3A_79, %add3A_122 : i32
      "tpu.region"() ({
        %run_scoped3A = tpu.sem_alloc : memref<!tpu.dma_semaphore, #tpu.memory_space<semaphore_mem>>
        %dma_start3A_228 = arith.constant 0 : i32
        %dma_start3A_229 = tpu.memref_slice %arg7[%add3A_123, %dma_start3A_228] : memref<80x128xi32, #tpu.memory_space<vmem>> -> memref<1x128xi32, #tpu.memory_space<vmem>>
        %dma_start3A_230 = tpu.memref_squeeze %dma_start3A_229 : memref<1x128xi32, #tpu.memory_space<vmem>> -> memref<128xi32, #tpu.memory_space<vmem>>
        %dma_start3A_231 = arith.constant 0 : i32
        %dma_start3A_232 = arith.constant 0 : i32
        %dma_start3A_233 = tpu.memref_slice %arg25[%dma_start3A_231, %dma_start3A_232] : memref<10240x32xf32, #tpu.memory_space<vmem_shared>> -> memref<10240x32xf32, #tpu.memory_space<vmem_shared>>
        tpu.enqueue_indirect_dma source(%arg10 : memref<128x32xf32, #tpu.memory_space<vmem>>) target(%dma_start3A_233 : memref<10240x32xf32, #tpu.memory_space<vmem_shared>>) offsets(%dma_start3A_230 : memref<128xi32, #tpu.memory_space<vmem>>) semaphore(%run_scoped3A : memref<!tpu.dma_semaphore, #tpu.memory_space<semaphore_mem>>) {add = true}
        %dma_wait3A_234 = arith.constant 0 : i32
        %dma_wait3A_235 = tpu.memref_slice %arg7[%add3A_123, %dma_wait3A_234] : memref<80x128xi32, #tpu.memory_space<vmem>> -> memref<1x128xi32, #tpu.memory_space<vmem>>
        %dma_wait3A_236 = tpu.memref_squeeze %dma_wait3A_235 : memref<1x128xi32, #tpu.memory_space<vmem>> -> memref<128xi32, #tpu.memory_space<vmem>>
        %dma_wait3A_237 = arith.constant 0 : i32
        %dma_wait3A_238 = arith.constant 0 : i32
        %dma_wait3A_239 = tpu.memref_slice %arg25[%dma_wait3A_237, %dma_wait3A_238] : memref<10240x32xf32, #tpu.memory_space<vmem_shared>> -> memref<10240x32xf32, #tpu.memory_space<vmem_shared>>
        tpu.wait_indirect_dma semaphore(%run_scoped3A : memref<!tpu.dma_semaphore, #tpu.memory_space<semaphore_mem>>) src(%arg10 : memref<128x32xf32, #tpu.memory_space<vmem>>) dst(%dma_wait3A_239 : memref<10240x32xf32, #tpu.memory_space<vmem_shared>>)
        tpu.yield
      }) : () -> ()
      %add3A_124 = arith.constant 8 : i32
      %add3A_125 = arith.addi %add3A_79, %add3A_124 : i32
      %add3A_126 = arith.constant 2 : i32
      %add3A_127 = arith.addi %add3A_125, %add3A_126 : i32
      %lt3A_128 = arith.constant 80 : i32
      %lt3A_129 = arith.cmpi slt, %add3A_127, %lt3A_128 : i32
      %convert_element_type3A_130 = arith.extui %lt3A_129 : i1 to i32
      %cond3A_131 = arith.constant 0 : i32
      %cond3A_132 = arith.cmpi ne, %convert_element_type3A_130, %cond3A_131 : i32
      scf.if %cond3A_132 {
        %add3A_228 = arith.constant 8 : i32
        %add3A_229 = arith.addi %add3A_79, %add3A_228 : i32
        %add3A_230 = arith.constant 2 : i32
        %add3A_231 = arith.addi %add3A_229, %add3A_230 : i32
        %dma_start3A_232 = arith.constant 0 : i32
        %dma_start3A_233 = tpu.memref_slice %arg6[%add3A_231, %dma_start3A_232] : memref<80x128xi32, #tpu.memory_space<vmem>> -> memref<1x128xi32, #tpu.memory_space<vmem>>
        %dma_start3A_234 = tpu.memref_squeeze %dma_start3A_233 : memref<1x128xi32, #tpu.memory_space<vmem>> -> memref<128xi32, #tpu.memory_space<vmem>>
        %dma_start3A_235 = arith.constant 0 : i32
        %dma_start3A_236 = arith.constant 0 : i32
        %dma_start3A_237 = tpu.memref_slice %arg2[%dma_start3A_235, %dma_start3A_236] : memref<10240x32xf32, #tpu.memory_space<hbm>> -> memref<10240x32xf32, #tpu.memory_space<hbm>>
        tpu.enqueue_indirect_dma source(%dma_start3A_237 : memref<10240x32xf32, #tpu.memory_space<hbm>>) target(%arg10 : memref<128x32xf32, #tpu.memory_space<vmem>>) offsets(%dma_start3A_234 : memref<128xi32, #tpu.memory_space<vmem>>) semaphore(%arg18 : memref<!tpu.dma_semaphore, #tpu.memory_space<semaphore_mem>>)
      } else {
      }
      %add3A_133 = arith.constant 3 : i32
      %add3A_134 = arith.addi %add3A_79, %add3A_133 : i32
      %dma_wait3A_135 = arith.constant 0 : i32
      %dma_wait3A_136 = tpu.memref_slice %arg6[%add3A_134, %dma_wait3A_135] : memref<80x128xi32, #tpu.memory_space<vmem>> -> memref<1x128xi32, #tpu.memory_space<vmem>>
      %dma_wait3A_137 = tpu.memref_squeeze %dma_wait3A_136 : memref<1x128xi32, #tpu.memory_space<vmem>> -> memref<128xi32, #tpu.memory_space<vmem>>
      %dma_wait3A_138 = arith.constant 0 : i32
      %dma_wait3A_139 = arith.constant 0 : i32
      %dma_wait3A_140 = tpu.memref_slice %arg2[%dma_wait3A_138, %dma_wait3A_139] : memref<10240x32xf32, #tpu.memory_space<hbm>> -> memref<10240x32xf32, #tpu.memory_space<hbm>>
      tpu.wait_indirect_dma semaphore(%arg19 : memref<!tpu.dma_semaphore, #tpu.memory_space<semaphore_mem>>) src(%dma_wait3A_140 : memref<10240x32xf32, #tpu.memory_space<hbm>>) dst(%arg11 : memref<128x32xf32, #tpu.memory_space<vmem>>)
      %add3A_141 = arith.constant 3 : i32
      %add3A_142 = arith.addi %add3A_79, %add3A_141 : i32
      "tpu.region"() ({
        %run_scoped3A = tpu.sem_alloc : memref<!tpu.dma_semaphore, #tpu.memory_space<semaphore_mem>>
        %dma_start3A_228 = arith.constant 0 : i32
        %dma_start3A_229 = tpu.memref_slice %arg7[%add3A_142, %dma_start3A_228] : memref<80x128xi32, #tpu.memory_space<vmem>> -> memref<1x128xi32, #tpu.memory_space<vmem>>
        %dma_start3A_230 = tpu.memref_squeeze %dma_start3A_229 : memref<1x128xi32, #tpu.memory_space<vmem>> -> memref<128xi32, #tpu.memory_space<vmem>>
        %dma_start3A_231 = arith.constant 0 : i32
        %dma_start3A_232 = arith.constant 0 : i32
        %dma_start3A_233 = tpu.memref_slice %arg25[%dma_start3A_231, %dma_start3A_232] : memref<10240x32xf32, #tpu.memory_space<vmem_shared>> -> memref<10240x32xf32, #tpu.memory_space<vmem_shared>>
        tpu.enqueue_indirect_dma source(%arg11 : memref<128x32xf32, #tpu.memory_space<vmem>>) target(%dma_start3A_233 : memref<10240x32xf32, #tpu.memory_space<vmem_shared>>) offsets(%dma_start3A_230 : memref<128xi32, #tpu.memory_space<vmem>>) semaphore(%run_scoped3A : memref<!tpu.dma_semaphore, #tpu.memory_space<semaphore_mem>>) {add = true}
        %dma_wait3A_234 = arith.constant 0 : i32
        %dma_wait3A_235 = tpu.memref_slice %arg7[%add3A_142, %dma_wait3A_234] : memref<80x128xi32, #tpu.memory_space<vmem>> -> memref<1x128xi32, #tpu.memory_space<vmem>>
        %dma_wait3A_236 = tpu.memref_squeeze %dma_wait3A_235 : memref<1x128xi32, #tpu.memory_space<vmem>> -> memref<128xi32, #tpu.memory_space<vmem>>
        %dma_wait3A_237 = arith.constant 0 : i32
        %dma_wait3A_238 = arith.constant 0 : i32
        %dma_wait3A_239 = tpu.memref_slice %arg25[%dma_wait3A_237, %dma_wait3A_238] : memref<10240x32xf32, #tpu.memory_space<vmem_shared>> -> memref<10240x32xf32, #tpu.memory_space<vmem_shared>>
        tpu.wait_indirect_dma semaphore(%run_scoped3A : memref<!tpu.dma_semaphore, #tpu.memory_space<semaphore_mem>>) src(%arg11 : memref<128x32xf32, #tpu.memory_space<vmem>>) dst(%dma_wait3A_239 : memref<10240x32xf32, #tpu.memory_space<vmem_shared>>)
        tpu.yield
      }) : () -> ()
      %add3A_143 = arith.constant 8 : i32
      %add3A_144 = arith.addi %add3A_79, %add3A_143 : i32
      %add3A_145 = arith.constant 3 : i32
      %add3A_146 = arith.addi %add3A_144, %add3A_145 : i32
      %lt3A_147 = arith.constant 80 : i32
      %lt3A_148 = arith.cmpi slt, %add3A_146, %lt3A_147 : i32
      %convert_element_type3A_149 = arith.extui %lt3A_148 : i1 to i32
      %cond3A_150 = arith.constant 0 : i32
      %cond3A_151 = arith.cmpi ne, %convert_element_type3A_149, %cond3A_150 : i32
      scf.if %cond3A_151 {
        %add3A_228 = arith.constant 8 : i32
        %add3A_229 = arith.addi %add3A_79, %add3A_228 : i32
        %add3A_230 = arith.constant 3 : i32
        %add3A_231 = arith.addi %add3A_229, %add3A_230 : i32
        %dma_start3A_232 = arith.constant 0 : i32
        %dma_start3A_233 = tpu.memref_slice %arg6[%add3A_231, %dma_start3A_232] : memref<80x128xi32, #tpu.memory_space<vmem>> -> memref<1x128xi32, #tpu.memory_space<vmem>>
        %dma_start3A_234 = tpu.memref_squeeze %dma_start3A_233 : memref<1x128xi32, #tpu.memory_space<vmem>> -> memref<128xi32, #tpu.memory_space<vmem>>
        %dma_start3A_235 = arith.constant 0 : i32
        %dma_start3A_236 = arith.constant 0 : i32
        %dma_start3A_237 = tpu.memref_slice %arg2[%dma_start3A_235, %dma_start3A_236] : memref<10240x32xf32, #tpu.memory_space<hbm>> -> memref<10240x32xf32, #tpu.memory_space<hbm>>
        tpu.enqueue_indirect_dma source(%dma_start3A_237 : memref<10240x32xf32, #tpu.memory_space<hbm>>) target(%arg11 : memref<128x32xf32, #tpu.memory_space<vmem>>) offsets(%dma_start3A_234 : memref<128xi32, #tpu.memory_space<vmem>>) semaphore(%arg19 : memref<!tpu.dma_semaphore, #tpu.memory_space<semaphore_mem>>)
      } else {
      }
      %add3A_152 = arith.constant 4 : i32
      %add3A_153 = arith.addi %add3A_79, %add3A_152 : i32
      %dma_wait3A_154 = arith.constant 0 : i32
      %dma_wait3A_155 = tpu.memref_slice %arg6[%add3A_153, %dma_wait3A_154] : memref<80x128xi32, #tpu.memory_space<vmem>> -> memref<1x128xi32, #tpu.memory_space<vmem>>
      %dma_wait3A_156 = tpu.memref_squeeze %dma_wait3A_155 : memref<1x128xi32, #tpu.memory_space<vmem>> -> memref<128xi32, #tpu.memory_space<vmem>>
      %dma_wait3A_157 = arith.constant 0 : i32
      %dma_wait3A_158 = arith.constant 0 : i32
      %dma_wait3A_159 = tpu.memref_slice %arg2[%dma_wait3A_157, %dma_wait3A_158] : memref<10240x32xf32, #tpu.memory_space<hbm>> -> memref<10240x32xf32, #tpu.memory_space<hbm>>
      tpu.wait_indirect_dma semaphore(%arg20 : memref<!tpu.dma_semaphore, #tpu.memory_space<semaphore_mem>>) src(%dma_wait3A_159 : memref<10240x32xf32, #tpu.memory_space<hbm>>) dst(%arg12 : memref<128x32xf32, #tpu.memory_space<vmem>>)
      %add3A_160 = arith.constant 4 : i32
      %add3A_161 = arith.addi %add3A_79, %add3A_160 : i32
      "tpu.region"() ({
        %run_scoped3A = tpu.sem_alloc : memref<!tpu.dma_semaphore, #tpu.memory_space<semaphore_mem>>
        %dma_start3A_228 = arith.constant 0 : i32
        %dma_start3A_229 = tpu.memref_slice %arg7[%add3A_161, %dma_start3A_228] : memref<80x128xi32, #tpu.memory_space<vmem>> -> memref<1x128xi32, #tpu.memory_space<vmem>>
        %dma_start3A_230 = tpu.memref_squeeze %dma_start3A_229 : memref<1x128xi32, #tpu.memory_space<vmem>> -> memref<128xi32, #tpu.memory_space<vmem>>
        %dma_start3A_231 = arith.constant 0 : i32
        %dma_start3A_232 = arith.constant 0 : i32
        %dma_start3A_233 = tpu.memref_slice %arg25[%dma_start3A_231, %dma_start3A_232] : memref<10240x32xf32, #tpu.memory_space<vmem_shared>> -> memref<10240x32xf32, #tpu.memory_space<vmem_shared>>
        tpu.enqueue_indirect_dma source(%arg12 : memref<128x32xf32, #tpu.memory_space<vmem>>) target(%dma_start3A_233 : memref<10240x32xf32, #tpu.memory_space<vmem_shared>>) offsets(%dma_start3A_230 : memref<128xi32, #tpu.memory_space<vmem>>) semaphore(%run_scoped3A : memref<!tpu.dma_semaphore, #tpu.memory_space<semaphore_mem>>) {add = true}
        %dma_wait3A_234 = arith.constant 0 : i32
        %dma_wait3A_235 = tpu.memref_slice %arg7[%add3A_161, %dma_wait3A_234] : memref<80x128xi32, #tpu.memory_space<vmem>> -> memref<1x128xi32, #tpu.memory_space<vmem>>
        %dma_wait3A_236 = tpu.memref_squeeze %dma_wait3A_235 : memref<1x128xi32, #tpu.memory_space<vmem>> -> memref<128xi32, #tpu.memory_space<vmem>>
        %dma_wait3A_237 = arith.constant 0 : i32
        %dma_wait3A_238 = arith.constant 0 : i32
        %dma_wait3A_239 = tpu.memref_slice %arg25[%dma_wait3A_237, %dma_wait3A_238] : memref<10240x32xf32, #tpu.memory_space<vmem_shared>> -> memref<10240x32xf32, #tpu.memory_space<vmem_shared>>
        tpu.wait_indirect_dma semaphore(%run_scoped3A : memref<!tpu.dma_semaphore, #tpu.memory_space<semaphore_mem>>) src(%arg12 : memref<128x32xf32, #tpu.memory_space<vmem>>) dst(%dma_wait3A_239 : memref<10240x32xf32, #tpu.memory_space<vmem_shared>>)
        tpu.yield
      }) : () -> ()
      %add3A_162 = arith.constant 8 : i32
      %add3A_163 = arith.addi %add3A_79, %add3A_162 : i32
      %add3A_164 = arith.constant 4 : i32
      %add3A_165 = arith.addi %add3A_163, %add3A_164 : i32
      %lt3A_166 = arith.constant 80 : i32
      %lt3A_167 = arith.cmpi slt, %add3A_165, %lt3A_166 : i32
      %convert_element_type3A_168 = arith.extui %lt3A_167 : i1 to i32
      %cond3A_169 = arith.constant 0 : i32
      %cond3A_170 = arith.cmpi ne, %convert_element_type3A_168, %cond3A_169 : i32
      scf.if %cond3A_170 {
        %add3A_228 = arith.constant 8 : i32
        %add3A_229 = arith.addi %add3A_79, %add3A_228 : i32
        %add3A_230 = arith.constant 4 : i32
        %add3A_231 = arith.addi %add3A_229, %add3A_230 : i32
        %dma_start3A_232 = arith.constant 0 : i32
        %dma_start3A_233 = tpu.memref_slice %arg6[%add3A_231, %dma_start3A_232] : memref<80x128xi32, #tpu.memory_space<vmem>> -> memref<1x128xi32, #tpu.memory_space<vmem>>
        %dma_start3A_234 = tpu.memref_squeeze %dma_start3A_233 : memref<1x128xi32, #tpu.memory_space<vmem>> -> memref<128xi32, #tpu.memory_space<vmem>>
        %dma_start3A_235 = arith.constant 0 : i32
        %dma_start3A_236 = arith.constant 0 : i32
        %dma_start3A_237 = tpu.memref_slice %arg2[%dma_start3A_235, %dma_start3A_236] : memref<10240x32xf32, #tpu.memory_space<hbm>> -> memref<10240x32xf32, #tpu.memory_space<hbm>>
        tpu.enqueue_indirect_dma source(%dma_start3A_237 : memref<10240x32xf32, #tpu.memory_space<hbm>>) target(%arg12 : memref<128x32xf32, #tpu.memory_space<vmem>>) offsets(%dma_start3A_234 : memref<128xi32, #tpu.memory_space<vmem>>) semaphore(%arg20 : memref<!tpu.dma_semaphore, #tpu.memory_space<semaphore_mem>>)
      } else {
      }
      %add3A_171 = arith.constant 5 : i32
      %add3A_172 = arith.addi %add3A_79, %add3A_171 : i32
      %dma_wait3A_173 = arith.constant 0 : i32
      %dma_wait3A_174 = tpu.memref_slice %arg6[%add3A_172, %dma_wait3A_173] : memref<80x128xi32, #tpu.memory_space<vmem>> -> memref<1x128xi32, #tpu.memory_space<vmem>>
      %dma_wait3A_175 = tpu.memref_squeeze %dma_wait3A_174 : memref<1x128xi32, #tpu.memory_space<vmem>> -> memref<128xi32, #tpu.memory_space<vmem>>
      %dma_wait3A_176 = arith.constant 0 : i32
      %dma_wait3A_177 = arith.constant 0 : i32
      %dma_wait3A_178 = tpu.memref_slice %arg2[%dma_wait3A_176, %dma_wait3A_177] : memref<10240x32xf32, #tpu.memory_space<hbm>> -> memref<10240x32xf32, #tpu.memory_space<hbm>>
      tpu.wait_indirect_dma semaphore(%arg21 : memref<!tpu.dma_semaphore, #tpu.memory_space<semaphore_mem>>) src(%dma_wait3A_178 : memref<10240x32xf32, #tpu.memory_space<hbm>>) dst(%arg13 : memref<128x32xf32, #tpu.memory_space<vmem>>)
      %add3A_179 = arith.constant 5 : i32
      %add3A_180 = arith.addi %add3A_79, %add3A_179 : i32
      "tpu.region"() ({
        %run_scoped3A = tpu.sem_alloc : memref<!tpu.dma_semaphore, #tpu.memory_space<semaphore_mem>>
        %dma_start3A_228 = arith.constant 0 : i32
        %dma_start3A_229 = tpu.memref_slice %arg7[%add3A_180, %dma_start3A_228] : memref<80x128xi32, #tpu.memory_space<vmem>> -> memref<1x128xi32, #tpu.memory_space<vmem>>
        %dma_start3A_230 = tpu.memref_squeeze %dma_start3A_229 : memref<1x128xi32, #tpu.memory_space<vmem>> -> memref<128xi32, #tpu.memory_space<vmem>>
        %dma_start3A_231 = arith.constant 0 : i32
        %dma_start3A_232 = arith.constant 0 : i32
        %dma_start3A_233 = tpu.memref_slice %arg25[%dma_start3A_231, %dma_start3A_232] : memref<10240x32xf32, #tpu.memory_space<vmem_shared>> -> memref<10240x32xf32, #tpu.memory_space<vmem_shared>>
        tpu.enqueue_indirect_dma source(%arg13 : memref<128x32xf32, #tpu.memory_space<vmem>>) target(%dma_start3A_233 : memref<10240x32xf32, #tpu.memory_space<vmem_shared>>) offsets(%dma_start3A_230 : memref<128xi32, #tpu.memory_space<vmem>>) semaphore(%run_scoped3A : memref<!tpu.dma_semaphore, #tpu.memory_space<semaphore_mem>>) {add = true}
        %dma_wait3A_234 = arith.constant 0 : i32
        %dma_wait3A_235 = tpu.memref_slice %arg7[%add3A_180, %dma_wait3A_234] : memref<80x128xi32, #tpu.memory_space<vmem>> -> memref<1x128xi32, #tpu.memory_space<vmem>>
        %dma_wait3A_236 = tpu.memref_squeeze %dma_wait3A_235 : memref<1x128xi32, #tpu.memory_space<vmem>> -> memref<128xi32, #tpu.memory_space<vmem>>
        %dma_wait3A_237 = arith.constant 0 : i32
        %dma_wait3A_238 = arith.constant 0 : i32
        %dma_wait3A_239 = tpu.memref_slice %arg25[%dma_wait3A_237, %dma_wait3A_238] : memref<10240x32xf32, #tpu.memory_space<vmem_shared>> -> memref<10240x32xf32, #tpu.memory_space<vmem_shared>>
        tpu.wait_indirect_dma semaphore(%run_scoped3A : memref<!tpu.dma_semaphore, #tpu.memory_space<semaphore_mem>>) src(%arg13 : memref<128x32xf32, #tpu.memory_space<vmem>>) dst(%dma_wait3A_239 : memref<10240x32xf32, #tpu.memory_space<vmem_shared>>)
        tpu.yield
      }) : () -> ()
      %add3A_181 = arith.constant 8 : i32
      %add3A_182 = arith.addi %add3A_79, %add3A_181 : i32
      %add3A_183 = arith.constant 5 : i32
      %add3A_184 = arith.addi %add3A_182, %add3A_183 : i32
      %lt3A_185 = arith.constant 80 : i32
      %lt3A_186 = arith.cmpi slt, %add3A_184, %lt3A_185 : i32
      %convert_element_type3A_187 = arith.extui %lt3A_186 : i1 to i32
      %cond3A_188 = arith.constant 0 : i32
      %cond3A_189 = arith.cmpi ne, %convert_element_type3A_187, %cond3A_188 : i32
      scf.if %cond3A_189 {
        %add3A_228 = arith.constant 8 : i32
        %add3A_229 = arith.addi %add3A_79, %add3A_228 : i32
        %add3A_230 = arith.constant 5 : i32
        %add3A_231 = arith.addi %add3A_229, %add3A_230 : i32
        %dma_start3A_232 = arith.constant 0 : i32
        %dma_start3A_233 = tpu.memref_slice %arg6[%add3A_231, %dma_start3A_232] : memref<80x128xi32, #tpu.memory_space<vmem>> -> memref<1x128xi32, #tpu.memory_space<vmem>>
        %dma_start3A_234 = tpu.memref_squeeze %dma_start3A_233 : memref<1x128xi32, #tpu.memory_space<vmem>> -> memref<128xi32, #tpu.memory_space<vmem>>
        %dma_start3A_235 = arith.constant 0 : i32
        %dma_start3A_236 = arith.constant 0 : i32
        %dma_start3A_237 = tpu.memref_slice %arg2[%dma_start3A_235, %dma_start3A_236] : memref<10240x32xf32, #tpu.memory_space<hbm>> -> memref<10240x32xf32, #tpu.memory_space<hbm>>
        tpu.enqueue_indirect_dma source(%dma_start3A_237 : memref<10240x32xf32, #tpu.memory_space<hbm>>) target(%arg13 : memref<128x32xf32, #tpu.memory_space<vmem>>) offsets(%dma_start3A_234 : memref<128xi32, #tpu.memory_space<vmem>>) semaphore(%arg21 : memref<!tpu.dma_semaphore, #tpu.memory_space<semaphore_mem>>)
      } else {
      }
      %add3A_190 = arith.constant 6 : i32
      %add3A_191 = arith.addi %add3A_79, %add3A_190 : i32
      %dma_wait3A_192 = arith.constant 0 : i32
      %dma_wait3A_193 = tpu.memref_slice %arg6[%add3A_191, %dma_wait3A_192] : memref<80x128xi32, #tpu.memory_space<vmem>> -> memref<1x128xi32, #tpu.memory_space<vmem>>
      %dma_wait3A_194 = tpu.memref_squeeze %dma_wait3A_193 : memref<1x128xi32, #tpu.memory_space<vmem>> -> memref<128xi32, #tpu.memory_space<vmem>>
      %dma_wait3A_195 = arith.constant 0 : i32
      %dma_wait3A_196 = arith.constant 0 : i32
      %dma_wait3A_197 = tpu.memref_slice %arg2[%dma_wait3A_195, %dma_wait3A_196] : memref<10240x32xf32, #tpu.memory_space<hbm>> -> memref<10240x32xf32, #tpu.memory_space<hbm>>
      tpu.wait_indirect_dma semaphore(%arg22 : memref<!tpu.dma_semaphore, #tpu.memory_space<semaphore_mem>>) src(%dma_wait3A_197 : memref<10240x32xf32, #tpu.memory_space<hbm>>) dst(%arg14 : memref<128x32xf32, #tpu.memory_space<vmem>>)
      %add3A_198 = arith.constant 6 : i32
      %add3A_199 = arith.addi %add3A_79, %add3A_198 : i32
      "tpu.region"() ({
        %run_scoped3A = tpu.sem_alloc : memref<!tpu.dma_semaphore, #tpu.memory_space<semaphore_mem>>
        %dma_start3A_228 = arith.constant 0 : i32
        %dma_start3A_229 = tpu.memref_slice %arg7[%add3A_199, %dma_start3A_228] : memref<80x128xi32, #tpu.memory_space<vmem>> -> memref<1x128xi32, #tpu.memory_space<vmem>>
        %dma_start3A_230 = tpu.memref_squeeze %dma_start3A_229 : memref<1x128xi32, #tpu.memory_space<vmem>> -> memref<128xi32, #tpu.memory_space<vmem>>
        %dma_start3A_231 = arith.constant 0 : i32
        %dma_start3A_232 = arith.constant 0 : i32
        %dma_start3A_233 = tpu.memref_slice %arg25[%dma_start3A_231, %dma_start3A_232] : memref<10240x32xf32, #tpu.memory_space<vmem_shared>> -> memref<10240x32xf32, #tpu.memory_space<vmem_shared>>
        tpu.enqueue_indirect_dma source(%arg14 : memref<128x32xf32, #tpu.memory_space<vmem>>) target(%dma_start3A_233 : memref<10240x32xf32, #tpu.memory_space<vmem_shared>>) offsets(%dma_start3A_230 : memref<128xi32, #tpu.memory_space<vmem>>) semaphore(%run_scoped3A : memref<!tpu.dma_semaphore, #tpu.memory_space<semaphore_mem>>) {add = true}
        %dma_wait3A_234 = arith.constant 0 : i32
        %dma_wait3A_235 = tpu.memref_slice %arg7[%add3A_199, %dma_wait3A_234] : memref<80x128xi32, #tpu.memory_space<vmem>> -> memref<1x128xi32, #tpu.memory_space<vmem>>
        %dma_wait3A_236 = tpu.memref_squeeze %dma_wait3A_235 : memref<1x128xi32, #tpu.memory_space<vmem>> -> memref<128xi32, #tpu.memory_space<vmem>>
        %dma_wait3A_237 = arith.constant 0 : i32
        %dma_wait3A_238 = arith.constant 0 : i32
        %dma_wait3A_239 = tpu.memref_slice %arg25[%dma_wait3A_237, %dma_wait3A_238] : memref<10240x32xf32, #tpu.memory_space<vmem_shared>> -> memref<10240x32xf32, #tpu.memory_space<vmem_shared>>
        tpu.wait_indirect_dma semaphore(%run_scoped3A : memref<!tpu.dma_semaphore, #tpu.memory_space<semaphore_mem>>) src(%arg14 : memref<128x32xf32, #tpu.memory_space<vmem>>) dst(%dma_wait3A_239 : memref<10240x32xf32, #tpu.memory_space<vmem_shared>>)
        tpu.yield
      }) : () -> ()
      %add3A_200 = arith.constant 8 : i32
      %add3A_201 = arith.addi %add3A_79, %add3A_200 : i32
      %add3A_202 = arith.constant 6 : i32
      %add3A_203 = arith.addi %add3A_201, %add3A_202 : i32
      %lt3A_204 = arith.constant 80 : i32
      %lt3A_205 = arith.cmpi slt, %add3A_203, %lt3A_204 : i32
      %convert_element_type3A_206 = arith.extui %lt3A_205 : i1 to i32
      %cond3A_207 = arith.constant 0 : i32
      %cond3A_208 = arith.cmpi ne, %convert_element_type3A_206, %cond3A_207 : i32
      scf.if %cond3A_208 {
        %add3A_228 = arith.constant 8 : i32
        %add3A_229 = arith.addi %add3A_79, %add3A_228 : i32
        %add3A_230 = arith.constant 6 : i32
        %add3A_231 = arith.addi %add3A_229, %add3A_230 : i32
        %dma_start3A_232 = arith.constant 0 : i32
        %dma_start3A_233 = tpu.memref_slice %arg6[%add3A_231, %dma_start3A_232] : memref<80x128xi32, #tpu.memory_space<vmem>> -> memref<1x128xi32, #tpu.memory_space<vmem>>
        %dma_start3A_234 = tpu.memref_squeeze %dma_start3A_233 : memref<1x128xi32, #tpu.memory_space<vmem>> -> memref<128xi32, #tpu.memory_space<vmem>>
        %dma_start3A_235 = arith.constant 0 : i32
        %dma_start3A_236 = arith.constant 0 : i32
        %dma_start3A_237 = tpu.memref_slice %arg2[%dma_start3A_235, %dma_start3A_236] : memref<10240x32xf32, #tpu.memory_space<hbm>> -> memref<10240x32xf32, #tpu.memory_space<hbm>>
        tpu.enqueue_indirect_dma source(%dma_start3A_237 : memref<10240x32xf32, #tpu.memory_space<hbm>>) target(%arg14 : memref<128x32xf32, #tpu.memory_space<vmem>>) offsets(%dma_start3A_234 : memref<128xi32, #tpu.memory_space<vmem>>) semaphore(%arg22 : memref<!tpu.dma_semaphore, #tpu.memory_space<semaphore_mem>>)
      } else {
      }
      %add3A_209 = arith.constant 7 : i32
      %add3A_210 = arith.addi %add3A_79, %add3A_209 : i32
      %dma_wait3A_211 = arith.constant 0 : i32
      %dma_wait3A_212 = tpu.memref_slice %arg6[%add3A_210, %dma_wait3A_211] : memref<80x128xi32, #tpu.memory_space<vmem>> -> memref<1x128xi32, #tpu.memory_space<vmem>>
      %dma_wait3A_213 = tpu.memref_squeeze %dma_wait3A_212 : memref<1x128xi32, #tpu.memory_space<vmem>> -> memref<128xi32, #tpu.memory_space<vmem>>
      %dma_wait3A_214 = arith.constant 0 : i32
      %dma_wait3A_215 = arith.constant 0 : i32
      %dma_wait3A_216 = tpu.memref_slice %arg2[%dma_wait3A_214, %dma_wait3A_215] : memref<10240x32xf32, #tpu.memory_space<hbm>> -> memref<10240x32xf32, #tpu.memory_space<hbm>>
      tpu.wait_indirect_dma semaphore(%arg23 : memref<!tpu.dma_semaphore, #tpu.memory_space<semaphore_mem>>) src(%dma_wait3A_216 : memref<10240x32xf32, #tpu.memory_space<hbm>>) dst(%arg15 : memref<128x32xf32, #tpu.memory_space<vmem>>)
      %add3A_217 = arith.constant 7 : i32
      %add3A_218 = arith.addi %add3A_79, %add3A_217 : i32
      "tpu.region"() ({
        %run_scoped3A = tpu.sem_alloc : memref<!tpu.dma_semaphore, #tpu.memory_space<semaphore_mem>>
        %dma_start3A_228 = arith.constant 0 : i32
        %dma_start3A_229 = tpu.memref_slice %arg7[%add3A_218, %dma_start3A_228] : memref<80x128xi32, #tpu.memory_space<vmem>> -> memref<1x128xi32, #tpu.memory_space<vmem>>
        %dma_start3A_230 = tpu.memref_squeeze %dma_start3A_229 : memref<1x128xi32, #tpu.memory_space<vmem>> -> memref<128xi32, #tpu.memory_space<vmem>>
        %dma_start3A_231 = arith.constant 0 : i32
        %dma_start3A_232 = arith.constant 0 : i32
        %dma_start3A_233 = tpu.memref_slice %arg25[%dma_start3A_231, %dma_start3A_232] : memref<10240x32xf32, #tpu.memory_space<vmem_shared>> -> memref<10240x32xf32, #tpu.memory_space<vmem_shared>>
        tpu.enqueue_indirect_dma source(%arg15 : memref<128x32xf32, #tpu.memory_space<vmem>>) target(%dma_start3A_233 : memref<10240x32xf32, #tpu.memory_space<vmem_shared>>) offsets(%dma_start3A_230 : memref<128xi32, #tpu.memory_space<vmem>>) semaphore(%run_scoped3A : memref<!tpu.dma_semaphore, #tpu.memory_space<semaphore_mem>>) {add = true}
        %dma_wait3A_234 = arith.constant 0 : i32
        %dma_wait3A_235 = tpu.memref_slice %arg7[%add3A_218, %dma_wait3A_234] : memref<80x128xi32, #tpu.memory_space<vmem>> -> memref<1x128xi32, #tpu.memory_space<vmem>>
        %dma_wait3A_236 = tpu.memref_squeeze %dma_wait3A_235 : memref<1x128xi32, #tpu.memory_space<vmem>> -> memref<128xi32, #tpu.memory_space<vmem>>
        %dma_wait3A_237 = arith.constant 0 : i32
        %dma_wait3A_238 = arith.constant 0 : i32
        %dma_wait3A_239 = tpu.memref_slice %arg25[%dma_wait3A_237, %dma_wait3A_238] : memref<10240x32xf32, #tpu.memory_space<vmem_shared>> -> memref<10240x32xf32, #tpu.memory_space<vmem_shared>>
        tpu.wait_indirect_dma semaphore(%run_scoped3A : memref<!tpu.dma_semaphore, #tpu.memory_space<semaphore_mem>>) src(%arg15 : memref<128x32xf32, #tpu.memory_space<vmem>>) dst(%dma_wait3A_239 : memref<10240x32xf32, #tpu.memory_space<vmem_shared>>)
        tpu.yield
      }) : () -> ()
      %add3A_219 = arith.constant 8 : i32
      %add3A_220 = arith.addi %add3A_79, %add3A_219 : i32
      %add3A_221 = arith.constant 7 : i32
      %add3A_222 = arith.addi %add3A_220, %add3A_221 : i32
      %lt3A_223 = arith.constant 80 : i32
      %lt3A_224 = arith.cmpi slt, %add3A_222, %lt3A_223 : i32
      %convert_element_type3A_225 = arith.extui %lt3A_224 : i1 to i32
      %cond3A_226 = arith.constant 0 : i32
      %cond3A_227 = arith.cmpi ne, %convert_element_type3A_225, %cond3A_226 : i32
      scf.if %cond3A_227 {
        %add3A_228 = arith.constant 8 : i32
        %add3A_229 = arith.addi %add3A_79, %add3A_228 : i32
        %add3A_230 = arith.constant 7 : i32
        %add3A_231 = arith.addi %add3A_229, %add3A_230 : i32
        %dma_start3A_232 = arith.constant 0 : i32
        %dma_start3A_233 = tpu.memref_slice %arg6[%add3A_231, %dma_start3A_232] : memref<80x128xi32, #tpu.memory_space<vmem>> -> memref<1x128xi32, #tpu.memory_space<vmem>>
        %dma_start3A_234 = tpu.memref_squeeze %dma_start3A_233 : memref<1x128xi32, #tpu.memory_space<vmem>> -> memref<128xi32, #tpu.memory_space<vmem>>
        %dma_start3A_235 = arith.constant 0 : i32
        %dma_start3A_236 = arith.constant 0 : i32
        %dma_start3A_237 = tpu.memref_slice %arg2[%dma_start3A_235, %dma_start3A_236] : memref<10240x32xf32, #tpu.memory_space<hbm>> -> memref<10240x32xf32, #tpu.memory_space<hbm>>
        tpu.enqueue_indirect_dma source(%dma_start3A_237 : memref<10240x32xf32, #tpu.memory_space<hbm>>) target(%arg15 : memref<128x32xf32, #tpu.memory_space<vmem>>) offsets(%dma_start3A_234 : memref<128xi32, #tpu.memory_space<vmem>>) semaphore(%arg23 : memref<!tpu.dma_semaphore, #tpu.memory_space<semaphore_mem>>)
      } else {
      }
    }
    %scan3A_73 = arith.constant 10 : i32
    %barrier3A_74 = arith.constant 0 : index
    tpu.barrier barrier_id(%barrier3A_74)
    "tpu.region"() ({
      %run_scoped3A = tpu.sem_alloc : memref<!tpu.dma_semaphore, #tpu.memory_space<semaphore_mem>>
      %dma_start3A_75 = arith.constant 0 : i32
      %dma_start3A_76 = tpu.memref_slice %arg5[%arg0, %multiple_of3A, %dma_start3A_75] : memref<2x10000x32xf32, #tpu.memory_space<hbm>> -> memref<1x640x32xf32, #tpu.memory_space<hbm>>
      %dma_start3A_77 = tpu.memref_squeeze %dma_start3A_76 : memref<1x640x32xf32, #tpu.memory_space<hbm>> -> memref<640x32xf32, #tpu.memory_space<hbm>>
      %dma_start3A_78 = arith.constant 0 : i32
      %dma_start3A_79 = tpu.memref_slice %arg25[%multiple_of3A, %dma_start3A_78] : memref<10240x32xf32, #tpu.memory_space<vmem_shared>> -> memref<640x32xf32, #tpu.memory_space<vmem_shared>>
      tpu.enqueue_dma source(%dma_start3A_79 : memref<640x32xf32, #tpu.memory_space<vmem_shared>>) target(%dma_start3A_77 : memref<640x32xf32, #tpu.memory_space<hbm>>) target_semaphore(%run_scoped3A : memref<!tpu.dma_semaphore, #tpu.memory_space<semaphore_mem>>)
      %dma_wait3A = arith.constant 0 : i32
      %dma_wait3A_80 = tpu.memref_slice %arg5[%arg0, %multiple_of3A, %dma_wait3A] : memref<2x10000x32xf32, #tpu.memory_space<hbm>> -> memref<1x640x32xf32, #tpu.memory_space<hbm>>
      %dma_wait3A_81 = tpu.memref_squeeze %dma_wait3A_80 : memref<1x640x32xf32, #tpu.memory_space<hbm>> -> memref<640x32xf32, #tpu.memory_space<hbm>>
      %dma_wait3A_82 = arith.constant 0 : i32
      %dma_wait3A_83 = tpu.memref_slice %arg25[%multiple_of3A, %dma_wait3A_82] : memref<10240x32xf32, #tpu.memory_space<vmem_shared>> -> memref<640x32xf32, #tpu.memory_space<vmem_shared>>
      tpu.wait_dma2 semaphore(%run_scoped3A : memref<!tpu.dma_semaphore, #tpu.memory_space<semaphore_mem>>) src(%dma_wait3A_83 : memref<640x32xf32, #tpu.memory_space<vmem_shared>>) dst(%dma_wait3A_81 : memref<640x32xf32, #tpu.memory_space<hbm>>)
      tpu.yield
    }) : () -> ()
    return
  }
}

module attributes {stable_mosaic.version = 14 : i64} {
  func.func @_xform_body(%arg0: i32, %arg1: memref<2048x128xf32, #tpu.memory_space<vmem>>, %arg2: memref<128x32xf32, #tpu.memory_space<vmem>>, %arg3: memref<2048x32xf32, #tpu.memory_space<vmem>>) attributes {dimension_semantics = [#tpu.dimension_semantics<arbitrary>], iteration_bounds = array<i64: 5>, scalar_prefetch = 0 : i64, scratch_operands = 0 : i64, tpu.core_type = #tpu.core_type<tc>, window_params = [{transform_indices = @transform_0, window_bounds = array<i64: 2048, 128>}, {pipeline_mode = #tpu.pipeline_mode<synchronous>, transform_indices = @transform_1, window_bounds = array<i64: 128, 32>}, {transform_indices = @transform_2, window_bounds = array<i64: 2048, 32>}]} {
    %get3A = arith.constant 0 : index
    %get3A_0 = arith.constant 0 : index
    %get3A_1 = vector.load %arg1[%get3A, %get3A_0] : memref<2048x128xf32, #tpu.memory_space<vmem>>, vector<2048x128xf32>
    %get3A_2 = arith.constant 0 : index
    %get3A_3 = arith.constant 0 : index
    %get3A_4 = vector.load %arg2[%get3A_2, %get3A_3] : memref<128x32xf32, #tpu.memory_space<vmem>>, vector<128x32xf32>
    %dot_general3A = arith.constant dense<0.000000e+00> : vector<2048x32xf32>
    %dot_general3A_5 = tpu.matmul %get3A_1, %get3A_4, %dot_general3A {dimension_numbers = #tpu.dot_dimension_numbers<[1], [0], [0], [1], [0, 0, 1, 1], [], []>, transpose_lhs_hint = false} : vector<2048x128xf32>, vector<128x32xf32>, vector<2048x32xf32> -> vector<2048x32xf32>
    %swap3A = arith.constant 0 : index
    %swap3A_6 = arith.constant 0 : index
    %swap3A_7 = vector.load %arg3[%swap3A, %swap3A_6] : memref<2048x32xf32, #tpu.memory_space<vmem>>, vector<2048x32xf32>
    tpu.vector_store %arg3[%swap3A, %swap3A_6], %dot_general3A_5 {strides = array<i32>} : memref<2048x32xf32, #tpu.memory_space<vmem>>, vector<2048x32xf32>,
    return
  }
  func.func @transform_0(%arg0: i32) -> (i32, i32) {
    %c0_i32 = arith.constant 0 : i32
    %c0_i32_0 = arith.constant 0 : i32
    return %arg0, %c0_i32 : i32, i32
  }
  func.func @transform_1(%arg0: i32) -> (i32, i32) {
    %c0_i32 = arith.constant 0 : i32
    %c0_i32_0 = arith.constant 0 : i32
    %c0_i32_1 = arith.constant 0 : i32
    return %c0_i32, %c0_i32_0 : i32, i32
  }
  func.func @transform_2(%arg0: i32) -> (i32, i32) {
    %c0_i32 = arith.constant 0 : i32
    %c0_i32_0 = arith.constant 0 : i32
    return %arg0, %c0_i32 : i32, i32
  }
}

module attributes {stable_mosaic.version = 14 : i64} {
  func.func @_mid_body(%arg0: i32, %arg1: memref<2x10240x32xf32, #tpu.memory_space<vmem>>, %arg2: memref<2x10240x16xf32, #tpu.memory_space<vmem>>, %arg3: memref<10240x32xf32, #tpu.memory_space<vmem>>) attributes {dimension_semantics = [#tpu.dimension_semantics<arbitrary>], iteration_bounds = array<i64: 1>, scalar_prefetch = 0 : i64, scratch_operands = 0 : i64, tpu.core_type = #tpu.core_type<tc>, window_params = [{transform_indices = @transform_0, window_bounds = array<i64: 2, 10240, 32>}, {transform_indices = @transform_1, window_bounds = array<i64: 2, 10240, 16>}, {pipeline_mode = #tpu.pipeline_mode<synchronous>, transform_indices = @transform_2, window_bounds = array<i64: 10240, 32>}]} {
    %get3A = arith.constant 0 : index
    %get3A_0 = arith.constant 0 : index
    %get3A_1 = arith.constant 0 : index
    %get3A_2 = vector.load %arg1[%get3A, %get3A_0, %get3A_1] : memref<2x10240x32xf32, #tpu.memory_space<vmem>>, vector<1x10240x32xf32>
    %get3A_3 = vector.shape_cast %get3A_2 : vector<1x10240x32xf32> to vector<10240x32xf32>
    %get3A_4 = arith.constant 1 : index
    %get3A_5 = arith.constant 0 : index
    %get3A_6 = arith.constant 0 : index
    %get3A_7 = vector.load %arg1[%get3A_4, %get3A_5, %get3A_6] : memref<2x10240x32xf32, #tpu.memory_space<vmem>>, vector<1x10240x32xf32>
    %get3A_8 = vector.shape_cast %get3A_7 : vector<1x10240x32xf32> to vector<10240x32xf32>
    %add3A = arith.addf %get3A_3, %get3A_8 : vector<10240x32xf32>
    %get3A_9 = arith.constant 0 : index
    %get3A_10 = arith.constant 0 : index
    %get3A_11 = arith.constant 0 : index
    %get3A_12 = vector.load %arg2[%get3A_9, %get3A_10, %get3A_11] : memref<2x10240x16xf32, #tpu.memory_space<vmem>>, vector<1x10240x1xf32>
    %get3A_13 = vector.shape_cast %get3A_12 : vector<1x10240x1xf32> to vector<10240x1xf32>
    %get3A_14 = arith.constant 1 : index
    %get3A_15 = arith.constant 0 : index
    %get3A_16 = arith.constant 0 : index
    %get3A_17 = vector.load %arg2[%get3A_14, %get3A_15, %get3A_16] : memref<2x10240x16xf32, #tpu.memory_space<vmem>>, vector<1x10240x1xf32>
    %get3A_18 = vector.shape_cast %get3A_17 : vector<1x10240x1xf32> to vector<10240x1xf32>
    %add3A_19 = arith.addf %get3A_13, %get3A_18 : vector<10240x1xf32>
    %gt3A = arith.constant 0.000000e+00 : f32
    %gt3A_20 = vector.broadcast %gt3A : f32 to vector<10240x1xf32>
    %gt3A_21 = arith.cmpf ogt, %add3A_19, %gt3A_20 : vector<10240x1xf32>
    %div3A = arith.constant 1.000000e+00 : f32
    %div3A_22 = vector.broadcast %div3A : f32 to vector<10240x1xf32>
    %div3A_23 = arith.divf %div3A_22, %add3A_19 : vector<10240x1xf32>
    %jit3A = arith.constant 0.000000e+00 : f32
    %broadcast_in_dim3A = vector.broadcast %jit3A : f32 to vector<10240x1xf32>
    %select_n3A = arith.select %gt3A_21, %div3A_23, %broadcast_in_dim3A : vector<10240x1xi1>, vector<10240x1xf32>
    %mul3A = vector.broadcast %select_n3A : vector<10240x1xf32> to vector<10240x32xf32>
    %mul3A_24 = arith.mulf %add3A, %mul3A : vector<10240x32xf32>
    %swap3A = arith.constant 0 : index
    %swap3A_25 = arith.constant 0 : index
    %swap3A_26 = vector.load %arg3[%swap3A, %swap3A_25] : memref<10240x32xf32, #tpu.memory_space<vmem>>, vector<10240x32xf32>
    tpu.vector_store %arg3[%swap3A, %swap3A_25], %mul3A_24 {strides = array<i32>} : memref<10240x32xf32, #tpu.memory_space<vmem>>, vector<10240x32xf32>,
    return
  }
  func.func @transform_0(%arg0: i32) -> (i32, i32, i32) {
    %c0_i32 = arith.constant 0 : i32
    %c0_i32_0 = arith.constant 0 : i32
    %c0_i32_1 = arith.constant 0 : i32
    %c0_i32_2 = arith.constant 0 : i32
    return %c0_i32, %c0_i32_0, %c0_i32_1 : i32, i32, i32
  }
  func.func @transform_1(%arg0: i32) -> (i32, i32, i32) {
    %c0_i32 = arith.constant 0 : i32
    %c0_i32_0 = arith.constant 0 : i32
    %c0_i32_1 = arith.constant 0 : i32
    %c0_i32_2 = arith.constant 0 : i32
    return %c0_i32, %c0_i32_0, %c0_i32_1 : i32, i32, i32
  }
  func.func @transform_2(%arg0: i32) -> (i32, i32) {
    %c0_i32 = arith.constant 0 : i32
    %c0_i32_0 = arith.constant 0 : i32
    %c0_i32_1 = arith.constant 0 : i32
    return %c0_i32, %c0_i32_0 : i32, i32
  }
}

module attributes {stable_mosaic.version = 14 : i64} {
  func.func @_fin_body(%arg0: i32, %arg1: memref<2x2000x32xf32, #tpu.memory_space<vmem>>, %arg2: memref<2x2000x16xf32, #tpu.memory_space<vmem>>, %arg3: memref<1x32xf32, #tpu.memory_space<vmem>>, %arg4: memref<32x64xf32, #tpu.memory_space<vmem>>, %arg5: memref<64x1xf32, #tpu.memory_space<vmem>>, %arg6: memref<1x1xf32, #tpu.memory_space<vmem>>, %arg7: memref<2000x1xf32, #tpu.memory_space<vmem>>) attributes {dimension_semantics = [#tpu.dimension_semantics<arbitrary>], iteration_bounds = array<i64: 5>, scalar_prefetch = 0 : i64, scratch_operands = 0 : i64, tpu.core_type = #tpu.core_type<tc>, window_params = [{transform_indices = @transform_0, window_bounds = array<i64: 2, 2000, 32>}, {transform_indices = @transform_1, window_bounds = array<i64: 2, 2000, 16>}, {pipeline_mode = #tpu.pipeline_mode<synchronous>, transform_indices = @transform_2, window_bounds = array<i64: 1, 32>}, {pipeline_mode = #tpu.pipeline_mode<synchronous>, transform_indices = @transform_3, window_bounds = array<i64: 32, 64>}, {pipeline_mode = #tpu.pipeline_mode<synchronous>, transform_indices = @transform_4, window_bounds = array<i64: 64, 1>}, {pipeline_mode = #tpu.pipeline_mode<synchronous>, transform_indices = @transform_5, window_bounds = array<i64: 1, 1>}, {transform_indices = @transform_6, window_bounds = array<i64: 2000, 1>}]} {
    %get3A = arith.constant 0 : index
    %get3A_0 = arith.constant 0 : index
    %get3A_1 = arith.constant 0 : index
    %get3A_2 = vector.load %arg1[%get3A, %get3A_0, %get3A_1] : memref<2x2000x32xf32, #tpu.memory_space<vmem>>, vector<1x2000x32xf32>
    %get3A_3 = vector.shape_cast %get3A_2 : vector<1x2000x32xf32> to vector<2000x32xf32>
    %get3A_4 = arith.constant 1 : index
    %get3A_5 = arith.constant 0 : index
    %get3A_6 = arith.constant 0 : index
    %get3A_7 = vector.load %arg1[%get3A_4, %get3A_5, %get3A_6] : memref<2x2000x32xf32, #tpu.memory_space<vmem>>, vector<1x2000x32xf32>
    %get3A_8 = vector.shape_cast %get3A_7 : vector<1x2000x32xf32> to vector<2000x32xf32>
    %add3A = arith.addf %get3A_3, %get3A_8 : vector<2000x32xf32>
    %get3A_9 = arith.constant 0 : index
    %get3A_10 = arith.constant 0 : index
    %get3A_11 = arith.constant 8 : index
    %get3A_12 = vector.load %arg2[%get3A_9, %get3A_10, %get3A_11] : memref<2x2000x16xf32, #tpu.memory_space<vmem>>, vector<1x2000x1xf32>
    %get3A_13 = vector.shape_cast %get3A_12 : vector<1x2000x1xf32> to vector<2000x1xf32>
    %get3A_14 = arith.constant 1 : index
    %get3A_15 = arith.constant 0 : index
    %get3A_16 = arith.constant 8 : index
    %get3A_17 = vector.load %arg2[%get3A_14, %get3A_15, %get3A_16] : memref<2x2000x16xf32, #tpu.memory_space<vmem>>, vector<1x2000x1xf32>
    %get3A_18 = vector.shape_cast %get3A_17 : vector<1x2000x1xf32> to vector<2000x1xf32>
    %add3A_19 = arith.addf %get3A_13, %get3A_18 : vector<2000x1xf32>
    %gt3A = arith.constant 0.000000e+00 : f32
    %gt3A_20 = vector.broadcast %gt3A : f32 to vector<2000x1xf32>
    %gt3A_21 = arith.cmpf ogt, %add3A_19, %gt3A_20 : vector<2000x1xf32>
    %div3A = arith.constant 1.000000e+00 : f32
    %div3A_22 = vector.broadcast %div3A : f32 to vector<2000x1xf32>
    %div3A_23 = arith.divf %div3A_22, %add3A_19 : vector<2000x1xf32>
    %jit3A = arith.constant 0.000000e+00 : f32
    %broadcast_in_dim3A = vector.broadcast %jit3A : f32 to vector<2000x1xf32>
    %select_n3A = arith.select %gt3A_21, %div3A_23, %broadcast_in_dim3A : vector<2000x1xi1>, vector<2000x1xf32>
    %mul3A = vector.broadcast %select_n3A : vector<2000x1xf32> to vector<2000x32xf32>
    %mul3A_24 = arith.mulf %add3A, %mul3A : vector<2000x32xf32>
    %get3A_25 = arith.constant 0 : index
    %get3A_26 = arith.constant 0 : index
    %get3A_27 = vector.load %arg3[%get3A_25, %get3A_26] : memref<1x32xf32, #tpu.memory_space<vmem>>, vector<1x32xf32>
    %add3A_28 = vector.broadcast %get3A_27 : vector<1x32xf32> to vector<2000x32xf32>
    %add3A_29 = arith.addf %mul3A_24, %add3A_28 : vector<2000x32xf32>
    %max3A = arith.constant 0.000000e+00 : f32
    %max3A_30 = vector.broadcast %max3A : f32 to vector<2000x32xf32>
    %max3A_31 = arith.maximumf %add3A_29, %max3A_30 : vector<2000x32xf32>
    %get3A_32 = arith.constant 0 : index
    %get3A_33 = arith.constant 0 : index
    %get3A_34 = vector.load %arg4[%get3A_32, %get3A_33] : memref<32x64xf32, #tpu.memory_space<vmem>>, vector<32x64xf32>
    %dot_general3A = arith.constant dense<0.000000e+00> : vector<2000x64xf32>
    %dot_general3A_35 = tpu.matmul %max3A_31, %get3A_34, %dot_general3A {dimension_numbers = #tpu.dot_dimension_numbers<[1], [0], [0], [1], [0, 0, 1, 1], [], []>, transpose_lhs_hint = false} : vector<2000x32xf32>, vector<32x64xf32>, vector<2000x64xf32> -> vector<2000x64xf32>
    %max3A_36 = arith.constant 0.000000e+00 : f32
    %max3A_37 = vector.broadcast %max3A_36 : f32 to vector<2000x64xf32>
    %max3A_38 = arith.maximumf %dot_general3A_35, %max3A_37 : vector<2000x64xf32>
    %get3A_39 = arith.constant 0 : index
    %get3A_40 = arith.constant 0 : index
    %get3A_41 = vector.load %arg5[%get3A_39, %get3A_40] : memref<64x1xf32, #tpu.memory_space<vmem>>, vector<64x1xf32>
    %dot_general3A_42 = arith.constant dense<0.000000e+00> : vector<2000x1xf32>
    %dot_general3A_43 = tpu.matmul %max3A_38, %get3A_41, %dot_general3A_42 {dimension_numbers = #tpu.dot_dimension_numbers<[1], [0], [0], [1], [0, 0, 1, 1], [], []>, transpose_lhs_hint = false} : vector<2000x64xf32>, vector<64x1xf32>, vector<2000x1xf32> -> vector<2000x1xf32>
    %get3A_44 = arith.constant 0 : index
    %get3A_45 = arith.constant 0 : index
    %get3A_46 = vector.load %arg6[%get3A_44, %get3A_45] : memref<1x1xf32, #tpu.memory_space<vmem>>, vector<1x1xf32>
    %get3A_47 = vector.extract %get3A_46[0, 0] : f32 from vector<1x1xf32>
    %add3A_48 = vector.broadcast %get3A_47 : f32 to vector<2000x1xf32>
    %add3A_49 = arith.addf %dot_general3A_43, %add3A_48 : vector<2000x1xf32>
    %swap3A = arith.constant 0 : index
    %swap3A_50 = arith.constant 0 : index
    %swap3A_51 = vector.load %arg7[%swap3A, %swap3A_50] : memref<2000x1xf32, #tpu.memory_space<vmem>>, vector<2000x1xf32>
    tpu.vector_store %arg7[%swap3A, %swap3A_50], %add3A_49 {strides = array<i32>} : memref<2000x1xf32, #tpu.memory_space<vmem>>, vector<2000x1xf32>,
    return
  }
  func.func @transform_0(%arg0: i32) -> (i32, i32, i32) {
    %c0_i32 = arith.constant 0 : i32
    %c0_i32_0 = arith.constant 0 : i32
    %c0_i32_1 = arith.constant 0 : i32
    return %c0_i32, %arg0, %c0_i32_0 : i32, i32, i32
  }
  func.func @transform_1(%arg0: i32) -> (i32, i32, i32) {
    %c0_i32 = arith.constant 0 : i32
    %c0_i32_0 = arith.constant 0 : i32
    %c0_i32_1 = arith.constant 0 : i32
    return %c0_i32, %arg0, %c0_i32_0 : i32, i32, i32
  }
  func.func @transform_2(%arg0: i32) -> (i32, i32) {
    %c0_i32 = arith.constant 0 : i32
    %c0_i32_0 = arith.constant 0 : i32
    %c0_i32_1 = arith.constant 0 : i32
    return %c0_i32, %c0_i32_0 : i32, i32
  }
  func.func @transform_3(%arg0: i32) -> (i32, i32) {
    %c0_i32 = arith.constant 0 : i32
    %c0_i32_0 = arith.constant 0 : i32
    %c0_i32_1 = arith.constant 0 : i32
    return %c0_i32, %c0_i32_0 : i32, i32
  }
  func.func @transform_4(%arg0: i32) -> (i32, i32) {
    %c0_i32 = arith.constant 0 : i32
    %c0_i32_0 = arith.constant 0 : i32
    %c0_i32_1 = arith.constant 0 : i32
    return %c0_i32, %c0_i32_0 : i32, i32
  }
  func.func @transform_5(%arg0: i32) -> (i32, i32) {
    %c0_i32 = arith.constant 0 : i32
    %c0_i32_0 = arith.constant 0 : i32
    %c0_i32_1 = arith.constant 0 : i32
    return %c0_i32, %c0_i32_0 : i32, i32
  }
  func.func @transform_6(%arg0: i32) -> (i32, i32) {
    %c0_i32 = arith.constant 0 : i32
    %c0_i32_0 = arith.constant 0 : i32
    return %arg0, %c0_i32 : i32, i32
  }
}

</mosaic_0001>

<sc_bundles>
// kernel: kernel.10.cloned.1.call-start
scs
__scs_entry_jumppad:
0x0: {  	(pc) =	sbr.rel $0x88, $3  }
0x1: {  	(tag) =	ssettag $0x0;
	lr =	simm.s32 $0x1  }
0x2: {  	[smem:$0x3F9A] =	sst lr;
	_ =	strace $0xD0000000  }
0x3: {  	_ = 	snop  }
0x4: {  	_ = 	snop  }
0x5: {  	_ = 	snop  }
0x6: {  	_ = 	snop  }
0x7: {  	_ = 	snop  }
__scs_overlays_trampoline_lowered:
0x8: {  	[smem:$0x3FA9] =	sst s0  }
0x9: {  	[smem:$0x3FAA] =	sst s1  }
0xa: {  	[smem:$0x3FAB] =	sst s2  }
0xb: {  	[smem:$0x3FAC] =	sst s3  }
0xc: {  	[smem:$0x3FAD] =	sst s4  }
0xd: {  	[smem:$0x3FAE] =	sst s5  }
0xe: {  	[smem:$0x3FAF] =	sst s6  }
0xf: {  	[smem:$0x3FB0] =	sst s7  }
0x10: {  	[smem:$0x3FB1] =	sst s8  }
0x11: {  	[smem:$0x3FB2] =	sst s9;
	s0 =	simm.s32 @!p0 $0x0  }
0x12: {  	s1 =	sld [smem:$0x3F98];
	s0 =	simm.s32 @p0 $0x1  }
0x13: {  	[smem:$0x3FB3] =	sst s0;
	s0 =	simm.s32 @!p1 $0x0  }
0x14: {  	s2 =	sld [smem:$0x3F97];
	s0 =	simm.s32 @p1 $0x1  }
0x15: {  	[smem:$0x3FB4] =	sst s0;
	s0 =	simm.s32 @!p2 $0x0  }
0x16: {  	s3 =	sld [smem:$0x3FDB];
	s0 =	simm.s32 @p2 $0x1  }
0x17: {  	s4 =	simm.s32 $0x1BF5;
	[smem:$0x3FB6] =	sst s0  }
0x18: {  	s0 =	sld [smem:$0x3F99];
	_ =	swait.ge [sflag:s4], $0x0  }
0x19: {  	s7 =	sld [smem:$0x3F9A]  }
0x1a: {  	s8 =	sadd.s32 $0xFFFFE003, lr  }
0x1b: {  	s9 =	sadd.s32 $0xFFFFFEF7, lr;
	s5 =	simm.s32 $0xFFFFFFFF;
	p2 =	slt.u32 s8, $0xFFFFF086  }
0x1c: {  	p1 =	slt.u32 s9, $0xF7A;
	s5 =	simm.s32 @!p2 $0x0  }
0x1d: {  	s5 =	simm.s32 @p1 $0x1;
	p0 =	seq.s32 s7, s2  }
0x1e: {  	s7 =	smul.u32 @!p0 $0xF7A, s2;
	p2 =	seq.s32 @!p0 s5, $0x0  }
0x1f: {  	s9 =	smul.u32 $0xF7A, s1;
	s8 =	simm.s32 @!p0 $0x1BF5;
	p2 =	por !p2, p0  }
0x20: {  	[sflag:s8] =	ssyncset.s32 @!p0 $0xFFFFF086;
	s6 =	sadd.s32 @!p0 s3, s7;
	s7 =	simm.s32 @!p0 $0x108  }
0x21: {  	s3 =	sadd.s32 s3, s9;
	s6 =	sadd.s32 @!p0 $0x88, s6;
	s7 =	simm.s32 @p2 $0x1082  }
0x22: {  	[simem:s7], [sflag:s8] =	dma.local @!p0 [hbm:s6], $0xF7A  }
0x23: {  	s9 =	sor.u32 $0xD0000000, s2;
	s6 =	simm.s32 $0x108;
	_ =	swait.ge @!p0 [sflag:s8], $0x0  }
0x24: {  	s3 =	sadd.s32 $0x88, s3;
	s6 =	simm.s32 @!p1 $0x1082;
	[sflag:s4] =	ssyncset.s32 $0xFFFFF086  }
0x25: {  	[simem:s6], [sflag:s4] =	dma.local [hbm:s3], $0xF7A  }
0x26: {  	[smem:$0x3F9A] =	sst s1;
	(tag) =	ssettag s2;
	_ =	strace s9  }
0x27: {  	s1 =	sld [smem:$0x3FAA]  }
0x28: {  	s2 =	sld [smem:$0x3FAB]  }
0x29: {  	s4 =	sld [smem:$0x3FAD]  }
0x2a: {  	p0 =	seq.s32 s5, $0x0;
	s5 =	sld [smem:$0x3FAE]  }
0x2b: {  	s6 =	sld [smem:$0x3FAF]  }
0x2c: {  	s7 =	sld [smem:$0x3FB0]  }
0x2d: {  	s3 =	simm.s32 $0x108;
	s8 =	sld [smem:$0x3FB1]  }
0x2e: {  	s3 =	simm.s32 @!p0 $0x1082;
	s9 =	sld [smem:$0x3FB2]  }
0x2f: {  	lr =	sadd.s32 s0, s3;
	s0 =	sld [smem:$0x3FA9]  }
0x30: {  	s3 =	sld [smem:$0x3FAC]  }
0x31: {  	[smem:$0x3FB5] =	sst s10  }
0x32: {  	s10 =	sld [smem:$0x3FB3];
	_ =	sdelay $0x3  }
0x33: {  	p0 =	seq.s32 s10, $0x1;
	s10 =	sld [smem:$0x3FB5];
	_ =	sdelay $0x3  }
0x34: {  	[smem:$0x3FB5] =	sst s10  }
0x35: {  	s10 =	sld [smem:$0x3FB4];
	_ =	sdelay $0x3  }
0x36: {  	p1 =	seq.s32 s10, $0x1;
	s10 =	sld [smem:$0x3FB5];
	_ =	sdelay $0x3  }
0x37: {  	[smem:$0x3FB5] =	sst s10  }
0x38: {  	s10 =	sld [smem:$0x3FB6]  }
0x39: {  	_ = 	snop;
	(pc) =	sbr.ind lr, $3  }
0x3a: {  	_ = 	snop  }
0x3b: {  	_ = 	snop  }
0x3c: {  	p2 =	seq.s32 s10, $0x1;
	s10 =	sld [smem:$0x3FB5]  }
0x3d: {  	_ =	shalt  }
0x3e: {  	_ =	shalt  }
0x3f: {  	_ =	shalt  }
0x40: {  	_ =	shalt  }
0x41: {  	_ =	shalt  }
0x42: {  	_ =	shalt  }
0x43: {  	_ =	shalt  }
0x44: {  	_ =	shalt  }
0x45: {  	_ =	shalt  }
0x46: {  	_ =	shalt  }
0x47: {  	_ =	shalt  }
0x48: {  	_ =	shalt  }
0x49: {  	_ =	shalt  }
0x4a: {  	_ =	shalt  }
0x4b: {  	_ =	shalt  }
0x4c: {  	_ =	shalt  }
0x4d: {  	_ =	shalt  }
0x4e: {  	_ =	shalt  }
0x4f: {  	_ =	shalt  }
0x50: {  	_ =	shalt  }
0x51: {  	_ =	shalt  }
0x52: {  	_ =	shalt  }
0x53: {  	_ =	shalt  }
0x54: {  	_ =	shalt  }
0x55: {  	_ =	shalt  }
0x56: {  	_ =	shalt  }
0x57: {  	_ =	shalt  }
0x58: {  	_ =	shalt  }
0x59: {  	_ =	shalt  }
0x5a: {  	_ =	shalt  }
0x5b: {  	_ =	shalt  }
0x5c: {  	_ =	shalt  }
0x5d: {  	_ =	shalt  }
0x5e: {  	_ =	shalt  }
0x5f: {  	_ =	shalt  }
0x60: {  	_ =	shalt  }
0x61: {  	_ =	shalt  }
0x62: {  	_ =	shalt  }
0x63: {  	_ =	shalt  }
0x64: {  	_ =	shalt  }
0x65: {  	_ =	shalt  }
0x66: {  	_ =	shalt  }
0x67: {  	_ =	shalt  }
0x68: {  	_ =	shalt  }
0x69: {  	_ =	shalt  }
0x6a: {  	_ =	shalt  }
0x6b: {  	_ =	shalt  }
0x6c: {  	_ =	shalt  }
0x6d: {  	_ =	shalt  }
0x6e: {  	_ =	shalt  }
0x6f: {  	_ =	shalt  }
0x70: {  	_ =	shalt  }
0x71: {  	_ =	shalt  }
0x72: {  	_ =	shalt  }
0x73: {  	_ =	shalt  }
0x74: {  	_ =	shalt  }
0x75: {  	_ =	shalt  }
0x76: {  	_ =	shalt  }
0x77: {  	_ =	shalt  }
0x78: {  	_ =	shalt  }
0x79: {  	_ =	shalt  }
0x7a: {  	_ =	shalt  }
0x7b: {  	_ =	shalt  }
0x7c: {  	_ =	shalt  }
0x7d: {  	_ =	shalt  }
0x7e: {  	_ =	shalt  }
0x7f: {  	_ =	shalt  }
0x80: {  	_ =	shalt  }
0x81: {  	_ =	shalt  }
0x82: {  	_ =	shalt  }
0x83: {  	_ =	shalt  }
0x84: {  	_ =	shalt  }
0x85: {  	_ =	shalt  }
0x86: {  	_ =	shalt  }
0x87: {  	_ =	shalt  }
.Lfunc_end0:
.L_simem_size_0:
called_computation.1_lowered:
.L_overlay_start_0:
0x88: {  	s2 =	sld [smem:$0x3FD9]  }
0x89: {  	s3 =	sld [smem:$0x3FFE];
	_ =	sdelay $0x1  }
0x8a: {  	s1 =	srdreg.scid  }
0x8b: {  	s0 =	sand.u32 $0x1, s1  }
0x8c: {  	s16 =	sshll.u32 s0, $0xA;
	s2 =	sadd.s32 s3, s2  }
0x8d: {  	s2 =	sadd.s32 s2, s16  }
0x8e: {  	[smem:$0x3FC1] =	sst s2  }
0x8f: {  	_ = 	snop  }
0x90: {  	(tm) =	ssettm $0x1  }
0x91: {  	s17 =	sld [smem:$0x3FFB];
	_ =	sdelay $0x3  }
0x92: {  	_ =	strace s17  }
0x93: {  	s2 =	sld [smem:$0x3FFC];
	_ =	sdelay $0x3  }
0x94: {  	_ =	strace s2  }
0x95: {  	s2 =	sld [smem:$0x3FFD];
	_ =	sdelay $0x3  }
0x96: {  	_ =	strace s2  }
0x97: {  	_ =	strace $0x8FFFFFFF  }
0x98: {  	s18 =	sld [smem:$0x3FDB];
	_ =	sdelay $0x1  }
0x99: {  	s19 =	simm.s32 $_scs_section_size  }
0x9a: {  	s4 =	simm.s32 $_size__tile_overlayer_lowered;
	s5 =	simm.s32 $_tile_overlayer_lowered  }
0x9b: {  	s22 =	simm.s32 $0x1BFF;
	s21 =	sshll.u32 s5, $0x1;
	s2 =	sadd.s32 s19, s18  }
0x9c: {  	s6 =	simm.s32 $0x0;
	s20 =	sshll.u32 s4, $0x1;
	s4 =	sadd.s32 s21, s2  }
0x9d: {  	[timem:s6], [sflag:s22] =	dma.local [hbm:s4], s20  }
0x9e: {  	_ =	swait.ge [sflag:s22], s20  }
0x9f: {  	s3 =	ssub.s32 $0x0, s20;
	[sflag:s22] =	ssyncset.done $0x0  }
0xa0: {  	[sflag:s22] =	ssyncadd.s32 s3;
	_ =	sdelay $0x1  }
0xa1: {  	s23 =	simm.s32 $0x1B8B  }
0xa2: {  	_ =	swait.ge [sflag:s23], $0x1  }
0xa3: {  	[sflag:s23] =	ssyncset.done $0x0  }
0xa4: {  	s25 =	simm.s32 $0x1B8E;
	s24 =	sld [smem:$0x3FFE];
	[sflag:s23] =	ssyncadd.s32 $0xFFFFFFFF  }
0xa5: {  	s26 =	simm.s32 $execute0_lowered;
	[smem:$0x3FD2] =	sst s25  }
0xa6: {  	s4 =	sshll.u32 s26, $0x1;
	_ =	strace $0x80000049;
	[dreg:$0x1] =	wrdreg $0xFFFFFFFF  }
0xa7: {  	s28 =	simm.s32 $_size_execute0_lowered;
	s2 =	sadd.s32 s2, s4;
	[dreg:$0x0] =	wrdreg $0x0  }
0xa8: {  	s4 =	sshll.u32 s28, $0x1;
	[dreg:$0x2] =	wrdreg s2  }
0xa9: {  	[dreg:$0x3] =	wrdreg s4  }
0xaa: {  	[dreg:$0x4] =	wrdreg $0xC0  }
0xab: {  	_ =	task [dreg:s6], $0x5FFFF  }
0xac: {  	[dreg:$0x1] =	wrdreg $0xFFFFFFFF  }
0xad: {  	[dreg:$0x0] =	wrdreg $0x60  }
0xae: {  	[dreg:$0x2] =	wrdreg s24  }
0xaf: {  	[dreg:$0x3] =	wrdreg $0xE0000  }
0xb0: {  	[dreg:$0x4] =	wrdreg $0x9  }
0xb1: {  	_ =	task.clear_ibuf [dreg:s6], $0x5FFFF;
	_ =	strace $0x90000049  }
0xb2: {  	s29 =	simm.s32 $0x9;
	_ =	strace $0x8000004B  }
0xb3: {  	_ =	swait.ge [sflag:s29], $0x1  }
0xb4: {  	[sflag:s29] =	ssyncadd.s32 $0xFFFFFFFF  }
0xb5: {  	_ =	strace $0x9000004B  }
0xb6: {  	_ =	sfence  }
0xb7: {  	s30 =	sld [smem:$0x0];
	_ =	sdelay $0x2  }
0xb8: {  	s31 =	sshll.u32 s1, $0xD;
	s1 =	sshrl.u32 s1, $0x2  }
0xb9: {  	s3 =	sand.u32 $0x4000, s31;
	s1 =	sadd.s32 s1, s30  }
0xba: {  	s0 =	sor.u32 s3, s0;
	s1 =	sshll.u32 s1, $0x11  }
0xbb: {  	s0 =	sor.u32 s1, s0  }
0xbc: {  	s0 =	sadd.s32 $0x8F2B, s0  }
0xbd: {  	[sflag:s0] =	ssyncadd.remote.s32 $0x1  }
0xbe: {  	_ =	sfence.sel $0xFFFF  }
0xbf: {  	[dreg:$0x0] =	wrdreg $0xFFFFFFFF;
	(pc) =	sbr.abs _section_cstart, $3  }
0xc0: {  	[dreg:$0x1] =	wrdreg $0xFFFFFFFF  }
0xc1: {  	_ =	task.clear_ibuf [dreg:s6], $0x2FFFF;
	_ =	strace $0x9FFFFFFF  }
0xc2: {  	(tm) =	ssettm $0x7FFFFFFF  }
0xc3: {  	_ =	shalt  }
tec
execute0_lowered:
.L_overlay_start_1:
0x0: {  	(tag) =	ssettag $0x1  }
0x1: {  	s0 =	rddreg [dreg:$0x0];
	s1 =	srdreg.scid  }
0x2: {  	s2 =	rddreg [dreg:$0x1];
	s9 =	stileid.u32  }
0x3: {  	s3 =	simm.s32 $0x0;
	s14 =	simm.s32 $0xD000;
	s15 =	simm.s32 $0x9  }
0x4: {  	s17 =	simm.s32 $0x80;
	s18 =	simm.s32 $0x5000;
	s21 =	simm.s32 $0x7000  }
0x5: {  	s31 =	simm.s32 $0xB000;
	s16 =	simm.s32 $0x1;
	s19 =	simm.s32 $0x3  }
0x6: {  	s20 =	simm.s32 $0x5;
	s22 =	simm.s32 $0x7;
	s23 =	simm.s32 $0x8  }
0x7: {  	s1 =	sand.u32 $0x1, s1;
	s5 =	smul.u32 $0x280, s9;
	[smem:$0x7FF] =	sst s3  }
0x8: {  	s25 =	smul.u32 $0x14000, s9;
	s4 =	sshll.u32 s1, $0x4;
	_ =	strace $0x8000004A  }
0x9: {  	s7 =	smul.u32 $0x4E200, s1;
	s1 =	ssub.s32 $0x2, s1;
	s4 =	sor.u32 s9, s4  }
0xa: {  	s5 =	smin.u32 s5, $0x2490;
	s26 =	sshrl.u32 s1, $0x1;
	s6 =	smul.u32 $0x500, s4  }
0xb: {  	s4 =	sadd.s32 $0x16000, s0;
	s8 =	sshll.u32 s5, $0x5;
	s5 =	sshrl.u32 s25, $0x2  }
0xc: {  	s1 =	ssub.s32 s1, s26;
	s26 =	simm.s32 $0x9000;
	s7 =	sadd.s32 s7, s8  }
0xd: {  	s5 =	sadd.s32 s5, s2;
	s29 =	sadd.s32 s8, s2;
	s1 =	smax.u32 s1, $0x1  }
0xe: {  	s6 =	sadd.s32 s6, s0;
	s7 =	sshrl.u32 s7, $0x3;
	[dreg:$0x6] =	wrdreg s1  }
.Ltmp0:
0xf: {  	s30 =	sadd.s32 $0x1000, s5;
	s11 =	sadd.s32 $0x2000, s5;
	(pc) =	sbr.rel .LBB2_1-.Ltmp0, $4  }
0x10: {  	s12 =	sadd.s32 $0x3000, s5;
	s28 =	sadd.s32 $0x2000, s6;
	[dreg:$0x7] =	wrdreg s30  }
0x11: {  	s0 =	sadd.s32 s7, s0;
	s6 =	sadd.s32 $0xC000, s6;
	[dreg:$0x3] =	wrdreg s28  }
0x12: {  	s13 =	sadd.s32 $0x4000, s5;
	[dreg:$0x4] =	wrdreg s6;
	s0 =	sadd.s32 $0x20000, s0  }
0x13: {  	v0 =	vimm.f32 $0.0e+00;
	s25 =	sshrl.u32 s29, $0x3;
	s1 =	simm.s32 $0xC000;
	[dreg:$0x5] =	wrdreg s0  }
.LBB2_6:
0x14: {  	_ =	swait.ge [sflag:s23], $0x1000  }
0x15: {  	[sflag:s23] =	ssyncset.done $0x0  }
0x16: {  	[sflag:s23] =	ssyncadd.s32 $0xFFFFF000  }
0x17: {  	[spmem:s2] =	stream.indirect.scatter.add.f32 [tilespmem:s1], [sflag:$0x9], $0x20, s0, s17, $0xb8;
	[tilespmem:$0x13000] =	vst v63  }
0x18: {  	_ =	swait.ge [sflag:s15], $0x1000  }
0x19: {  	[sflag:s15] =	ssyncset.done $0x0  }
0x1a: {  	s29 =	stileid.u32;
	[sflag:s15] =	ssyncadd.s32 $0xFFFFF000  }
0x1b: {  	s0 =	sshll.u32 s29, $0x6;
	[bflag:$0x0] =	sbarrier.arrive $0xFFFF  }
0x1c: {  	s0 =	sor.u32 $0x1C09, s0;
	s6 =	rddreg [dreg:$0x5]  }
0x1d: {  	[hbm:s6], [sflag:s0] =	dma.local [spmem:s25], $0xA00  }
0x1e: {  	_ =	swait.ge [sflag:s15], $0xA00  }
0x1f: {  	s3 =	sadd.s32 $0x1, s3;
	s30 =	rddreg [dreg:$0x6]  }
0x20: {  	p0 =	sne.s32 s3, s30  }
.Ltmp1:
0x21: {  	_ = 	snop;
	(pc) =	sbr.rel @!p0 .LBB2_7-.Ltmp1, $3  }
0x22: {  	_ =	sdelay $0x1  }
0x23: {  	[sflag:s15] =	ssyncset.done $0x0  }
0x24: {  	[sflag:s15] =	ssyncadd.s32 $0xFFFFF600  }
.LBB2_1:
0x25: {  	s0 =	simm.s32 $0x80;
	s6 =	simm.s32 $0x0  }
.LBB2_2:
0x26: {  	p0 =	sne.s32 s0, $0x3F80;
	[tilespmem:s6+$0xD000] =	vst v0;
	s7 =	smov.u32 s0;
	s0 =	sadd.s32 $0x80, s0  }
.Ltmp2:
0x27: {  	[tilespmem:s6+$0xD010] =	vst v0;
	(pc) =	sbr.rel @p0 .LBB2_2-.Ltmp2, $2  }
0x28: {  	_ =	sdelay $0x2  }
0x29: {  	s6 =	sshra.s32 s7, $0x2  }
0x2a: {  	[tilespmem:s6+$0xD000] =	vst v0  }
0x2b: {  	[tilespmem:s6+$0xD010] =	vst v0  }
0x2c: {  	[spmem:s5] =	stream.linear.scatter [tilespmem:s14], [sflag:$0x9], $0x1000, $0x38;
	[tilespmem:$0x13000] =	vst v63  }
0x2d: {  	_ =	swait.ge [sflag:s15], $0x1000  }
0x2e: {  	[sflag:s15] =	ssyncset.done $0x0  }
0x2f: {  	s0 =	rddreg [dreg:$0x7];
	[sflag:s15] =	ssyncadd.s32 $0xFFFFF000  }
0x30: {  	[spmem:s0] =	stream.linear.scatter [tilespmem:s14], [sflag:$0x9], $0x1000, $0x38;
	[tilespmem:$0x13000] =	vst v63  }
0x31: {  	_ =	swait.ge [sflag:s15], $0x1000  }
0x32: {  	[sflag:s15] =	ssyncset.done $0x0  }
0x33: {  	[sflag:s15] =	ssyncadd.s32 $0xFFFFF000  }
0x34: {  	[spmem:s11] =	stream.linear.scatter [tilespmem:s14], [sflag:$0x9], $0x1000, $0x38;
	[tilespmem:$0x13000] =	vst v63  }
0x35: {  	_ =	swait.ge [sflag:s15], $0x1000  }
0x36: {  	[sflag:s15] =	ssyncset.done $0x0  }
0x37: {  	[sflag:s15] =	ssyncadd.s32 $0xFFFFF000  }
0x38: {  	[spmem:s12] =	stream.linear.scatter [tilespmem:s14], [sflag:$0x9], $0x1000, $0x38;
	[tilespmem:$0x13000] =	vst v63  }
0x39: {  	_ =	swait.ge [sflag:s15], $0x1000  }
0x3a: {  	[sflag:s15] =	ssyncset.done $0x0  }
0x3b: {  	[sflag:s15] =	ssyncadd.s32 $0xFFFFF000  }
0x3c: {  	[spmem:s13] =	stream.linear.scatter [tilespmem:s14], [sflag:$0x9], $0x1000, $0x38;
	[tilespmem:$0x13000] =	vst v63  }
0x3d: {  	_ =	swait.ge [sflag:s15], $0x1000  }
0x3e: {  	[sflag:s15] =	ssyncset.done $0x0  }
0x3f: {  	s24 =	simm.s32 $0x0;
	s10 =	rddreg [dreg:$0x3];
	[sflag:s15] =	ssyncadd.s32 $0xFFFFF000  }
0x40: {  	[tilespmem:s24], [sflag:$0x9] =	stream.linear.gather [hbm4b:s10+s24], $0x2800, $0x38;
	[tilespmem:$0x13000] =	vst v63  }
0x41: {  	_ =	swait.ge [sflag:s15], $0x2800  }
0x42: {  	[sflag:s15] =	ssyncset.done $0x0  }
0x43: {  	s29 =	simm.s32 $0x2800;
	s28 =	rddreg [dreg:$0x4];
	[sflag:s15] =	ssyncadd.s32 $0xFFFFD800  }
0x44: {  	[tilespmem:s29], [sflag:$0x9] =	stream.linear.gather [hbm4b:s28+s24], $0x2800, $0x38;
	[tilespmem:$0x13000] =	vst v63  }
0x45: {  	_ =	swait.ge [sflag:s15], $0x2800  }
0x46: {  	[sflag:s15] =	ssyncset.done $0x0  }
0x47: {  	[sflag:s15] =	ssyncadd.s32 $0xFFFFD800  }
0x48: {  	[tilespmem:s18], [sflag:$0x1] =	stream.indirect.gather [hbm4b:s4+s17], $0x20, s24, s17, $0xb8;
	[tilespmem:$0x13000] =	vst v63  }
0x49: {  	s30 =	simm.s32 $0x6000  }
0x4a: {  	[tilespmem:s30], [sflag:$0x2] =	stream.indirect.gather [hbm4b:s4+s17], $0x20, s17, s17, $0xb8;
	[tilespmem:$0x13000] =	vst v63  }
0x4b: {  	s6 =	simm.s32 $0x100  }
0x4c: {  	[tilespmem:s21], [sflag:$0x3] =	stream.indirect.gather [hbm4b:s4+s17], $0x20, s6, s17, $0xb8;
	[tilespmem:$0x13000] =	vst v63  }
0x4d: {  	s7 =	simm.s32 $0x180;
	s8 =	simm.s32 $0x8000  }
0x4e: {  	[tilespmem:s8], [sflag:$0x4] =	stream.indirect.gather [hbm4b:s4+s17], $0x20, s7, s17, $0xb8;
	[tilespmem:$0x13000] =	vst v63  }
0x4f: {  	s9 =	simm.s32 $0x200  }
0x50: {  	[tilespmem:s26], [sflag:$0x5] =	stream.indirect.gather [hbm4b:s4+s17], $0x20, s9, s17, $0xb8;
	[tilespmem:$0x13000] =	vst v63  }
0x51: {  	s10 =	simm.s32 $0x280;
	s28 =	simm.s32 $0xA000  }
0x52: {  	[tilespmem:s28], [sflag:$0x6] =	stream.indirect.gather [hbm4b:s4+s17], $0x20, s10, s17, $0xb8;
	[tilespmem:$0x13000] =	vst v63  }
0x53: {  	s29 =	simm.s32 $0x300  }
0x54: {  	[tilespmem:s31], [sflag:$0x7] =	stream.indirect.gather [hbm4b:s4+s17], $0x20, s29, s17, $0xb8;
	[tilespmem:$0x13000] =	vst v63  }
0x55: {  	s30 =	simm.s32 $0x380  }
0x56: {  	[tilespmem:s1], [sflag:$0x8] =	stream.indirect.gather [hbm4b:s4+s17], $0x20, s30, s17, $0xb8;
	[tilespmem:$0x13000] =	vst v63  }
0x57: {  	[bflag:$0x0] =	sbarrier.arrive $0xFFFF  }
.LBB2_4:
0x58: {  	_ =	swait.ge [sflag:s16], $0x1000  }
0x59: {  	s28 =	sshra.s32 s24, $0x2;
	[sflag:s16] =	ssyncset.done $0x0  }
0x5a: {  	s0 =	sadd.s32 $0x2800, s28;
	[sflag:s16] =	ssyncadd.s32 $0xFFFFF000  }
0x5b: {  	[spmem:s2] =	stream.indirect.scatter.add.f32 [tilespmem:s18], [sflag:$0x9], $0x20, s0, s17, $0xb8;
	[tilespmem:$0x13000] =	vst v63  }
0x5c: {  	_ =	swait.ge [sflag:s15], $0x1000  }
0x5d: {  	p0 =	seq.s32 s24, $0x9000;
	[sflag:s15] =	ssyncset.done $0x0  }
0x5e: {  	s0 =	simm.s32 @p0 $0x2;
	[sflag:s15] =	ssyncadd.s32 $0xFFFFF000  }
0x5f: {  	_ =	swait.ge @p0 [sflag:s0], $0x1000  }
0x60: {  	[sflag:s0] =	ssyncset.done @p0 $0x0  }
0x61: {  	[sflag:s0] =	ssyncadd.s32 @p0 $0xFFFFF000;
	s0 =	sshra.s32 @p0 s24, $0x2  }
0x62: {  	s6 =	simm.s32 @p0 $0x80;
	s8 =	simm.s32 @p0 $0x6000;
	s7 =	sadd.s32 @p0 $0x2880, s0  }
0x63: {  	[spmem:s2] =	stream.indirect.scatter.add.f32 @p0 [tilespmem:s8], [sflag:$0x9], $0x20, s7, s6, $0xb8;
	[tilespmem:$0x13000] =	vst v63  }
0x64: {  	s7 =	simm.s32 @p0 $0x9  }
0x65: {  	_ =	swait.ge @p0 [sflag:s7], $0x1000  }
0x66: {  	s29 =	sshra.s32 @!p0 s24, $0x2;
	s30 =	simm.s32 @!p0 $0x80;
	[sflag:s7] =	ssyncset.done @p0 $0x0  }
0x67: {  	s9 =	simm.s32 @!p0 $0x5000;
	s8 =	sadd.s32 @!p0 $0x400, s29;
	[sflag:s7] =	ssyncadd.s32 @p0 $0xFFFFF000  }
0x68: {  	[tilespmem:s9], [sflag:$0x1] =	stream.indirect.gather @!p0 [hbm4b:s4+s30], $0x20, s8, s30, $0xb8;
	[tilespmem:$0x13000] =	vst v63  }
0x69: {  	s8 =	simm.s32 @!p0 $0x2  }
0x6a: {  	_ =	swait.ge @!p0 [sflag:s8], $0x1000  }
0x6b: {  	[sflag:s8] =	ssyncset.done @!p0 $0x0  }
0x6c: {  	s9 =	simm.s32 @!p0 $0x6000;
	[sflag:s8] =	ssyncadd.s32 @!p0 $0xFFFFF000;
	s8 =	sadd.s32 @!p0 $0x2880, s29  }
0x6d: {  	[spmem:s2] =	stream.indirect.scatter.add.f32 @!p0 [tilespmem:s9], [sflag:$0x9], $0x20, s8, s30, $0xb8;
	[tilespmem:$0x13000] =	vst v63  }
0x6e: {  	s8 =	simm.s32 @!p0 $0x9  }
0x6f: {  	_ =	swait.ge @!p0 [sflag:s8], $0x1000  }
0x70: {  	[sflag:s8] =	ssyncset.done @!p0 $0x0  }
0x71: {  	s10 =	sadd.s32 @!p0 $0x480, s29;
	[sflag:s8] =	ssyncadd.s32 @!p0 $0xFFFFF000  }
0x72: {  	[tilespmem:s9], [sflag:$0x2] =	stream.indirect.gather @!p0 [hbm4b:s4+s30], $0x20, s10, s30, $0xb8;
	[tilespmem:$0x13000] =	vst v63  }
0x73: {  	_ =	swait.ge [sflag:s19], $0x1000  }
0x74: {  	[sflag:s19] =	ssyncset.done $0x0  }
0x75: {  	s10 =	sadd.s32 $0x2900, s28;
	[sflag:s19] =	ssyncadd.s32 $0xFFFFF000  }
0x76: {  	[spmem:s2] =	stream.indirect.scatter.add.f32 [tilespmem:s21], [sflag:$0x9], $0x20, s10, s17, $0xb8;
	[tilespmem:$0x13000] =	vst v63  }
0x77: {  	_ =	swait.ge [sflag:s15], $0x1000  }
0x78: {  	[sflag:s15] =	ssyncset.done $0x0  }
0x79: {  	s9 =	simm.s32 @p0 $0x4;
	[sflag:s15] =	ssyncadd.s32 $0xFFFFF000  }
0x7a: {  	_ =	swait.ge @p0 [sflag:s9], $0x1000  }
0x7b: {  	[sflag:s9] =	ssyncset.done @p0 $0x0  }
0x7c: {  	s10 =	simm.s32 @p0 $0x8000;
	[sflag:s9] =	ssyncadd.s32 @p0 $0xFFFFF000;
	s9 =	sadd.s32 @p0 $0x2980, s0  }
0x7d: {  	[spmem:s2] =	stream.indirect.scatter.add.f32 @p0 [tilespmem:s10], [sflag:$0x9], $0x20, s9, s6, $0xb8;
	[tilespmem:$0x13000] =	vst v63  }
0x7e: {  	_ =	swait.ge @p0 [sflag:s7], $0x1000  }
0x7f: {  	[sflag:s7] =	ssyncset.done @p0 $0x0  }
0x80: {  	s9 =	sadd.s32 @!p0 $0x500, s29;
	s10 =	simm.s32 @!p0 $0x7000;
	[sflag:s7] =	ssyncadd.s32 @p0 $0xFFFFF000  }
0x81: {  	[tilespmem:s10], [sflag:$0x3] =	stream.indirect.gather @!p0 [hbm4b:s4+s30], $0x20, s9, s30, $0xb8;
	[tilespmem:$0x13000] =	vst v63  }
0x82: {  	s9 =	simm.s32 @!p0 $0x4  }
0x83: {  	_ =	swait.ge @!p0 [sflag:s9], $0x1000  }
0x84: {  	[sflag:s9] =	ssyncset.done @!p0 $0x0  }
0x85: {  	s10 =	simm.s32 @!p0 $0x8000;
	[sflag:s9] =	ssyncadd.s32 @!p0 $0xFFFFF000;
	s9 =	sadd.s32 @!p0 $0x2980, s29  }
0x86: {  	[spmem:s2] =	stream.indirect.scatter.add.f32 @!p0 [tilespmem:s10], [sflag:$0x9], $0x20, s9, s30, $0xb8;
	[tilespmem:$0x13000] =	vst v63  }
0x87: {  	_ =	swait.ge @!p0 [sflag:s8], $0x1000  }
0x88: {  	[sflag:s8] =	ssyncset.done @!p0 $0x0  }
0x89: {  	s9 =	sadd.s32 @!p0 $0x580, s29;
	[sflag:s8] =	ssyncadd.s32 @!p0 $0xFFFFF000  }
0x8a: {  	[tilespmem:s10], [sflag:$0x4] =	stream.indirect.gather @!p0 [hbm4b:s4+s30], $0x20, s9, s30, $0xb8;
	[tilespmem:$0x13000] =	vst v63  }
0x8b: {  	_ =	swait.ge [sflag:s20], $0x1000  }
0x8c: {  	[sflag:s20] =	ssyncset.done $0x0  }
0x8d: {  	s10 =	sadd.s32 $0x2A00, s28;
	[sflag:s20] =	ssyncadd.s32 $0xFFFFF000  }
0x8e: {  	[spmem:s2] =	stream.indirect.scatter.add.f32 [tilespmem:s26], [sflag:$0x9], $0x20, s10, s17, $0xb8;
	[tilespmem:$0x13000] =	vst v63  }
0x8f: {  	_ =	swait.ge [sflag:s15], $0x1000  }
0x90: {  	[sflag:s15] =	ssyncset.done $0x0  }
0x91: {  	s9 =	simm.s32 @p0 $0x6;
	[sflag:s15] =	ssyncadd.s32 $0xFFFFF000  }
0x92: {  	_ =	swait.ge @p0 [sflag:s9], $0x1000  }
0x93: {  	[sflag:s9] =	ssyncset.done @p0 $0x0  }
0x94: {  	s0 =	sadd.s32 @p0 $0x2A80, s0;
	[sflag:s9] =	ssyncadd.s32 @p0 $0xFFFFF000;
	s9 =	simm.s32 @p0 $0xA000  }
0x95: {  	[spmem:s2] =	stream.indirect.scatter.add.f32 @p0 [tilespmem:s9], [sflag:$0x9], $0x20, s0, s6, $0xb8;
	[tilespmem:$0x13000] =	vst v63  }
0x96: {  	_ =	swait.ge @p0 [sflag:s7], $0x1000  }
0x97: {  	[sflag:s7] =	ssyncset.done @p0 $0x0  }
0x98: {  	s0 =	sadd.s32 @!p0 $0x600, s29;
	s6 =	simm.s32 @!p0 $0x9000;
	[sflag:s7] =	ssyncadd.s32 @p0 $0xFFFFF000  }
0x99: {  	[tilespmem:s6], [sflag:$0x5] =	stream.indirect.gather @!p0 [hbm4b:s4+s30], $0x20, s0, s30, $0xb8;
	[tilespmem:$0x13000] =	vst v63  }
0x9a: {  	s0 =	simm.s32 @!p0 $0x6  }
0x9b: {  	_ =	swait.ge @!p0 [sflag:s0], $0x1000  }
0x9c: {  	[sflag:s0] =	ssyncset.done @!p0 $0x0  }
0x9d: {  	s6 =	simm.s32 @!p0 $0xA000;
	[sflag:s0] =	ssyncadd.s32 @!p0 $0xFFFFF000;
	s0 =	sadd.s32 @!p0 $0x2A80, s29  }
0x9e: {  	[spmem:s2] =	stream.indirect.scatter.add.f32 @!p0 [tilespmem:s6], [sflag:$0x9], $0x20, s0, s30, $0xb8;
	[tilespmem:$0x13000] =	vst v63  }
0x9f: {  	_ =	swait.ge @!p0 [sflag:s8], $0x1000  }
0xa0: {  	[sflag:s8] =	ssyncset.done @!p0 $0x0  }
0xa1: {  	s0 =	sadd.s32 @!p0 $0x680, s29;
	[sflag:s8] =	ssyncadd.s32 @!p0 $0xFFFFF000  }
0xa2: {  	[tilespmem:s6], [sflag:$0x6] =	stream.indirect.gather @!p0 [hbm4b:s4+s30], $0x20, s0, s30, $0xb8;
	[tilespmem:$0x13000] =	vst v63  }
0xa3: {  	_ =	swait.ge [sflag:s22], $0x1000  }
0xa4: {  	[sflag:s22] =	ssyncset.done $0x0  }
.Ltmp3:
0xa5: {  	s30 =	sadd.s32 $0x2B00, s28;
	[sflag:s22] =	ssyncadd.s32 $0xFFFFF000;
	(pc) =	sbr.rel @p0 .LBB2_6-.Ltmp3, $4  }
0xa6: {  	[spmem:s2] =	stream.indirect.scatter.add.f32 [tilespmem:s31], [sflag:$0x9], $0x20, s30, s17, $0xb8;
	[tilespmem:$0x13000] =	vst v63  }
0xa7: {  	_ =	swait.ge [sflag:s15], $0x1000  }
0xa8: {  	[sflag:s15] =	ssyncset.done $0x0  }
0xa9: {  	s0 =	sadd.s32 $0x2B80, s28;
	[sflag:s15] =	ssyncadd.s32 $0xFFFFF000  }
0xaa: {  	s6 =	sadd.s32 $0x700, s28  }
0xab: {  	[tilespmem:s31], [sflag:$0x7] =	stream.indirect.gather [hbm4b:s4+s17], $0x20, s6, s17, $0xb8;
	[tilespmem:$0x13000] =	vst v63  }
0xac: {  	_ =	swait.ge [sflag:s23], $0x1000  }
0xad: {  	[sflag:s23] =	ssyncset.done $0x0  }
0xae: {  	[sflag:s23] =	ssyncadd.s32 $0xFFFFF000  }
0xaf: {  	[spmem:s2] =	stream.indirect.scatter.add.f32 [tilespmem:s1], [sflag:$0x9], $0x20, s0, s17, $0xb8;
	[tilespmem:$0x13000] =	vst v63  }
.Ltmp4:
0xb0: {  	_ = 	snop;
	(pc) =	sbr.rel .LBB2_4-.Ltmp4, $4  }
0xb1: {  	_ =	swait.ge [sflag:s15], $0x1000  }
0xb2: {  	[sflag:s15] =	ssyncset.done $0x0  }
0xb3: {  	s30 =	sadd.s32 $0x780, s28;
	s24 =	sadd.s32 $0x1000, s24;
	[sflag:s15] =	ssyncadd.s32 $0xFFFFF000  }
0xb4: {  	[tilespmem:s1], [sflag:$0x8] =	stream.indirect.gather [hbm4b:s4+s17], $0x20, s30, s17, $0xb8;
	[tilespmem:$0x13000] =	vst v63  }
.LBB2_7:
0xb5: {  	_ =	sfence.sel $0x180000  }
0xb6: {  	[bflag:$0x0] =	sbarrier.arrive $0xFFFF  }
0xb7: {  	_ =	strace $0x9000004A  }
0xb8: {  	s0 =	stileid.u32;
	[bflag:$0x2] =	sbarrier.arrive $0xFFFF  }
0xb9: {  	p0 =	sne.s32 s0, $0x0;
	s0 =	rddreg [dreg:$0x2]  }
0xba: {  	s0 =	sadd.s32 @!p0 $0x100000, s0  }
0xbb: {  	[sflag:s0] =	ssyncadd.tile.s32 @!p0 $0x1;
	_ =	shalt  }
.Lfunc_end2:
_tile_overlayer_lowered:
.L_overlay_start_2:
0xbc: {  	(tag) =	ssettag $0x2  }
0xbd: {  	s0 =	rddreg [dreg:$0x0];
	s2 =	stileid.u32  }
0xbe: {  	s1 =	rddreg [dreg:$0x1];
	p0 =	sne.s32 s2, $0x0  }
0xbf: {  	s3 =	rddreg [dreg:$0x2];
	[bflag:$0x3] =	sbarrier.arrive $0xFFFF;
	s2 =	simm.s32 @!p0 $0x1C09  }
0xc0: {  	[timem:s3], [sflag:s2] =	dma.local @!p0 [hbm:s0], s1  }
0xc1: {  	s0 =	simm.s32 @!p0 $0x9  }
0xc2: {  	_ =	swait.ge @!p0 [sflag:s0], s1  }
0xc3: {  	s1 =	ssub.s32 @!p0 $0x0, s1;
	[sflag:s0] =	ssyncset.done @!p0 $0x0  }
0xc4: {  	[sflag:s0] =	ssyncadd.s32 @!p0 s1  }
0xc5: {  	[bflag:$0x3] =	sbarrier.arrive $0xFFFF  }
0xc6: {  	_ =	shalt  }

// kernel: kernel.7.cloned.1.call-start
scs
__scs_entry_jumppad:
0x0: {  	(pc) =	sbr.rel $0x88, $3  }
0x1: {  	(tag) =	ssettag $0x0;
	lr =	simm.s32 $0x1  }
0x2: {  	[smem:$0x3F9A] =	sst lr;
	_ =	strace $0xD0000000  }
0x3: {  	_ = 	snop  }
0x4: {  	_ = 	snop  }
0x5: {  	_ = 	snop  }
0x6: {  	_ = 	snop  }
0x7: {  	_ = 	snop  }
__scs_overlays_trampoline_lowered:
0x8: {  	[smem:$0x3FA9] =	sst s0  }
0x9: {  	[smem:$0x3FAA] =	sst s1  }
0xa: {  	[smem:$0x3FAB] =	sst s2  }
0xb: {  	[smem:$0x3FAC] =	sst s3  }
0xc: {  	[smem:$0x3FAD] =	sst s4  }
0xd: {  	[smem:$0x3FAE] =	sst s5  }
0xe: {  	[smem:$0x3FAF] =	sst s6  }
0xf: {  	[smem:$0x3FB0] =	sst s7  }
0x10: {  	[smem:$0x3FB1] =	sst s8  }
0x11: {  	[smem:$0x3FB2] =	sst s9;
	s0 =	simm.s32 @!p0 $0x0  }
0x12: {  	s1 =	sld [smem:$0x3F98];
	s0 =	simm.s32 @p0 $0x1  }
0x13: {  	[smem:$0x3FB3] =	sst s0;
	s0 =	simm.s32 @!p1 $0x0  }
0x14: {  	s2 =	sld [smem:$0x3F97];
	s0 =	simm.s32 @p1 $0x1  }
0x15: {  	[smem:$0x3FB4] =	sst s0;
	s0 =	simm.s32 @!p2 $0x0  }
0x16: {  	s3 =	sld [smem:$0x3FDB];
	s0 =	simm.s32 @p2 $0x1  }
0x17: {  	s4 =	simm.s32 $0x1BF5;
	[smem:$0x3FB6] =	sst s0  }
0x18: {  	s0 =	sld [smem:$0x3F99];
	_ =	swait.ge [sflag:s4], $0x0  }
0x19: {  	s7 =	sld [smem:$0x3F9A]  }
0x1a: {  	s8 =	sadd.s32 $0xFFFFE003, lr  }
0x1b: {  	s9 =	sadd.s32 $0xFFFFFEF7, lr;
	s5 =	simm.s32 $0xFFFFFFFF;
	p2 =	slt.u32 s8, $0xFFFFF086  }
0x1c: {  	p1 =	slt.u32 s9, $0xF7A;
	s5 =	simm.s32 @!p2 $0x0  }
0x1d: {  	s5 =	simm.s32 @p1 $0x1;
	p0 =	seq.s32 s7, s2  }
0x1e: {  	s7 =	smul.u32 @!p0 $0xF7A, s2;
	p2 =	seq.s32 @!p0 s5, $0x0  }
0x1f: {  	s9 =	smul.u32 $0xF7A, s1;
	s8 =	simm.s32 @!p0 $0x1BF5;
	p2 =	por !p2, p0  }
0x20: {  	[sflag:s8] =	ssyncset.s32 @!p0 $0xFFFFF086;
	s6 =	sadd.s32 @!p0 s3, s7;
	s7 =	simm.s32 @!p0 $0x108  }
0x21: {  	s3 =	sadd.s32 s3, s9;
	s6 =	sadd.s32 @!p0 $0x88, s6;
	s7 =	simm.s32 @p2 $0x1082  }
0x22: {  	[simem:s7], [sflag:s8] =	dma.local @!p0 [hbm:s6], $0xF7A  }
0x23: {  	s9 =	sor.u32 $0xD0000000, s2;
	s6 =	simm.s32 $0x108;
	_ =	swait.ge @!p0 [sflag:s8], $0x0  }
0x24: {  	s3 =	sadd.s32 $0x88, s3;
	s6 =	simm.s32 @!p1 $0x1082;
	[sflag:s4] =	ssyncset.s32 $0xFFFFF086  }
0x25: {  	[simem:s6], [sflag:s4] =	dma.local [hbm:s3], $0xF7A  }
0x26: {  	[smem:$0x3F9A] =	sst s1;
	(tag) =	ssettag s2;
	_ =	strace s9  }
0x27: {  	s1 =	sld [smem:$0x3FAA]  }
0x28: {  	s2 =	sld [smem:$0x3FAB]  }
0x29: {  	s4 =	sld [smem:$0x3FAD]  }
0x2a: {  	p0 =	seq.s32 s5, $0x0;
	s5 =	sld [smem:$0x3FAE]  }
0x2b: {  	s6 =	sld [smem:$0x3FAF]  }
0x2c: {  	s7 =	sld [smem:$0x3FB0]  }
0x2d: {  	s3 =	simm.s32 $0x108;
	s8 =	sld [smem:$0x3FB1]  }
0x2e: {  	s3 =	simm.s32 @!p0 $0x1082;
	s9 =	sld [smem:$0x3FB2]  }
0x2f: {  	lr =	sadd.s32 s0, s3;
	s0 =	sld [smem:$0x3FA9]  }
0x30: {  	s3 =	sld [smem:$0x3FAC]  }
0x31: {  	[smem:$0x3FB5] =	sst s10  }
0x32: {  	s10 =	sld [smem:$0x3FB3];
	_ =	sdelay $0x3  }
0x33: {  	p0 =	seq.s32 s10, $0x1;
	s10 =	sld [smem:$0x3FB5];
	_ =	sdelay $0x3  }
0x34: {  	[smem:$0x3FB5] =	sst s10  }
0x35: {  	s10 =	sld [smem:$0x3FB4];
	_ =	sdelay $0x3  }
0x36: {  	p1 =	seq.s32 s10, $0x1;
	s10 =	sld [smem:$0x3FB5];
	_ =	sdelay $0x3  }
0x37: {  	[smem:$0x3FB5] =	sst s10  }
0x38: {  	s10 =	sld [smem:$0x3FB6]  }
0x39: {  	_ = 	snop;
	(pc) =	sbr.ind lr, $3  }
0x3a: {  	_ = 	snop  }
0x3b: {  	_ = 	snop  }
0x3c: {  	p2 =	seq.s32 s10, $0x1;
	s10 =	sld [smem:$0x3FB5]  }
0x3d: {  	_ =	shalt  }
0x3e: {  	_ =	shalt  }
0x3f: {  	_ =	shalt  }
0x40: {  	_ =	shalt  }
0x41: {  	_ =	shalt  }
0x42: {  	_ =	shalt  }
0x43: {  	_ =	shalt  }
0x44: {  	_ =	shalt  }
0x45: {  	_ =	shalt  }
0x46: {  	_ =	shalt  }
0x47: {  	_ =	shalt  }
0x48: {  	_ =	shalt  }
0x49: {  	_ =	shalt  }
0x4a: {  	_ =	shalt  }
0x4b: {  	_ =	shalt  }
0x4c: {  	_ =	shalt  }
0x4d: {  	_ =	shalt  }
0x4e: {  	_ =	shalt  }
0x4f: {  	_ =	shalt  }
0x50: {  	_ =	shalt  }
0x51: {  	_ =	shalt  }
0x52: {  	_ =	shalt  }
0x53: {  	_ =	shalt  }
0x54: {  	_ =	shalt  }
0x55: {  	_ =	shalt  }
0x56: {  	_ =	shalt  }
0x57: {  	_ =	shalt  }
0x58: {  	_ =	shalt  }
0x59: {  	_ =	shalt  }
0x5a: {  	_ =	shalt  }
0x5b: {  	_ =	shalt  }
0x5c: {  	_ =	shalt  }
0x5d: {  	_ =	shalt  }
0x5e: {  	_ =	shalt  }
0x5f: {  	_ =	shalt  }
0x60: {  	_ =	shalt  }
0x61: {  	_ =	shalt  }
0x62: {  	_ =	shalt  }
0x63: {  	_ =	shalt  }
0x64: {  	_ =	shalt  }
0x65: {  	_ =	shalt  }
0x66: {  	_ =	shalt  }
0x67: {  	_ =	shalt  }
0x68: {  	_ =	shalt  }
0x69: {  	_ =	shalt  }
0x6a: {  	_ =	shalt  }
0x6b: {  	_ =	shalt  }
0x6c: {  	_ =	shalt  }
0x6d: {  	_ =	shalt  }
0x6e: {  	_ =	shalt  }
0x6f: {  	_ =	shalt  }
0x70: {  	_ =	shalt  }
0x71: {  	_ =	shalt  }
0x72: {  	_ =	shalt  }
0x73: {  	_ =	shalt  }
0x74: {  	_ =	shalt  }
0x75: {  	_ =	shalt  }
0x76: {  	_ =	shalt  }
0x77: {  	_ =	shalt  }
0x78: {  	_ =	shalt  }
0x79: {  	_ =	shalt  }
0x7a: {  	_ =	shalt  }
0x7b: {  	_ =	shalt  }
0x7c: {  	_ =	shalt  }
0x7d: {  	_ =	shalt  }
0x7e: {  	_ =	shalt  }
0x7f: {  	_ =	shalt  }
0x80: {  	_ =	shalt  }
0x81: {  	_ =	shalt  }
0x82: {  	_ =	shalt  }
0x83: {  	_ =	shalt  }
0x84: {  	_ =	shalt  }
0x85: {  	_ =	shalt  }
0x86: {  	_ =	shalt  }
0x87: {  	_ =	shalt  }
.Lfunc_end0:
.L_simem_size_0:
called_computation_lowered:
.L_overlay_start_0:
0x88: {  	s2 =	sld [smem:$0x3FD9]  }
0x89: {  	s3 =	sld [smem:$0x3FFE];
	_ =	sdelay $0x1  }
0x8a: {  	s1 =	srdreg.scid  }
0x8b: {  	s0 =	sand.u32 $0x1, s1  }
0x8c: {  	s16 =	sshll.u32 s0, $0xA;
	s2 =	sadd.s32 s3, s2  }
0x8d: {  	s2 =	sadd.s32 s2, s16  }
0x8e: {  	[smem:$0x3FC1] =	sst s2  }
0x8f: {  	_ = 	snop  }
0x90: {  	(tm) =	ssettm $0x1  }
0x91: {  	s17 =	sld [smem:$0x3FFB];
	_ =	sdelay $0x3  }
0x92: {  	_ =	strace s17  }
0x93: {  	s2 =	sld [smem:$0x3FFC];
	_ =	sdelay $0x3  }
0x94: {  	_ =	strace s2  }
0x95: {  	s2 =	sld [smem:$0x3FFD];
	_ =	sdelay $0x3  }
0x96: {  	_ =	strace s2  }
0x97: {  	_ =	strace $0x8FFFFFFF  }
0x98: {  	s18 =	sld [smem:$0x3FDB];
	_ =	sdelay $0x1  }
0x99: {  	s19 =	simm.s32 $_scs_section_size  }
0x9a: {  	s4 =	simm.s32 $_size__tile_overlayer_lowered;
	s5 =	simm.s32 $_tile_overlayer_lowered  }
0x9b: {  	s22 =	simm.s32 $0x1BFF;
	s21 =	sshll.u32 s5, $0x1;
	s2 =	sadd.s32 s19, s18  }
0x9c: {  	s6 =	simm.s32 $0x0;
	s20 =	sshll.u32 s4, $0x1;
	s4 =	sadd.s32 s21, s2  }
0x9d: {  	[timem:s6], [sflag:s22] =	dma.local [hbm:s4], s20  }
0x9e: {  	_ =	swait.ge [sflag:s22], s20  }
0x9f: {  	s3 =	ssub.s32 $0x0, s20;
	[sflag:s22] =	ssyncset.done $0x0  }
0xa0: {  	[sflag:s22] =	ssyncadd.s32 s3;
	_ =	sdelay $0x1  }
0xa1: {  	s23 =	simm.s32 $0x1B8B  }
0xa2: {  	_ =	swait.ge [sflag:s23], $0x1  }
0xa3: {  	[sflag:s23] =	ssyncset.done $0x0  }
0xa4: {  	s25 =	simm.s32 $0x1B8E;
	s24 =	sld [smem:$0x3FFE];
	[sflag:s23] =	ssyncadd.s32 $0xFFFFFFFF  }
0xa5: {  	s26 =	simm.s32 $execute0_lowered;
	[smem:$0x3FD2] =	sst s25  }
0xa6: {  	s4 =	sshll.u32 s26, $0x1;
	_ =	strace $0x80000046;
	[dreg:$0x1] =	wrdreg $0xFFFFFFFF  }
0xa7: {  	s28 =	simm.s32 $_size_execute0_lowered;
	s2 =	sadd.s32 s2, s4;
	[dreg:$0x0] =	wrdreg $0x0  }
0xa8: {  	s4 =	sshll.u32 s28, $0x1;
	[dreg:$0x2] =	wrdreg s2  }
0xa9: {  	[dreg:$0x3] =	wrdreg s4  }
0xaa: {  	[dreg:$0x4] =	wrdreg $0xC0  }
0xab: {  	_ =	task [dreg:s6], $0x5FFFF  }
0xac: {  	[dreg:$0x1] =	wrdreg $0xFFFFFFFF  }
0xad: {  	[dreg:$0x0] =	wrdreg $0x60  }
0xae: {  	[dreg:$0x2] =	wrdreg s24  }
0xaf: {  	[dreg:$0x3] =	wrdreg $0xF8000  }
0xb0: {  	[dreg:$0x4] =	wrdreg $0x148000  }
0xb1: {  	[dreg:$0x5] =	wrdreg $0x9  }
0xb2: {  	_ =	task.clear_ibuf [dreg:s6], $0x6FFFF;
	_ =	strace $0x90000046  }
0xb3: {  	s29 =	simm.s32 $0x9;
	_ =	strace $0x80000048  }
0xb4: {  	_ =	swait.ge [sflag:s29], $0x1  }
0xb5: {  	[sflag:s29] =	ssyncadd.s32 $0xFFFFFFFF  }
0xb6: {  	_ =	strace $0x90000048  }
0xb7: {  	_ =	sfence  }
0xb8: {  	s30 =	sld [smem:$0x0];
	_ =	sdelay $0x2  }
0xb9: {  	s31 =	sshll.u32 s1, $0xD;
	s1 =	sshrl.u32 s1, $0x2  }
0xba: {  	s3 =	sand.u32 $0x4000, s31;
	s1 =	sadd.s32 s1, s30  }
0xbb: {  	s0 =	sor.u32 s3, s0;
	s1 =	sshll.u32 s1, $0x11  }
0xbc: {  	s0 =	sor.u32 s1, s0  }
0xbd: {  	s0 =	sadd.s32 $0x8F2B, s0  }
0xbe: {  	[sflag:s0] =	ssyncadd.remote.s32 $0x1  }
0xbf: {  	_ =	sfence.sel $0xFFFF  }
0xc0: {  	[dreg:$0x0] =	wrdreg $0xFFFFFFFF;
	(pc) =	sbr.abs _section_cstart, $3  }
0xc1: {  	[dreg:$0x1] =	wrdreg $0xFFFFFFFF  }
0xc2: {  	_ =	task.clear_ibuf [dreg:s6], $0x2FFFF;
	_ =	strace $0x9FFFFFFF  }
0xc3: {  	(tm) =	ssettm $0x7FFFFFFF  }
tec
execute0_lowered:
.L_overlay_start_1:
0x0: {  	(tag) =	ssettag $0x1  }
0x1: {  	s0 =	srdreg.scid  }
0x2: {  	s1 =	rddreg [dreg:$0x0];
	s13 =	stileid.u32  }
0x3: {  	s2 =	rddreg [dreg:$0x1];
	s7 =	smul.u32 $0x280, s13  }
0x4: {  	s3 =	rddreg [dreg:$0x2];
	s24 =	smul.u32 $0x14000, s13  }
0x5: {  	s28 =	simm.s32 $0x80;
	s0 =	sand.u32 $0x1, s0;
	s25 =	smul.u32 $0xA000, s13  }
0x6: {  	s29 =	simm.s32 $0x5000;
	s30 =	simm.s32 $0x6000;
	s8 =	smul.u32 $0x4E200, s0  }
0x7: {  	s31 =	simm.s32 $0xA000;
	s4 =	sshll.u32 s0, $0x4;
	s10 =	smul.u32 $0x27100, s0  }
0x8: {  	s0 =	ssub.s32 $0x2, s0;
	s5 =	sor.u32 s13, s4;
	s4 =	simm.s32 $0x0  }
0x9: {  	s9 =	smin.u32 s7, $0x2490;
	s12 =	sshrl.u32 s0, $0x1;
	s16 =	sadd.s32 $0x100, s7  }
0xa: {  	s18 =	sadd.s32 $0x180, s7;
	s22 =	sadd.s32 $0x200, s7;
	s6 =	smul.u32 $0x500, s5  }
0xb: {  	[smem:$0x7FF] =	sst s4;
	s5 =	sadd.s32 $0x16000, s1;
	s11 =	sshll.u32 s9, $0x5  }
0xc: {  	s9 =	sshll.u32 s9, $0x4;
	s0 =	ssub.s32 s0, s12;
	s12 =	sadd.s32 $0x80, s7  }
0xd: {  	s17 =	sshll.u32 s16, $0x5;
	s19 =	sshll.u32 s16, $0x4;
	s20 =	sshll.u32 s18, $0x5  }
0xe: {  	s7 =	sshll.u32 s22, $0x5;
	s16 =	simm.s32 $0x7;
	_ =	strace $0x80000047  }
0xf: {  	s8 =	sadd.s32 s8, s11;
	s10 =	sadd.s32 s10, s9;
	s26 =	sadd.s32 s9, s3  }
0x10: {  	s0 =	smax.u32 s0, $0x1;
	s9 =	sshrl.u32 s24, $0x2;
	s14 =	sshll.u32 s12, $0x5  }
0x11: {  	s15 =	sshll.u32 s12, $0x4;
	s21 =	sadd.s32 s20, s2;
	s24 =	sadd.s32 s7, s2  }
0x12: {  	s7 =	simm.s32 $0xC000;
	s12 =	simm.s32 $0x3;
	[dreg:$0x9] =	wrdreg s0  }
0x13: {  	s6 =	sadd.s32 s6, s1;
	s8 =	sshrl.u32 s8, $0x3;
	[dreg:$0x10] =	wrdreg s21  }
0x14: {  	s10 =	sshrl.u32 s10, $0x3;
	s0 =	sadd.s32 s9, s2;
	[dreg:$0x12] =	wrdreg s24  }
0x15: {  	s26 =	sshrl.u32 s26, $0x3;
	s9 =	simm.s32 $0xD000;
	s8 =	sadd.s32 s8, s1  }
0x16: {  	s1 =	sadd.s32 s10, s1;
	s23 =	sadd.s32 $0xC000, s6;
	[dreg:$0xa] =	wrdreg s0  }
0x17: {  	s6 =	sadd.s32 $0x2000, s6;
	s0 =	sadd.s32 s14, s2;
	[dreg:$0x15] =	wrdreg s26  }
0x18: {  	s26 =	simm.s32 $0x8000;
	s10 =	simm.s32 $0xD800;
	[dreg:$0x5] =	wrdreg s23  }
0x19: {  	s14 =	simm.s32 $0x5;
	[dreg:$0x6] =	wrdreg s6;
	s8 =	sadd.s32 $0x29E00, s8  }
0x1a: {  	s1 =	sadd.s32 $0x20000, s1;
	[dreg:$0xc] =	wrdreg s0;
	s0 =	sadd.s32 s15, s3  }
0x1b: {  	s23 =	sshll.u32 s18, $0x4;
	s15 =	simm.s32 $0x6;
	[dreg:$0x7] =	wrdreg s8  }
0x1c: {  	s18 =	simm.s32 $0x9;
	s8 =	sadd.s32 s11, s2;
	[dreg:$0x8] =	wrdreg s1  }
0x1d: {  	s11 =	sshrl.u32 s25, $0x2;
	[dreg:$0xd] =	wrdreg s0;
	s0 =	sadd.s32 s17, s2  }
0x1e: {  	s6 =	sadd.s32 s23, s3;
	s1 =	simm.s32 $0x7000;
	s17 =	simm.s32 $0x8  }
0x1f: {  	s13 =	sadd.s32 s11, s3;
	[dreg:$0xe] =	wrdreg s0;
	s0 =	sadd.s32 s19, s3  }
0x20: {  	[dreg:$0x11] =	wrdreg s6;
	s25 =	sshrl.u32 s8, $0x3;
	s6 =	simm.s32 $0xB000  }
0x21: {  	s8 =	simm.s32 $0x1;
	s11 =	simm.s32 $0x2;
	[dreg:$0xb] =	wrdreg s13  }
0x22: {  	s19 =	simm.s32 $0xA;
	[dreg:$0xf] =	wrdreg s0;
	s0 =	sshll.u32 s22, $0x4  }
0x23: {  	v0 =	vimm.f32 $0.0e+00;
	vm0 =	vcmask $0x1F00;
	v2 =	vimm.f32 $1.000000000e+00;
	s22 =	simm.s32 $0xB;
	[dreg:$0x14] =	wrdreg s25;
	s0 =	sadd.s32 s0, s3  }
0x24: {  	v1 =	vsel vm0, $0x3F800000, v0;
	v2 =	vsel vm0, $0x0, v2;
	s13 =	simm.s32 $0x4;
	[dreg:$0x13] =	wrdreg s0;
	s0 =	simm.s32 $0x9000  }
.LBB2_1:
0x25: {  	s20 =	simm.s32 $0xE010  }
0x26: {  	[tilespmem:s20+$0xFFFFFFF0] =	vst v0  }
0x27: {  	[dreg:$0x4] =	wrdreg s4;
	s21 =	simm.s32 $0x40;
	s24 =	simm.s32 $0x0;
	[tilespmem:s20+$0x0] =	vst v0  }
.LBB2_2:
0x28: {  	p0 =	sne.s32 s21, $0x1FC0  }
0x29: {  	[tilespmem:s24+$0xD800] =	vst v2;
	s20 =	sadd.s32 $0x20, s20;
	s25 =	smov.u32 s21;
	s21 =	sadd.s32 $0x40, s21  }
.Ltmp0:
0x2a: {  	[tilespmem:s24+$0xF000] =	vst v0;
	(pc) =	sbr.rel @p0 .LBB2_2-.Ltmp0, $3  }
0x2b: {  	[tilespmem:s24+$0xD000] =	vst v1;
	_ =	sdelay $0x1  }
0x2c: {  	[tilespmem:s20+$0xFFFFFFF0] =	vst v0  }
0x2d: {  	s24 =	sshra.s32 s25, $0x2;
	[tilespmem:s20+$0x0] =	vst v0  }
0x2e: {  	[tilespmem:s24+$0xD800] =	vst v2  }
0x2f: {  	[tilespmem:s24+$0xF000] =	vst v0  }
0x30: {  	[tilespmem:s24+$0xD000] =	vst v1;
	s4 =	rddreg [dreg:$0xa];
	s20 =	simm.s32 $0xE000  }
0x31: {  	[spmem:s4] =	stream.linear.scatter [tilespmem:s20], [sflag:$0xB], $0x1000, $0x38;
	[tilespmem:$0x17000] =	vst v63  }
0x32: {  	_ =	swait.ge [sflag:s22], $0x1000  }
0x33: {  	[sflag:s22] =	ssyncset.done $0x0  }
0x34: {  	s21 =	simm.s32 $0xF000;
	s25 =	rddreg [dreg:$0xb];
	[sflag:s22] =	ssyncadd.s32 $0xFFFFF000  }
0x35: {  	[spmem:s25] =	stream.linear.scatter [tilespmem:s21], [sflag:$0xB], $0x800, $0x38;
	[tilespmem:$0x17000] =	vst v63  }
0x36: {  	_ =	swait.ge [sflag:s22], $0x800  }
0x37: {  	[sflag:s22] =	ssyncset.done $0x0  }
0x38: {  	s23 =	rddreg [dreg:$0xc];
	[sflag:s22] =	ssyncadd.s32 $0xFFFFF800  }
0x39: {  	[spmem:s23] =	stream.linear.scatter [tilespmem:s20], [sflag:$0xB], $0x1000, $0x38;
	[tilespmem:$0x17000] =	vst v63  }
0x3a: {  	_ =	swait.ge [sflag:s22], $0x1000  }
0x3b: {  	[sflag:s22] =	ssyncset.done $0x0  }
0x3c: {  	s24 =	rddreg [dreg:$0xd];
	[sflag:s22] =	ssyncadd.s32 $0xFFFFF000  }
0x3d: {  	[spmem:s24] =	stream.linear.scatter [tilespmem:s21], [sflag:$0xB], $0x800, $0x38;
	[tilespmem:$0x17000] =	vst v63  }
0x3e: {  	_ =	swait.ge [sflag:s22], $0x800  }
0x3f: {  	[sflag:s22] =	ssyncset.done $0x0  }
0x40: {  	s25 =	rddreg [dreg:$0xe];
	[sflag:s22] =	ssyncadd.s32 $0xFFFFF800  }
0x41: {  	[spmem:s25] =	stream.linear.scatter [tilespmem:s20], [sflag:$0xB], $0x1000, $0x38;
	[tilespmem:$0x17000] =	vst v63  }
0x42: {  	_ =	swait.ge [sflag:s22], $0x1000  }
0x43: {  	[sflag:s22] =	ssyncset.done $0x0  }
0x44: {  	s23 =	rddreg [dreg:$0xf];
	[sflag:s22] =	ssyncadd.s32 $0xFFFFF000  }
0x45: {  	[spmem:s23] =	stream.linear.scatter [tilespmem:s21], [sflag:$0xB], $0x800, $0x38;
	[tilespmem:$0x17000] =	vst v63  }
0x46: {  	_ =	swait.ge [sflag:s22], $0x800  }
0x47: {  	[sflag:s22] =	ssyncset.done $0x0  }
0x48: {  	s24 =	rddreg [dreg:$0x10];
	[sflag:s22] =	ssyncadd.s32 $0xFFFFF800  }
0x49: {  	[spmem:s24] =	stream.linear.scatter [tilespmem:s20], [sflag:$0xB], $0x1000, $0x38;
	[tilespmem:$0x17000] =	vst v63  }
0x4a: {  	_ =	swait.ge [sflag:s22], $0x1000  }
0x4b: {  	[sflag:s22] =	ssyncset.done $0x0  }
0x4c: {  	s25 =	rddreg [dreg:$0x11];
	[sflag:s22] =	ssyncadd.s32 $0xFFFFF000  }
0x4d: {  	[spmem:s25] =	stream.linear.scatter [tilespmem:s21], [sflag:$0xB], $0x800, $0x38;
	[tilespmem:$0x17000] =	vst v63  }
0x4e: {  	_ =	swait.ge [sflag:s22], $0x800  }
0x4f: {  	[sflag:s22] =	ssyncset.done $0x0  }
0x50: {  	s23 =	rddreg [dreg:$0x12];
	[sflag:s22] =	ssyncadd.s32 $0xFFFFF800  }
0x51: {  	[spmem:s23] =	stream.linear.scatter [tilespmem:s20], [sflag:$0xB], $0x1000, $0x38;
	[tilespmem:$0x17000] =	vst v63  }
0x52: {  	_ =	swait.ge [sflag:s22], $0x1000  }
0x53: {  	[sflag:s22] =	ssyncset.done $0x0  }
0x54: {  	s24 =	rddreg [dreg:$0x13];
	[sflag:s22] =	ssyncadd.s32 $0xFFFFF000  }
0x55: {  	[spmem:s24] =	stream.linear.scatter [tilespmem:s21], [sflag:$0xB], $0x800, $0x38;
	[tilespmem:$0x17000] =	vst v63  }
0x56: {  	_ =	swait.ge [sflag:s22], $0x800  }
0x57: {  	[sflag:s22] =	ssyncset.done $0x0  }
0x58: {  	s20 =	simm.s32 $0x0;
	s25 =	rddreg [dreg:$0x5];
	[sflag:s22] =	ssyncadd.s32 $0xFFFFF800  }
0x59: {  	[tilespmem:s20], [sflag:$0xB] =	stream.linear.gather [hbm4b:s25+s20], $0x2800, $0x38;
	[tilespmem:$0x17000] =	vst v63  }
0x5a: {  	_ =	swait.ge [sflag:s22], $0x2800  }
0x5b: {  	[sflag:s22] =	ssyncset.done $0x0  }
0x5c: {  	s23 =	simm.s32 $0x2800;
	s21 =	rddreg [dreg:$0x6];
	[sflag:s22] =	ssyncadd.s32 $0xFFFFD800  }
0x5d: {  	[tilespmem:s23], [sflag:$0xB] =	stream.linear.gather [hbm4b:s21+s20], $0x2800, $0x38;
	[tilespmem:$0x17000] =	vst v63  }
0x5e: {  	_ =	swait.ge [sflag:s22], $0x2800  }
0x5f: {  	[sflag:s22] =	ssyncset.done $0x0  }
0x60: {  	[sflag:s22] =	ssyncadd.s32 $0xFFFFD800  }
0x61: {  	[tilespmem:s29], [sflag:$0x1] =	stream.indirect.gather [hbm4b:s5+s28], $0x20, s20, s28, $0xb8;
	[tilespmem:$0x17000] =	vst v63  }
0x62: {  	_ = 	snop  }
0x63: {  	[tilespmem:s30], [sflag:$0x2] =	stream.indirect.gather [hbm4b:s5+s28], $0x20, s28, s28, $0xb8;
	[tilespmem:$0x17000] =	vst v63  }
0x64: {  	s24 =	simm.s32 $0x100  }
0x65: {  	[tilespmem:s1], [sflag:$0x3] =	stream.indirect.gather [hbm4b:s5+s28], $0x20, s24, s28, $0xb8;
	[tilespmem:$0x17000] =	vst v63  }
0x66: {  	s25 =	simm.s32 $0x180  }
0x67: {  	[tilespmem:s26], [sflag:$0x4] =	stream.indirect.gather [hbm4b:s5+s28], $0x20, s25, s28, $0xb8;
	[tilespmem:$0x17000] =	vst v63  }
0x68: {  	s21 =	simm.s32 $0x200  }
0x69: {  	[tilespmem:s0], [sflag:$0x5] =	stream.indirect.gather [hbm4b:s5+s28], $0x20, s21, s28, $0xb8;
	[tilespmem:$0x17000] =	vst v63  }
0x6a: {  	s23 =	simm.s32 $0x280  }
0x6b: {  	[tilespmem:s31], [sflag:$0x6] =	stream.indirect.gather [hbm4b:s5+s28], $0x20, s23, s28, $0xb8;
	[tilespmem:$0x17000] =	vst v63  }
0x6c: {  	s24 =	simm.s32 $0x300  }
0x6d: {  	[tilespmem:s6], [sflag:$0x7] =	stream.indirect.gather [hbm4b:s5+s28], $0x20, s24, s28, $0xb8;
	[tilespmem:$0x17000] =	vst v63  }
0x6e: {  	s25 =	simm.s32 $0x380  }
0x6f: {  	[tilespmem:s7], [sflag:$0x8] =	stream.indirect.gather [hbm4b:s5+s28], $0x20, s25, s28, $0xb8;
	[tilespmem:$0x17000] =	vst v63  }
0x70: {  	[bflag:$0x0] =	sbarrier.arrive $0xFFFF  }
.LBB2_4:
0x71: {  	_ =	swait.ge [sflag:s8], $0x1000  }
0x72: {  	s24 =	sshra.s32 s20, $0x2;
	[sflag:s8] =	ssyncset.done $0x0  }
0x73: {  	s21 =	sadd.s32 $0x2800, s24;
	[sflag:s8] =	ssyncadd.s32 $0xFFFFF000  }
0x74: {  	[spmem:s2] =	stream.indirect.scatter.add.f32 [tilespmem:s29], [sflag:$0xB], $0x20, s21, s28, $0xb8;
	[tilespmem:$0x17000] =	vst v63  }
0x75: {  	_ =	swait.ge [sflag:s22], $0x1000  }
0x76: {  	[sflag:s22] =	ssyncset.done $0x0  }
0x77: {  	p0 =	seq.s32 s20, $0x9000;
	[sflag:s22] =	ssyncadd.s32 $0xFFFFF000  }
0x78: {  	[spmem:s3] =	stream.indirect.scatter.add.f32 [tilespmem:s9], [sflag:$0x9], $0x10, s21, s28, $0xb8;
	[tilespmem:$0x17000] =	vst v63  }
0x79: {  	s25 =	sshra.s32 @!p0 s20, $0x2  }
0x7a: {  	[spmem:s3] =	stream.indirect.scatter.add.f32 [tilespmem:s10], [sflag:$0xA], $0x10, s24, s28, $0xb8;
	[tilespmem:$0x17000] =	vst v63  }
0x7b: {  	s4 =	simm.s32 @!p0 $0x5000;
	s23 =	sadd.s32 @!p0 $0x400, s25;
	s21 =	simm.s32 @!p0 $0x80  }
0x7c: {  	[tilespmem:s4], [sflag:$0x1] =	stream.indirect.gather @!p0 [hbm4b:s5+s21], $0x20, s23, s21, $0xb8;
	[tilespmem:$0x17000] =	vst v63  }
0x7d: {  	_ =	swait.ge [sflag:s11], $0x1000  }
0x7e: {  	[sflag:s11] =	ssyncset.done $0x0  }
0x7f: {  	s23 =	sadd.s32 $0x2880, s24;
	[sflag:s11] =	ssyncadd.s32 $0xFFFFF000  }
0x80: {  	[spmem:s2] =	stream.indirect.scatter.add.f32 [tilespmem:s30], [sflag:$0xB], $0x20, s23, s28, $0xb8;
	[tilespmem:$0x17000] =	vst v63  }
0x81: {  	_ =	swait.ge [sflag:s22], $0x1000  }
0x82: {  	[sflag:s22] =	ssyncset.done $0x0  }
0x83: {  	[sflag:s22] =	ssyncadd.s32 $0xFFFFF000  }
0x84: {  	[spmem:s3] =	stream.indirect.scatter.add.f32 [tilespmem:s9], [sflag:$0x9], $0x10, s23, s28, $0xb8;
	[tilespmem:$0x17000] =	vst v63  }
0x85: {  	s23 =	sadd.s32 $0x80, s24  }
0x86: {  	[spmem:s3] =	stream.indirect.scatter.add.f32 [tilespmem:s10], [sflag:$0xA], $0x10, s23, s28, $0xb8;
	[tilespmem:$0x17000] =	vst v63  }
0x87: {  	s4 =	sadd.s32 @!p0 $0x480, s25;
	s23 =	simm.s32 @!p0 $0x6000  }
0x88: {  	[tilespmem:s23], [sflag:$0x2] =	stream.indirect.gather @!p0 [hbm4b:s5+s21], $0x20, s4, s21, $0xb8;
	[tilespmem:$0x17000] =	vst v63  }
0x89: {  	_ =	swait.ge [sflag:s12], $0x1000  }
0x8a: {  	[sflag:s12] =	ssyncset.done $0x0  }
0x8b: {  	s23 =	sadd.s32 $0x2900, s24;
	[sflag:s12] =	ssyncadd.s32 $0xFFFFF000  }
0x8c: {  	[spmem:s2] =	stream.indirect.scatter.add.f32 [tilespmem:s1], [sflag:$0xB], $0x20, s23, s28, $0xb8;
	[tilespmem:$0x17000] =	vst v63  }
0x8d: {  	_ =	swait.ge [sflag:s22], $0x1000  }
0x8e: {  	[sflag:s22] =	ssyncset.done $0x0  }
0x8f: {  	[sflag:s22] =	ssyncadd.s32 $0xFFFFF000  }
0x90: {  	[spmem:s3] =	stream.indirect.scatter.add.f32 [tilespmem:s9], [sflag:$0x9], $0x10, s23, s28, $0xb8;
	[tilespmem:$0x17000] =	vst v63  }
0x91: {  	s23 =	sadd.s32 $0x100, s24  }
0x92: {  	[spmem:s3] =	stream.indirect.scatter.add.f32 [tilespmem:s10], [sflag:$0xA], $0x10, s23, s28, $0xb8;
	[tilespmem:$0x17000] =	vst v63  }
0x93: {  	s4 =	sadd.s32 @!p0 $0x500, s25;
	s23 =	simm.s32 @!p0 $0x7000  }
0x94: {  	[tilespmem:s23], [sflag:$0x3] =	stream.indirect.gather @!p0 [hbm4b:s5+s21], $0x20, s4, s21, $0xb8;
	[tilespmem:$0x17000] =	vst v63  }
0x95: {  	_ =	swait.ge [sflag:s13], $0x1000  }
0x96: {  	[sflag:s13] =	ssyncset.done $0x0  }
0x97: {  	s23 =	sadd.s32 $0x2980, s24;
	[sflag:s13] =	ssyncadd.s32 $0xFFFFF000  }
0x98: {  	[spmem:s2] =	stream.indirect.scatter.add.f32 [tilespmem:s26], [sflag:$0xB], $0x20, s23, s28, $0xb8;
	[tilespmem:$0x17000] =	vst v63  }
0x99: {  	_ =	swait.ge [sflag:s22], $0x1000  }
0x9a: {  	[sflag:s22] =	ssyncset.done $0x0  }
0x9b: {  	[sflag:s22] =	ssyncadd.s32 $0xFFFFF000  }
0x9c: {  	[spmem:s3] =	stream.indirect.scatter.add.f32 [tilespmem:s9], [sflag:$0x9], $0x10, s23, s28, $0xb8;
	[tilespmem:$0x17000] =	vst v63  }
0x9d: {  	s23 =	sadd.s32 $0x180, s24  }
0x9e: {  	[spmem:s3] =	stream.indirect.scatter.add.f32 [tilespmem:s10], [sflag:$0xA], $0x10, s23, s28, $0xb8;
	[tilespmem:$0x17000] =	vst v63  }
0x9f: {  	s4 =	sadd.s32 @!p0 $0x580, s25;
	s23 =	simm.s32 @!p0 $0x8000  }
0xa0: {  	[tilespmem:s23], [sflag:$0x4] =	stream.indirect.gather @!p0 [hbm4b:s5+s21], $0x20, s4, s21, $0xb8;
	[tilespmem:$0x17000] =	vst v63  }
0xa1: {  	_ =	swait.ge [sflag:s14], $0x1000  }
0xa2: {  	[sflag:s14] =	ssyncset.done $0x0  }
0xa3: {  	s23 =	sadd.s32 $0x2A00, s24;
	[sflag:s14] =	ssyncadd.s32 $0xFFFFF000  }
0xa4: {  	[spmem:s2] =	stream.indirect.scatter.add.f32 [tilespmem:s0], [sflag:$0xB], $0x20, s23, s28, $0xb8;
	[tilespmem:$0x17000] =	vst v63  }
0xa5: {  	_ =	swait.ge [sflag:s22], $0x1000  }
0xa6: {  	[sflag:s22] =	ssyncset.done $0x0  }
0xa7: {  	[sflag:s22] =	ssyncadd.s32 $0xFFFFF000  }
0xa8: {  	[spmem:s3] =	stream.indirect.scatter.add.f32 [tilespmem:s9], [sflag:$0x9], $0x10, s23, s28, $0xb8;
	[tilespmem:$0x17000] =	vst v63  }
0xa9: {  	s23 =	sadd.s32 $0x200, s24  }
0xaa: {  	[spmem:s3] =	stream.indirect.scatter.add.f32 [tilespmem:s10], [sflag:$0xA], $0x10, s23, s28, $0xb8;
	[tilespmem:$0x17000] =	vst v63  }
0xab: {  	s4 =	sadd.s32 @!p0 $0x600, s25;
	s23 =	simm.s32 @!p0 $0x9000  }
0xac: {  	[tilespmem:s23], [sflag:$0x5] =	stream.indirect.gather @!p0 [hbm4b:s5+s21], $0x20, s4, s21, $0xb8;
	[tilespmem:$0x17000] =	vst v63  }
0xad: {  	_ =	swait.ge [sflag:s15], $0x1000  }
0xae: {  	[sflag:s15] =	ssyncset.done $0x0  }
0xaf: {  	s23 =	sadd.s32 $0x2A80, s24;
	[sflag:s15] =	ssyncadd.s32 $0xFFFFF000  }
0xb0: {  	[spmem:s2] =	stream.indirect.scatter.add.f32 [tilespmem:s31], [sflag:$0xB], $0x20, s23, s28, $0xb8;
	[tilespmem:$0x17000] =	vst v63  }
0xb1: {  	_ =	swait.ge [sflag:s22], $0x1000  }
0xb2: {  	[sflag:s22] =	ssyncset.done $0x0  }
0xb3: {  	[sflag:s22] =	ssyncadd.s32 $0xFFFFF000  }
0xb4: {  	[spmem:s3] =	stream.indirect.scatter.add.f32 [tilespmem:s9], [sflag:$0x9], $0x10, s23, s28, $0xb8;
	[tilespmem:$0x17000] =	vst v63  }
0xb5: {  	s23 =	sadd.s32 $0x280, s24  }
0xb6: {  	[spmem:s3] =	stream.indirect.scatter.add.f32 [tilespmem:s10], [sflag:$0xA], $0x10, s23, s28, $0xb8;
	[tilespmem:$0x17000] =	vst v63  }
0xb7: {  	s4 =	sadd.s32 @!p0 $0x680, s25;
	s23 =	simm.s32 @!p0 $0xA000  }
0xb8: {  	[tilespmem:s23], [sflag:$0x6] =	stream.indirect.gather @!p0 [hbm4b:s5+s21], $0x20, s4, s21, $0xb8;
	[tilespmem:$0x17000] =	vst v63  }
0xb9: {  	_ =	swait.ge [sflag:s16], $0x1000  }
0xba: {  	[sflag:s16] =	ssyncset.done $0x0  }
0xbb: {  	s23 =	sadd.s32 $0x2B00, s24;
	[sflag:s16] =	ssyncadd.s32 $0xFFFFF000  }
0xbc: {  	[spmem:s2] =	stream.indirect.scatter.add.f32 [tilespmem:s6], [sflag:$0xB], $0x20, s23, s28, $0xb8;
	[tilespmem:$0x17000] =	vst v63  }
0xbd: {  	_ =	swait.ge [sflag:s22], $0x1000  }
0xbe: {  	[sflag:s22] =	ssyncset.done $0x0  }
0xbf: {  	[sflag:s22] =	ssyncadd.s32 $0xFFFFF000  }
0xc0: {  	[spmem:s3] =	stream.indirect.scatter.add.f32 [tilespmem:s9], [sflag:$0x9], $0x10, s23, s28, $0xb8;
	[tilespmem:$0x17000] =	vst v63  }
0xc1: {  	s23 =	sadd.s32 $0x300, s24  }
0xc2: {  	[spmem:s3] =	stream.indirect.scatter.add.f32 [tilespmem:s10], [sflag:$0xA], $0x10, s23, s28, $0xb8;
	[tilespmem:$0x17000] =	vst v63  }
0xc3: {  	s4 =	sadd.s32 @!p0 $0x700, s25;
	s23 =	simm.s32 @!p0 $0xB000  }
0xc4: {  	[tilespmem:s23], [sflag:$0x7] =	stream.indirect.gather @!p0 [hbm4b:s5+s21], $0x20, s4, s21, $0xb8;
	[tilespmem:$0x17000] =	vst v63  }
0xc5: {  	_ =	swait.ge [sflag:s17], $0x1000  }
0xc6: {  	[sflag:s17] =	ssyncset.done $0x0  }
0xc7: {  	s23 =	sadd.s32 $0x2B80, s24;
	[sflag:s17] =	ssyncadd.s32 $0xFFFFF000  }
0xc8: {  	[spmem:s2] =	stream.indirect.scatter.add.f32 [tilespmem:s7], [sflag:$0xB], $0x20, s23, s28, $0xb8;
	[tilespmem:$0x17000] =	vst v63  }
0xc9: {  	_ =	swait.ge [sflag:s22], $0x1000  }
.Ltmp1:
0xca: {  	[sflag:s22] =	ssyncset.done $0x0;
	(pc) =	sbr.rel @p0 .LBB2_6-.Ltmp1, $4  }
0xcb: {  	[sflag:s22] =	ssyncadd.s32 $0xFFFFF000  }
0xcc: {  	[spmem:s3] =	stream.indirect.scatter.add.f32 [tilespmem:s9], [sflag:$0x9], $0x10, s23, s28, $0xb8;
	[tilespmem:$0x17000] =	vst v63  }
0xcd: {  	s25 =	sadd.s32 $0x380, s24  }
0xce: {  	[spmem:s3] =	stream.indirect.scatter.add.f32 [tilespmem:s10], [sflag:$0xA], $0x10, s25, s28, $0xb8;
	[tilespmem:$0x17000] =	vst v63  }
.Ltmp2:
0xcf: {  	(pc) =	sbr.rel .LBB2_4-.Ltmp2, $3  }
0xd0: {  	_ =	sdelay $0x1  }
0xd1: {  	s4 =	sadd.s32 $0x780, s24;
	s20 =	sadd.s32 $0x1000, s20  }
0xd2: {  	[tilespmem:s7], [sflag:$0x8] =	stream.indirect.gather [hbm4b:s5+s28], $0x20, s4, s28, $0xb8;
	[tilespmem:$0x17000] =	vst v63  }
.LBB2_6:
0xd3: {  	_ =	swait.ge [sflag:s18], $0x800  }
0xd4: {  	[sflag:s18] =	ssyncset.done $0x0  }
0xd5: {  	[sflag:s18] =	ssyncadd.s32 $0xFFFFF800  }
0xd6: {  	_ =	swait.ge [sflag:s19], $0x800  }
0xd7: {  	s20 =	simm.s32 $0x4F;
	[sflag:s19] =	ssyncset.done $0x0  }
.LBB2_7:
0xd8: {  	p0 =	sne.s32 s20, $0x1;
	s20 =	sadd.s32 $0xFFFFFFFF, s20;
	[sflag:s19] =	ssyncadd.s32 $0xFFFFF800  }
.Ltmp3:
0xd9: {  	_ =	swait.ge [sflag:s18], $0x800;
	(pc) =	sbr.rel @p0 .LBB2_7-.Ltmp3, $4  }
0xda: {  	[sflag:s18] =	ssyncset.done $0x0  }
0xdb: {  	[sflag:s18] =	ssyncadd.s32 $0xFFFFF800  }
0xdc: {  	_ =	swait.ge [sflag:s19], $0x800  }
0xdd: {  	[sflag:s19] =	ssyncset.done $0x0  }
0xde: {  	[sflag:s19] =	ssyncadd.s32 $0xFFFFF800  }
0xdf: {  	s4 =	stileid.u32;
	[bflag:$0x0] =	sbarrier.arrive $0xFFFF  }
0xe0: {  	s4 =	sshll.u32 s4, $0x6;
	s20 =	rddreg [dreg:$0x7]  }
0xe1: {  	s4 =	sor.u32 $0x1C0B, s4;
	s21 =	rddreg [dreg:$0x14]  }
0xe2: {  	[hbm:s20], [sflag:s4] =	dma.local [spmem:s21], $0xA00  }
0xe3: {  	_ =	swait.ge [sflag:s22], $0xA00  }
0xe4: {  	[sflag:s22] =	ssyncset.done $0x0;
	s21 =	rddreg [dreg:$0x8]  }
0xe5: {  	s23 =	rddreg [dreg:$0x15];
	[sflag:s22] =	ssyncadd.s32 $0xFFFFF600  }
0xe6: {  	[hbm:s21], [sflag:s4] =	dma.local [spmem:s23], $0x500  }
0xe7: {  	_ =	swait.ge [sflag:s22], $0x500  }
0xe8: {  	s24 =	rddreg [dreg:$0x4]  }
0xe9: {  	s25 =	rddreg [dreg:$0x9];
	s4 =	sadd.s32 $0x1, s24  }
0xea: {  	p0 =	sne.s32 s4, s25  }
.Ltmp4:
0xeb: {  	_ = 	snop;
	(pc) =	sbr.rel @p0 .LBB2_1-.Ltmp4, $3  }
0xec: {  	_ =	sdelay $0x1  }
0xed: {  	[sflag:s22] =	ssyncset.done $0x0  }
0xee: {  	[sflag:s22] =	ssyncadd.s32 $0xFFFFFB00  }
0xef: {  	_ =	sfence.sel $0x180000  }
0xf0: {  	[bflag:$0x0] =	sbarrier.arrive $0xFFFF  }
0xf1: {  	_ =	strace $0x90000047  }
0xf2: {  	s0 =	stileid.u32;
	[bflag:$0x2] =	sbarrier.arrive $0xFFFF  }
0xf3: {  	p0 =	sne.s32 s0, $0x0;
	s0 =	rddreg [dreg:$0x3]  }
0xf4: {  	s0 =	sadd.s32 @!p0 $0x100000, s0  }
0xf5: {  	[sflag:s0] =	ssyncadd.tile.s32 @!p0 $0x1;
	_ =	shalt  }
.Lfunc_end2:
_tile_overlayer_lowered:
.L_overlay_start_2:
0xf6: {  	(tag) =	ssettag $0x2  }
0xf7: {  	s0 =	rddreg [dreg:$0x0];
	s2 =	stileid.u32  }
0xf8: {  	s1 =	rddreg [dreg:$0x1];
	p0 =	sne.s32 s2, $0x0  }
0xf9: {  	s3 =	rddreg [dreg:$0x2];
	[bflag:$0x3] =	sbarrier.arrive $0xFFFF;
	s2 =	simm.s32 @!p0 $0x1C0B  }
0xfa: {  	[timem:s3], [sflag:s2] =	dma.local @!p0 [hbm:s0], s1  }
0xfb: {  	s0 =	simm.s32 @!p0 $0xB  }
0xfc: {  	_ =	swait.ge @!p0 [sflag:s0], s1  }
0xfd: {  	s1 =	ssub.s32 @!p0 $0x0, s1;
	[sflag:s0] =	ssyncset.done @!p0 $0x0  }
0xfe: {  	[sflag:s0] =	ssyncadd.s32 @!p0 s1  }
0xff: {  	[bflag:$0x3] =	sbarrier.arrive $0xFFFF  }
0x100: {  	_ =	shalt  }

</sc_bundles>
